<compile_context>
chip_gen: v7x
topology: tpu7x:2x2x1
jax: 0.10.2.dev20260603
libtpu: 0.0.44.dev20260713+nightly
codegen_flags: <defaults>
</compile_context>

<pallas_src>
import functools

import jax
import jax.numpy as jnp
from jax import lax
from jax.experimental import pallas as pl
from jax.experimental.pallas import tpu as pltpu
from jax.experimental.pallas import tpu_sc as plsc

_NBUF = 2
_GPP = 8


@functools.lru_cache(maxsize=None)
def _make_sc_kernel(B, D):
    info = plsc.get_sparse_core_info()
    NC, NS, L = info.num_cores, info.num_subcores, info.num_lanes
    NW = NC * NS
    b_per_w = B // NW
    n_groups = b_per_w // L
    n_phases = n_groups // _GPP
    rpp = _GPP * L

    mesh = plsc.VectorSubcoreMesh(core_axis_name="c", subcore_axis_name="s")

    @functools.partial(
        pl.kernel,
        mesh=mesh,
        out_type=jax.ShapeDtypeStruct((B,), jnp.float32),
        compiler_params=pltpu.CompilerParams(needs_layout_passes=False),
        scratch_types=[
            pltpu.VMEM((b_per_w,), jnp.int32),
            pltpu.VMEM((b_per_w,), jnp.int32),
            pltpu.VMEM((_NBUF * rpp, D), jnp.float32),
            pltpu.VMEM((_NBUF * rpp, D), jnp.float32),
            pltpu.VMEM((b_per_w,), jnp.float32),
            pltpu.SemaphoreType.DMA,
        ],
    )
    def sc_kernel(uidx_hbm, iidx_hbm, utab_hbm, itab_hbm, out_hbm,
                  uidx_v, iidx_v, urows, irows, out_v, sem):
        wid = lax.axis_index("s") * NC + lax.axis_index("c")
        base = wid * b_per_w

        pltpu.sync_copy(uidx_hbm.at[pl.ds(base, b_per_w)], uidx_v)
        pltpu.sync_copy(iidx_hbm.at[pl.ds(base, b_per_w)], iidx_v)

        def enqueue_phase(p):
            slot = lax.rem(p, _NBUF) * rpp

            def enqueue_grp(gl, carry):
                iv_u = uidx_v[pl.ds(p * rpp + gl * L, L)]
                iv_i = iidx_v[pl.ds(p * rpp + gl * L, L)]
                for l in range(L):
                    pltpu.async_copy(
                        utab_hbm.at[iv_u[l]], urows.at[slot + gl * L + l], sem)
                    pltpu.async_copy(
                        itab_hbm.at[iv_i[l]], irows.at[slot + gl * L + l], sem)
                return carry

            lax.fori_loop(0, _GPP, enqueue_grp, 0)

        def drain_phase():
            pltpu.make_async_copy(
                utab_hbm.at[pl.ds(0, rpp)], urows.at[pl.ds(0, rpp)], sem
            ).wait()
            pltpu.make_async_copy(
                itab_hbm.at[pl.ds(0, rpp)], irows.at[pl.ds(0, rpp)], sem
            ).wait()

        enqueue_phase(0)

        def phase_body(p, carry):
            @pl.when(p + 1 < n_phases)
            def _():
                enqueue_phase(p + 1)

            drain_phase()

            slot = lax.rem(p, _NBUF) * rpp

            def compute_grp(gl, carry2):
                rows = slot + gl * L + lax.iota(jnp.int32, L)
                acc = jnp.zeros((L,), jnp.float32)
                for d in range(D):
                    cols = jnp.full((L,), d, jnp.int32)
                    u = plsc.load_gather(urows, [rows, cols])
                    v = plsc.load_gather(irows, [rows, cols])
                    acc = acc + u * v
                out_v[pl.ds(p * rpp + gl * L, L)] = acc
                return carry2

            lax.fori_loop(0, _GPP, compute_grp, 0)
            return carry

        lax.fori_loop(0, n_phases, phase_body, 0)

        pltpu.sync_copy(out_v, out_hbm.at[pl.ds(base, b_per_w)])

    return sc_kernel


def kernel(user_idx, item_idx, user_table, item_table):
    B = user_idx.shape[0]
    D = user_table.shape[1]
    uidx = user_idx.astype(jnp.int32)
    iidx = item_idx.astype(jnp.int32)
    out = _make_sc_kernel(B, D)(uidx, iidx, user_table, item_table)
    return out.reshape(B, 1)

# --- scband reference (transcript-rebuilt; emitter-appended) ---
"""Pipeline reference for scband-collaborative-filtering-14551349199468 (READ-ONLY COPY).

The authoritative reference and input builder live on the scoring server;
editing this copy changes nothing except your own understanding.
"""

import jax, jax.numpy as jnp
import numpy as np

NUM_USERS = 1000000
NUM_ITEMS = 1000000
EMBED_DIM = 64
BATCH = 16384


def _xavier_uniform(key, shape):
    fan_in, fan_out = shape[0], shape[1]
    limit = float(np.sqrt(6.0 / (fan_in + fan_out)))
    return jax.random.uniform(key, shape, minval=-limit, maxval=limit, dtype=jnp.float32)


def setup_inputs(seed: int = 0) -> dict:
    key = jax.random.key(seed)
    k1, k2, k3, k4 = jax.random.split(key, 4)
    user_idx = jax.random.randint(k1, (BATCH,), 0, NUM_USERS, dtype=jnp.int64 if jax.config.jax_enable_x64 else jnp.int32)
    item_idx = jax.random.randint(k2, (BATCH,), 0, NUM_ITEMS, dtype=jnp.int64 if jax.config.jax_enable_x64 else jnp.int32)
    user_table = _xavier_uniform(k3, (NUM_USERS, EMBED_DIM))
    item_table = _xavier_uniform(k4, (NUM_ITEMS, EMBED_DIM))
    return {"user_idx": user_idx, "item_idx": item_idx, "user_table": user_table, "item_table": item_table}


def reference(user_idx, item_idx, user_table, item_table):
    # Embedding lookups (gathers)
    user_emb = jnp.take(user_table, user_idx, axis=0)
    item_emb = jnp.take(item_table, item_idx, axis=0)
    # Dropout is identity in eval mode
    score = jnp.sum(user_emb * item_emb, axis=-1, keepdims=True)
    return score

if __name__ == "__main__":
    import jax
    _d = setup_inputs()
    print(jax.jit(kernel)(*tuple(_d.values())))

</pallas_src>

<mosaic_0001>
#map = affine_map<(d0, d1) -> (0)>
#map1 = affine_map<(d0, d1) -> (0, 0)>
module attributes {stable_mosaic.version = 14 : i64} {
  func.func @sc_kernel(%arg0: i32, %arg1: i32, %arg2: memref<16384xi32, #tpu.memory_space<hbm>>, %arg3: memref<16384xi32, #tpu.memory_space<hbm>>, %arg4: memref<1000000x64xf32, #tpu.memory_space<hbm>>, %arg5: memref<1000000x64xf32, #tpu.memory_space<hbm>>, %arg6: memref<16384xf32, #tpu.memory_space<hbm>>, %arg7: memref<512xi32, #tpu.memory_space<vmem>>, %arg8: memref<512xi32, #tpu.memory_space<vmem>>, %arg9: memref<256x64xf32, #tpu.memory_space<vmem>>, %arg10: memref<256x64xf32, #tpu.memory_space<vmem>>, %arg11: memref<512xf32, #tpu.memory_space<vmem>>, %arg12: memref<!tpu.dma_semaphore, #tpu.memory_space<semaphore_mem>>) attributes {dimension_semantics = [#tpu.dimension_semantics<core_parallel>, #tpu.dimension_semantics<subcore_parallel>], iteration_bounds = array<i64: 2, 16>, scalar_prefetch = 0 : i64, scratch_operands = 6 : i64, tpu.core_type = #tpu.core_type<sc_vector_subcore>, window_params = [{transform_indices = #map}, {transform_indices = #map}, {transform_indices = #map1}, {transform_indices = #map1}, {transform_indices = #map}]} {
    %mul3A = arith.constant 2 : i32
    %mul3A_0 = arith.muli %arg1, %mul3A : i32
    %add3A = arith.addi %mul3A_0, %arg0 : i32
    %mul3A_1 = arith.constant 512 : i32
    %mul3A_2 = arith.muli %add3A, %mul3A_1 : i32
    "tpu.region"() ({
      %run_scoped3A = tpu.sem_alloc : memref<!tpu.dma_semaphore, #tpu.memory_space<semaphore_mem>>
      %dma_start3A = tpu.memref_slice %arg2[%mul3A_2] : memref<16384xi32, #tpu.memory_space<hbm>> -> memref<512xi32, #tpu.memory_space<hbm>>
      %dma_start3A_18 = tpu.memref_slice %arg2[%mul3A_2] : memref<16384xi32, #tpu.memory_space<hbm>> -> memref<512xi32, #tpu.memory_space<hbm>>
      tpu.enqueue_dma source(%dma_start3A_18 : memref<512xi32, #tpu.memory_space<hbm>>) target(%arg7 : memref<512xi32, #tpu.memory_space<vmem>>) target_semaphore(%run_scoped3A : memref<!tpu.dma_semaphore, #tpu.memory_space<semaphore_mem>>)
      %dma_wait3A = tpu.memref_slice %arg2[%mul3A_2] : memref<16384xi32, #tpu.memory_space<hbm>> -> memref<512xi32, #tpu.memory_space<hbm>>
      %dma_wait3A_19 = tpu.memref_slice %arg2[%mul3A_2] : memref<16384xi32, #tpu.memory_space<hbm>> -> memref<512xi32, #tpu.memory_space<hbm>>
      tpu.wait_dma2 semaphore(%run_scoped3A : memref<!tpu.dma_semaphore, #tpu.memory_space<semaphore_mem>>) src(%dma_wait3A_19 : memref<512xi32, #tpu.memory_space<hbm>>) dst(%arg7 : memref<512xi32, #tpu.memory_space<vmem>>)
      tpu.yield
    }) : () -> ()
    "tpu.region"() ({
      %run_scoped3A = tpu.sem_alloc : memref<!tpu.dma_semaphore, #tpu.memory_space<semaphore_mem>>
      %dma_start3A = tpu.memref_slice %arg3[%mul3A_2] : memref<16384xi32, #tpu.memory_space<hbm>> -> memref<512xi32, #tpu.memory_space<hbm>>
      %dma_start3A_18 = tpu.memref_slice %arg3[%mul3A_2] : memref<16384xi32, #tpu.memory_space<hbm>> -> memref<512xi32, #tpu.memory_space<hbm>>
      tpu.enqueue_dma source(%dma_start3A_18 : memref<512xi32, #tpu.memory_space<hbm>>) target(%arg8 : memref<512xi32, #tpu.memory_space<vmem>>) target_semaphore(%run_scoped3A : memref<!tpu.dma_semaphore, #tpu.memory_space<semaphore_mem>>)
      %dma_wait3A = tpu.memref_slice %arg3[%mul3A_2] : memref<16384xi32, #tpu.memory_space<hbm>> -> memref<512xi32, #tpu.memory_space<hbm>>
      %dma_wait3A_19 = tpu.memref_slice %arg3[%mul3A_2] : memref<16384xi32, #tpu.memory_space<hbm>> -> memref<512xi32, #tpu.memory_space<hbm>>
      tpu.wait_dma2 semaphore(%run_scoped3A : memref<!tpu.dma_semaphore, #tpu.memory_space<semaphore_mem>>) src(%dma_wait3A_19 : memref<512xi32, #tpu.memory_space<hbm>>) dst(%arg8 : memref<512xi32, #tpu.memory_space<vmem>>)
      tpu.yield
    }) : () -> ()
    %rem3A = arith.constant 0 : i32
    %rem3A_3 = arith.constant 2 : i32
    %rem3A_4 = arith.remsi %rem3A, %rem3A_3 : i32
    %mul3A_5 = arith.constant 128 : i32
    %mul3A_6 = arith.muli %rem3A_4, %mul3A_5 : i32
    %scan3A = arith.constant 0 : i32
    %scan3A_7 = arith.constant 0 : i32
    %scan3A_8 = arith.constant 8 : i32
    %scan3A_9 = arith.addi %scan3A_7, %scan3A_8 : i32
    %scan3A_10 = arith.constant 1 : i32
    scf.for %scan3A_18 = %scan3A_7 to %scan3A_9 step %scan3A_10  : i32 {
      %mul3A_19 = arith.constant 16 : i32
      %mul3A_20 = arith.muli %scan3A_18, %mul3A_19 : i32
      %add3A_21 = arith.constant 0 : i32
      %add3A_22 = arith.addi %add3A_21, %mul3A_20 : i32
      %get3A = arith.index_cast %add3A_22 : i32 to index
      %get3A_23 = tpu.vector_load %arg7[%get3A] {strides = array<i32>} : memref<512xi32, #tpu.memory_space<vmem>>, vector<16xi32>,
      %mul3A_24 = arith.constant 16 : i32
      %mul3A_25 = arith.muli %scan3A_18, %mul3A_24 : i32
      %add3A_26 = arith.constant 0 : i32
      %add3A_27 = arith.addi %add3A_26, %mul3A_25 : i32
      %get3A_28 = arith.index_cast %add3A_27 : i32 to index
      %get3A_29 = tpu.vector_load %arg8[%get3A_28] {strides = array<i32>} : memref<512xi32, #tpu.memory_space<vmem>>, vector<16xi32>,
      %slice3A = vector.extract_strided_slice %get3A_23 {offsets = [0], sizes = [1], strides = [1]} : vector<16xi32> to vector<1xi32>
      %squeeze3A = vector.extract %slice3A[0] : i32 from vector<1xi32>
      %mul3A_30 = arith.constant 16 : i32
      %mul3A_31 = arith.muli %scan3A_18, %mul3A_30 : i32
      %add3A_32 = arith.addi %mul3A_6, %mul3A_31 : i32
      %add3A_33 = arith.constant 0 : i32
      %add3A_34 = arith.addi %add3A_32, %add3A_33 : i32
      %dma_start3A = arith.constant 0 : i32
      %dma_start3A_35 = tpu.memref_slice %arg9[%add3A_34, %dma_start3A] : memref<256x64xf32, #tpu.memory_space<vmem>> -> memref<1x64xf32, #tpu.memory_space<vmem>>
      %dma_start3A_36 = tpu.memref_squeeze %dma_start3A_35 : memref<1x64xf32, #tpu.memory_space<vmem>> -> memref<64xf32, #tpu.memory_space<vmem>>
      %dma_start3A_37 = arith.constant 0 : i32
      %dma_start3A_38 = tpu.memref_slice %arg4[%squeeze3A, %dma_start3A_37] : memref<1000000x64xf32, #tpu.memory_space<hbm>> -> memref<1x64xf32, #tpu.memory_space<hbm>>
      %dma_start3A_39 = tpu.memref_squeeze %dma_start3A_38 : memref<1x64xf32, #tpu.memory_space<hbm>> -> memref<64xf32, #tpu.memory_space<hbm>>
      %dma_start3A_40 = arith.constant 0 : i32
      %dma_start3A_41 = tpu.memref_slice %arg9[%add3A_34, %dma_start3A_40] : memref<256x64xf32, #tpu.memory_space<vmem>> -> memref<1x64xf32, #tpu.memory_space<vmem>>
      %dma_start3A_42 = tpu.memref_squeeze %dma_start3A_41 : memref<1x64xf32, #tpu.memory_space<vmem>> -> memref<64xf32, #tpu.memory_space<vmem>>
      %dma_start3A_43 = arith.constant 0 : i32
      %dma_start3A_44 = tpu.memref_slice %arg4[%squeeze3A, %dma_start3A_43] : memref<1000000x64xf32, #tpu.memory_space<hbm>> -> memref<1x64xf32, #tpu.memory_space<hbm>>
      %dma_start3A_45 = tpu.memref_squeeze %dma_start3A_44 : memref<1x64xf32, #tpu.memory_space<hbm>> -> memref<64xf32, #tpu.memory_space<hbm>>
      tpu.enqueue_dma source(%dma_start3A_45 : memref<64xf32, #tpu.memory_space<hbm>>) target(%dma_start3A_42 : memref<64xf32, #tpu.memory_space<vmem>>) target_semaphore(%arg12 : memref<!tpu.dma_semaphore, #tpu.memory_space<semaphore_mem>>)
      %slice3A_46 = vector.extract_strided_slice %get3A_29 {offsets = [0], sizes = [1], strides = [1]} : vector<16xi32> to vector<1xi32>
      %squeeze3A_47 = vector.extract %slice3A_46[0] : i32 from vector<1xi32>
      %mul3A_48 = arith.constant 16 : i32
      %mul3A_49 = arith.muli %scan3A_18, %mul3A_48 : i32
      %add3A_50 = arith.addi %mul3A_6, %mul3A_49 : i32
      %add3A_51 = arith.constant 0 : i32
      %add3A_52 = arith.addi %add3A_50, %add3A_51 : i32
      %dma_start3A_53 = arith.constant 0 : i32
      %dma_start3A_54 = tpu.memref_slice %arg10[%add3A_52, %dma_start3A_53] : memref<256x64xf32, #tpu.memory_space<vmem>> -> memref<1x64xf32, #tpu.memory_space<vmem>>
      %dma_start3A_55 = tpu.memref_squeeze %dma_start3A_54 : memref<1x64xf32, #tpu.memory_space<vmem>> -> memref<64xf32, #tpu.memory_space<vmem>>
      %dma_start3A_56 = arith.constant 0 : i32
      %dma_start3A_57 = tpu.memref_slice %arg5[%squeeze3A_47, %dma_start3A_56] : memref<1000000x64xf32, #tpu.memory_space<hbm>> -> memref<1x64xf32, #tpu.memory_space<hbm>>
      %dma_start3A_58 = tpu.memref_squeeze %dma_start3A_57 : memref<1x64xf32, #tpu.memory_space<hbm>> -> memref<64xf32, #tpu.memory_space<hbm>>
      %dma_start3A_59 = arith.constant 0 : i32
      %dma_start3A_60 = tpu.memref_slice %arg10[%add3A_52, %dma_start3A_59] : memref<256x64xf32, #tpu.memory_space<vmem>> -> memref<1x64xf32, #tpu.memory_space<vmem>>
      %dma_start3A_61 = tpu.memref_squeeze %dma_start3A_60 : memref<1x64xf32, #tpu.memory_space<vmem>> -> memref<64xf32, #tpu.memory_space<vmem>>
      %dma_start3A_62 = arith.constant 0 : i32
      %dma_start3A_63 = tpu.memref_slice %arg5[%squeeze3A_47, %dma_start3A_62] : memref<1000000x64xf32, #tpu.memory_space<hbm>> -> memref<1x64xf32, #tpu.memory_space<hbm>>
      %dma_start3A_64 = tpu.memref_squeeze %dma_start3A_63 : memref<1x64xf32, #tpu.memory_space<hbm>> -> memref<64xf32, #tpu.memory_space<hbm>>
      tpu.enqueue_dma source(%dma_start3A_64 : memref<64xf32, #tpu.memory_space<hbm>>) target(%dma_start3A_61 : memref<64xf32, #tpu.memory_space<vmem>>) target_semaphore(%arg12 : memref<!tpu.dma_semaphore, #tpu.memory_space<semaphore_mem>>)
      %slice3A_65 = vector.extract_strided_slice %get3A_23 {offsets = [1], sizes = [1], strides = [1]} : vector<16xi32> to vector<1xi32>
      %squeeze3A_66 = vector.extract %slice3A_65[0] : i32 from vector<1xi32>
      %mul3A_67 = arith.constant 16 : i32
      %mul3A_68 = arith.muli %scan3A_18, %mul3A_67 : i32
      %add3A_69 = arith.addi %mul3A_6, %mul3A_68 : i32
      %add3A_70 = arith.constant 1 : i32
      %add3A_71 = arith.addi %add3A_69, %add3A_70 : i32
      %dma_start3A_72 = arith.constant 0 : i32
      %dma_start3A_73 = tpu.memref_slice %arg9[%add3A_71, %dma_start3A_72] : memref<256x64xf32, #tpu.memory_space<vmem>> -> memref<1x64xf32, #tpu.memory_space<vmem>>
      %dma_start3A_74 = tpu.memref_squeeze %dma_start3A_73 : memref<1x64xf32, #tpu.memory_space<vmem>> -> memref<64xf32, #tpu.memory_space<vmem>>
      %dma_start3A_75 = arith.constant 0 : i32
      %dma_start3A_76 = tpu.memref_slice %arg4[%squeeze3A_66, %dma_start3A_75] : memref<1000000x64xf32, #tpu.memory_space<hbm>> -> memref<1x64xf32, #tpu.memory_space<hbm>>
      %dma_start3A_77 = tpu.memref_squeeze %dma_start3A_76 : memref<1x64xf32, #tpu.memory_space<hbm>> -> memref<64xf32, #tpu.memory_space<hbm>>
      %dma_start3A_78 = arith.constant 0 : i32
      %dma_start3A_79 = tpu.memref_slice %arg9[%add3A_71, %dma_start3A_78] : memref<256x64xf32, #tpu.memory_space<vmem>> -> memref<1x64xf32, #tpu.memory_space<vmem>>
      %dma_start3A_80 = tpu.memref_squeeze %dma_start3A_79 : memref<1x64xf32, #tpu.memory_space<vmem>> -> memref<64xf32, #tpu.memory_space<vmem>>
      %dma_start3A_81 = arith.constant 0 : i32
      %dma_start3A_82 = tpu.memref_slice %arg4[%squeeze3A_66, %dma_start3A_81] : memref<1000000x64xf32, #tpu.memory_space<hbm>> -> memref<1x64xf32, #tpu.memory_space<hbm>>
      %dma_start3A_83 = tpu.memref_squeeze %dma_start3A_82 : memref<1x64xf32, #tpu.memory_space<hbm>> -> memref<64xf32, #tpu.memory_space<hbm>>
      tpu.enqueue_dma source(%dma_start3A_83 : memref<64xf32, #tpu.memory_space<hbm>>) target(%dma_start3A_80 : memref<64xf32, #tpu.memory_space<vmem>>) target_semaphore(%arg12 : memref<!tpu.dma_semaphore, #tpu.memory_space<semaphore_mem>>)
      %slice3A_84 = vector.extract_strided_slice %get3A_29 {offsets = [1], sizes = [1], strides = [1]} : vector<16xi32> to vector<1xi32>
      %squeeze3A_85 = vector.extract %slice3A_84[0] : i32 from vector<1xi32>
      %mul3A_86 = arith.constant 16 : i32
      %mul3A_87 = arith.muli %scan3A_18, %mul3A_86 : i32
      %add3A_88 = arith.addi %mul3A_6, %mul3A_87 : i32
      %add3A_89 = arith.constant 1 : i32
      %add3A_90 = arith.addi %add3A_88, %add3A_89 : i32
      %dma_start3A_91 = arith.constant 0 : i32
      %dma_start3A_92 = tpu.memref_slice %arg10[%add3A_90, %dma_start3A_91] : memref<256x64xf32, #tpu.memory_space<vmem>> -> memref<1x64xf32, #tpu.memory_space<vmem>>
      %dma_start3A_93 = tpu.memref_squeeze %dma_start3A_92 : memref<1x64xf32, #tpu.memory_space<vmem>> -> memref<64xf32, #tpu.memory_space<vmem>>
      %dma_start3A_94 = arith.constant 0 : i32
      %dma_start3A_95 = tpu.memref_slice %arg5[%squeeze3A_85, %dma_start3A_94] : memref<1000000x64xf32, #tpu.memory_space<hbm>> -> memref<1x64xf32, #tpu.memory_space<hbm>>
      %dma_start3A_96 = tpu.memref_squeeze %dma_start3A_95 : memref<1x64xf32, #tpu.memory_space<hbm>> -> memref<64xf32, #tpu.memory_space<hbm>>
      %dma_start3A_97 = arith.constant 0 : i32
      %dma_start3A_98 = tpu.memref_slice %arg10[%add3A_90, %dma_start3A_97] : memref<256x64xf32, #tpu.memory_space<vmem>> -> memref<1x64xf32, #tpu.memory_space<vmem>>
      %dma_start3A_99 = tpu.memref_squeeze %dma_start3A_98 : memref<1x64xf32, #tpu.memory_space<vmem>> -> memref<64xf32, #tpu.memory_space<vmem>>
      %dma_start3A_100 = arith.constant 0 : i32
      %dma_start3A_101 = tpu.memref_slice %arg5[%squeeze3A_85, %dma_start3A_100] : memref<1000000x64xf32, #tpu.memory_space<hbm>> -> memref<1x64xf32, #tpu.memory_space<hbm>>
      %dma_start3A_102 = tpu.memref_squeeze %dma_start3A_101 : memref<1x64xf32, #tpu.memory_space<hbm>> -> memref<64xf32, #tpu.memory_space<hbm>>
      tpu.enqueue_dma source(%dma_start3A_102 : memref<64xf32, #tpu.memory_space<hbm>>) target(%dma_start3A_99 : memref<64xf32, #tpu.memory_space<vmem>>) target_semaphore(%arg12 : memref<!tpu.dma_semaphore, #tpu.memory_space<semaphore_mem>>)
      %slice3A_103 = vector.extract_strided_slice %get3A_23 {offsets = [2], sizes = [1], strides = [1]} : vector<16xi32> to vector<1xi32>
      %squeeze3A_104 = vector.extract %slice3A_103[0] : i32 from vector<1xi32>
      %mul3A_105 = arith.constant 16 : i32
      %mul3A_106 = arith.muli %scan3A_18, %mul3A_105 : i32
      %add3A_107 = arith.addi %mul3A_6, %mul3A_106 : i32
      %add3A_108 = arith.constant 2 : i32
      %add3A_109 = arith.addi %add3A_107, %add3A_108 : i32
      %dma_start3A_110 = arith.constant 0 : i32
      %dma_start3A_111 = tpu.memref_slice %arg9[%add3A_109, %dma_start3A_110] : memref<256x64xf32, #tpu.memory_space<vmem>> -> memref<1x64xf32, #tpu.memory_space<vmem>>
      %dma_start3A_112 = tpu.memref_squeeze %dma_start3A_111 : memref<1x64xf32, #tpu.memory_space<vmem>> -> memref<64xf32, #tpu.memory_space<vmem>>
      %dma_start3A_113 = arith.constant 0 : i32
      %dma_start3A_114 = tpu.memref_slice %arg4[%squeeze3A_104, %dma_start3A_113] : memref<1000000x64xf32, #tpu.memory_space<hbm>> -> memref<1x64xf32, #tpu.memory_space<hbm>>
      %dma_start3A_115 = tpu.memref_squeeze %dma_start3A_114 : memref<1x64xf32, #tpu.memory_space<hbm>> -> memref<64xf32, #tpu.memory_space<hbm>>
      %dma_start3A_116 = arith.constant 0 : i32
      %dma_start3A_117 = tpu.memref_slice %arg9[%add3A_109, %dma_start3A_116] : memref<256x64xf32, #tpu.memory_space<vmem>> -> memref<1x64xf32, #tpu.memory_space<vmem>>
      %dma_start3A_118 = tpu.memref_squeeze %dma_start3A_117 : memref<1x64xf32, #tpu.memory_space<vmem>> -> memref<64xf32, #tpu.memory_space<vmem>>
      %dma_start3A_119 = arith.constant 0 : i32
      %dma_start3A_120 = tpu.memref_slice %arg4[%squeeze3A_104, %dma_start3A_119] : memref<1000000x64xf32, #tpu.memory_space<hbm>> -> memref<1x64xf32, #tpu.memory_space<hbm>>
      %dma_start3A_121 = tpu.memref_squeeze %dma_start3A_120 : memref<1x64xf32, #tpu.memory_space<hbm>> -> memref<64xf32, #tpu.memory_space<hbm>>
      tpu.enqueue_dma source(%dma_start3A_121 : memref<64xf32, #tpu.memory_space<hbm>>) target(%dma_start3A_118 : memref<64xf32, #tpu.memory_space<vmem>>) target_semaphore(%arg12 : memref<!tpu.dma_semaphore, #tpu.memory_space<semaphore_mem>>)
      %slice3A_122 = vector.extract_strided_slice %get3A_29 {offsets = [2], sizes = [1], strides = [1]} : vector<16xi32> to vector<1xi32>
      %squeeze3A_123 = vector.extract %slice3A_122[0] : i32 from vector<1xi32>
      %mul3A_124 = arith.constant 16 : i32
      %mul3A_125 = arith.muli %scan3A_18, %mul3A_124 : i32
      %add3A_126 = arith.addi %mul3A_6, %mul3A_125 : i32
      %add3A_127 = arith.constant 2 : i32
      %add3A_128 = arith.addi %add3A_126, %add3A_127 : i32
      %dma_start3A_129 = arith.constant 0 : i32
      %dma_start3A_130 = tpu.memref_slice %arg10[%add3A_128, %dma_start3A_129] : memref<256x64xf32, #tpu.memory_space<vmem>> -> memref<1x64xf32, #tpu.memory_space<vmem>>
      %dma_start3A_131 = tpu.memref_squeeze %dma_start3A_130 : memref<1x64xf32, #tpu.memory_space<vmem>> -> memref<64xf32, #tpu.memory_space<vmem>>
      %dma_start3A_132 = arith.constant 0 : i32
      %dma_start3A_133 = tpu.memref_slice %arg5[%squeeze3A_123, %dma_start3A_132] : memref<1000000x64xf32, #tpu.memory_space<hbm>> -> memref<1x64xf32, #tpu.memory_space<hbm>>
      %dma_start3A_134 = tpu.memref_squeeze %dma_start3A_133 : memref<1x64xf32, #tpu.memory_space<hbm>> -> memref<64xf32, #tpu.memory_space<hbm>>
      %dma_start3A_135 = arith.constant 0 : i32
      %dma_start3A_136 = tpu.memref_slice %arg10[%add3A_128, %dma_start3A_135] : memref<256x64xf32, #tpu.memory_space<vmem>> -> memref<1x64xf32, #tpu.memory_space<vmem>>
      %dma_start3A_137 = tpu.memref_squeeze %dma_start3A_136 : memref<1x64xf32, #tpu.memory_space<vmem>> -> memref<64xf32, #tpu.memory_space<vmem>>
      %dma_start3A_138 = arith.constant 0 : i32
      %dma_start3A_139 = tpu.memref_slice %arg5[%squeeze3A_123, %dma_start3A_138] : memref<1000000x64xf32, #tpu.memory_space<hbm>> -> memref<1x64xf32, #tpu.memory_space<hbm>>
      %dma_start3A_140 = tpu.memref_squeeze %dma_start3A_139 : memref<1x64xf32, #tpu.memory_space<hbm>> -> memref<64xf32, #tpu.memory_space<hbm>>
      tpu.enqueue_dma source(%dma_start3A_140 : memref<64xf32, #tpu.memory_space<hbm>>) target(%dma_start3A_137 : memref<64xf32, #tpu.memory_space<vmem>>) target_semaphore(%arg12 : memref<!tpu.dma_semaphore, #tpu.memory_space<semaphore_mem>>)
      %slice3A_141 = vector.extract_strided_slice %get3A_23 {offsets = [3], sizes = [1], strides = [1]} : vector<16xi32> to vector<1xi32>
      %squeeze3A_142 = vector.extract %slice3A_141[0] : i32 from vector<1xi32>
      %mul3A_143 = arith.constant 16 : i32
      %mul3A_144 = arith.muli %scan3A_18, %mul3A_143 : i32
      %add3A_145 = arith.addi %mul3A_6, %mul3A_144 : i32
      %add3A_146 = arith.constant 3 : i32
      %add3A_147 = arith.addi %add3A_145, %add3A_146 : i32
      %dma_start3A_148 = arith.constant 0 : i32
      %dma_start3A_149 = tpu.memref_slice %arg9[%add3A_147, %dma_start3A_148] : memref<256x64xf32, #tpu.memory_space<vmem>> -> memref<1x64xf32, #tpu.memory_space<vmem>>
      %dma_start3A_150 = tpu.memref_squeeze %dma_start3A_149 : memref<1x64xf32, #tpu.memory_space<vmem>> -> memref<64xf32, #tpu.memory_space<vmem>>
      %dma_start3A_151 = arith.constant 0 : i32
      %dma_start3A_152 = tpu.memref_slice %arg4[%squeeze3A_142, %dma_start3A_151] : memref<1000000x64xf32, #tpu.memory_space<hbm>> -> memref<1x64xf32, #tpu.memory_space<hbm>>
      %dma_start3A_153 = tpu.memref_squeeze %dma_start3A_152 : memref<1x64xf32, #tpu.memory_space<hbm>> -> memref<64xf32, #tpu.memory_space<hbm>>
      %dma_start3A_154 = arith.constant 0 : i32
      %dma_start3A_155 = tpu.memref_slice %arg9[%add3A_147, %dma_start3A_154] : memref<256x64xf32, #tpu.memory_space<vmem>> -> memref<1x64xf32, #tpu.memory_space<vmem>>
      %dma_start3A_156 = tpu.memref_squeeze %dma_start3A_155 : memref<1x64xf32, #tpu.memory_space<vmem>> -> memref<64xf32, #tpu.memory_space<vmem>>
      %dma_start3A_157 = arith.constant 0 : i32
      %dma_start3A_158 = tpu.memref_slice %arg4[%squeeze3A_142, %dma_start3A_157] : memref<1000000x64xf32, #tpu.memory_space<hbm>> -> memref<1x64xf32, #tpu.memory_space<hbm>>
      %dma_start3A_159 = tpu.memref_squeeze %dma_start3A_158 : memref<1x64xf32, #tpu.memory_space<hbm>> -> memref<64xf32, #tpu.memory_space<hbm>>
      tpu.enqueue_dma source(%dma_start3A_159 : memref<64xf32, #tpu.memory_space<hbm>>) target(%dma_start3A_156 : memref<64xf32, #tpu.memory_space<vmem>>) target_semaphore(%arg12 : memref<!tpu.dma_semaphore, #tpu.memory_space<semaphore_mem>>)
      %slice3A_160 = vector.extract_strided_slice %get3A_29 {offsets = [3], sizes = [1], strides = [1]} : vector<16xi32> to vector<1xi32>
      %squeeze3A_161 = vector.extract %slice3A_160[0] : i32 from vector<1xi32>
      %mul3A_162 = arith.constant 16 : i32
      %mul3A_163 = arith.muli %scan3A_18, %mul3A_162 : i32
      %add3A_164 = arith.addi %mul3A_6, %mul3A_163 : i32
      %add3A_165 = arith.constant 3 : i32
      %add3A_166 = arith.addi %add3A_164, %add3A_165 : i32
      %dma_start3A_167 = arith.constant 0 : i32
      %dma_start3A_168 = tpu.memref_slice %arg10[%add3A_166, %dma_start3A_167] : memref<256x64xf32, #tpu.memory_space<vmem>> -> memref<1x64xf32, #tpu.memory_space<vmem>>
      %dma_start3A_169 = tpu.memref_squeeze %dma_start3A_168 : memref<1x64xf32, #tpu.memory_space<vmem>> -> memref<64xf32, #tpu.memory_space<vmem>>
      %dma_start3A_170 = arith.constant 0 : i32
      %dma_start3A_171 = tpu.memref_slice %arg5[%squeeze3A_161, %dma_start3A_170] : memref<1000000x64xf32, #tpu.memory_space<hbm>> -> memref<1x64xf32, #tpu.memory_space<hbm>>
      %dma_start3A_172 = tpu.memref_squeeze %dma_start3A_171 : memref<1x64xf32, #tpu.memory_space<hbm>> -> memref<64xf32, #tpu.memory_space<hbm>>
      %dma_start3A_173 = arith.constant 0 : i32
      %dma_start3A_174 = tpu.memref_slice %arg10[%add3A_166, %dma_start3A_173] : memref<256x64xf32, #tpu.memory_space<vmem>> -> memref<1x64xf32, #tpu.memory_space<vmem>>
      %dma_start3A_175 = tpu.memref_squeeze %dma_start3A_174 : memref<1x64xf32, #tpu.memory_space<vmem>> -> memref<64xf32, #tpu.memory_space<vmem>>
      %dma_start3A_176 = arith.constant 0 : i32
      %dma_start3A_177 = tpu.memref_slice %arg5[%squeeze3A_161, %dma_start3A_176] : memref<1000000x64xf32, #tpu.memory_space<hbm>> -> memref<1x64xf32, #tpu.memory_space<hbm>>
      %dma_start3A_178 = tpu.memref_squeeze %dma_start3A_177 : memref<1x64xf32, #tpu.memory_space<hbm>> -> memref<64xf32, #tpu.memory_space<hbm>>
      tpu.enqueue_dma source(%dma_start3A_178 : memref<64xf32, #tpu.memory_space<hbm>>) target(%dma_start3A_175 : memref<64xf32, #tpu.memory_space<vmem>>) target_semaphore(%arg12 : memref<!tpu.dma_semaphore, #tpu.memory_space<semaphore_mem>>)
      %slice3A_179 = vector.extract_strided_slice %get3A_23 {offsets = [4], sizes = [1], strides = [1]} : vector<16xi32> to vector<1xi32>
      %squeeze3A_180 = vector.extract %slice3A_179[0] : i32 from vector<1xi32>
      %mul3A_181 = arith.constant 16 : i32
      %mul3A_182 = arith.muli %scan3A_18, %mul3A_181 : i32
      %add3A_183 = arith.addi %mul3A_6, %mul3A_182 : i32
      %add3A_184 = arith.constant 4 : i32
      %add3A_185 = arith.addi %add3A_183, %add3A_184 : i32
      %dma_start3A_186 = arith.constant 0 : i32
      %dma_start3A_187 = tpu.memref_slice %arg9[%add3A_185, %dma_start3A_186] : memref<256x64xf32, #tpu.memory_space<vmem>> -> memref<1x64xf32, #tpu.memory_space<vmem>>
      %dma_start3A_188 = tpu.memref_squeeze %dma_start3A_187 : memref<1x64xf32, #tpu.memory_space<vmem>> -> memref<64xf32, #tpu.memory_space<vmem>>
      %dma_start3A_189 = arith.constant 0 : i32
      %dma_start3A_190 = tpu.memref_slice %arg4[%squeeze3A_180, %dma_start3A_189] : memref<1000000x64xf32, #tpu.memory_space<hbm>> -> memref<1x64xf32, #tpu.memory_space<hbm>>
      %dma_start3A_191 = tpu.memref_squeeze %dma_start3A_190 : memref<1x64xf32, #tpu.memory_space<hbm>> -> memref<64xf32, #tpu.memory_space<hbm>>
      %dma_start3A_192 = arith.constant 0 : i32
      %dma_start3A_193 = tpu.memref_slice %arg9[%add3A_185, %dma_start3A_192] : memref<256x64xf32, #tpu.memory_space<vmem>> -> memref<1x64xf32, #tpu.memory_space<vmem>>
      %dma_start3A_194 = tpu.memref_squeeze %dma_start3A_193 : memref<1x64xf32, #tpu.memory_space<vmem>> -> memref<64xf32, #tpu.memory_space<vmem>>
      %dma_start3A_195 = arith.constant 0 : i32
      %dma_start3A_196 = tpu.memref_slice %arg4[%squeeze3A_180, %dma_start3A_195] : memref<1000000x64xf32, #tpu.memory_space<hbm>> -> memref<1x64xf32, #tpu.memory_space<hbm>>
      %dma_start3A_197 = tpu.memref_squeeze %dma_start3A_196 : memref<1x64xf32, #tpu.memory_space<hbm>> -> memref<64xf32, #tpu.memory_space<hbm>>
      tpu.enqueue_dma source(%dma_start3A_197 : memref<64xf32, #tpu.memory_space<hbm>>) target(%dma_start3A_194 : memref<64xf32, #tpu.memory_space<vmem>>) target_semaphore(%arg12 : memref<!tpu.dma_semaphore, #tpu.memory_space<semaphore_mem>>)
      %slice3A_198 = vector.extract_strided_slice %get3A_29 {offsets = [4], sizes = [1], strides = [1]} : vector<16xi32> to vector<1xi32>
      %squeeze3A_199 = vector.extract %slice3A_198[0] : i32 from vector<1xi32>
      %mul3A_200 = arith.constant 16 : i32
      %mul3A_201 = arith.muli %scan3A_18, %mul3A_200 : i32
      %add3A_202 = arith.addi %mul3A_6, %mul3A_201 : i32
      %add3A_203 = arith.constant 4 : i32
      %add3A_204 = arith.addi %add3A_202, %add3A_203 : i32
      %dma_start3A_205 = arith.constant 0 : i32
      %dma_start3A_206 = tpu.memref_slice %arg10[%add3A_204, %dma_start3A_205] : memref<256x64xf32, #tpu.memory_space<vmem>> -> memref<1x64xf32, #tpu.memory_space<vmem>>
      %dma_start3A_207 = tpu.memref_squeeze %dma_start3A_206 : memref<1x64xf32, #tpu.memory_space<vmem>> -> memref<64xf32, #tpu.memory_space<vmem>>
      %dma_start3A_208 = arith.constant 0 : i32
      %dma_start3A_209 = tpu.memref_slice %arg5[%squeeze3A_199, %dma_start3A_208] : memref<1000000x64xf32, #tpu.memory_space<hbm>> -> memref<1x64xf32, #tpu.memory_space<hbm>>
      %dma_start3A_210 = tpu.memref_squeeze %dma_start3A_209 : memref<1x64xf32, #tpu.memory_space<hbm>> -> memref<64xf32, #tpu.memory_space<hbm>>
      %dma_start3A_211 = arith.constant 0 : i32
      %dma_start3A_212 = tpu.memref_slice %arg10[%add3A_204, %dma_start3A_211] : memref<256x64xf32, #tpu.memory_space<vmem>> -> memref<1x64xf32, #tpu.memory_space<vmem>>
      %dma_start3A_213 = tpu.memref_squeeze %dma_start3A_212 : memref<1x64xf32, #tpu.memory_space<vmem>> -> memref<64xf32, #tpu.memory_space<vmem>>
      %dma_start3A_214 = arith.constant 0 : i32
      %dma_start3A_215 = tpu.memref_slice %arg5[%squeeze3A_199, %dma_start3A_214] : memref<1000000x64xf32, #tpu.memory_space<hbm>> -> memref<1x64xf32, #tpu.memory_space<hbm>>
      %dma_start3A_216 = tpu.memref_squeeze %dma_start3A_215 : memref<1x64xf32, #tpu.memory_space<hbm>> -> memref<64xf32, #tpu.memory_space<hbm>>
      tpu.enqueue_dma source(%dma_start3A_216 : memref<64xf32, #tpu.memory_space<hbm>>) target(%dma_start3A_213 : memref<64xf32, #tpu.memory_space<vmem>>) target_semaphore(%arg12 : memref<!tpu.dma_semaphore, #tpu.memory_space<semaphore_mem>>)
      %slice3A_217 = vector.extract_strided_slice %get3A_23 {offsets = [5], sizes = [1], strides = [1]} : vector<16xi32> to vector<1xi32>
      %squeeze3A_218 = vector.extract %slice3A_217[0] : i32 from vector<1xi32>
      %mul3A_219 = arith.constant 16 : i32
      %mul3A_220 = arith.muli %scan3A_18, %mul3A_219 : i32
      %add3A_221 = arith.addi %mul3A_6, %mul3A_220 : i32
      %add3A_222 = arith.constant 5 : i32
      %add3A_223 = arith.addi %add3A_221, %add3A_222 : i32
      %dma_start3A_224 = arith.constant 0 : i32
      %dma_start3A_225 = tpu.memref_slice %arg9[%add3A_223, %dma_start3A_224] : memref<256x64xf32, #tpu.memory_space<vmem>> -> memref<1x64xf32, #tpu.memory_space<vmem>>
      %dma_start3A_226 = tpu.memref_squeeze %dma_start3A_225 : memref<1x64xf32, #tpu.memory_space<vmem>> -> memref<64xf32, #tpu.memory_space<vmem>>
      %dma_start3A_227 = arith.constant 0 : i32
      %dma_start3A_228 = tpu.memref_slice %arg4[%squeeze3A_218, %dma_start3A_227] : memref<1000000x64xf32, #tpu.memory_space<hbm>> -> memref<1x64xf32, #tpu.memory_space<hbm>>
      %dma_start3A_229 = tpu.memref_squeeze %dma_start3A_228 : memref<1x64xf32, #tpu.memory_space<hbm>> -> memref<64xf32, #tpu.memory_space<hbm>>
      %dma_start3A_230 = arith.constant 0 : i32
      %dma_start3A_231 = tpu.memref_slice %arg9[%add3A_223, %dma_start3A_230] : memref<256x64xf32, #tpu.memory_space<vmem>> -> memref<1x64xf32, #tpu.memory_space<vmem>>
      %dma_start3A_232 = tpu.memref_squeeze %dma_start3A_231 : memref<1x64xf32, #tpu.memory_space<vmem>> -> memref<64xf32, #tpu.memory_space<vmem>>
      %dma_start3A_233 = arith.constant 0 : i32
      %dma_start3A_234 = tpu.memref_slice %arg4[%squeeze3A_218, %dma_start3A_233] : memref<1000000x64xf32, #tpu.memory_space<hbm>> -> memref<1x64xf32, #tpu.memory_space<hbm>>
      %dma_start3A_235 = tpu.memref_squeeze %dma_start3A_234 : memref<1x64xf32, #tpu.memory_space<hbm>> -> memref<64xf32, #tpu.memory_space<hbm>>
      tpu.enqueue_dma source(%dma_start3A_235 : memref<64xf32, #tpu.memory_space<hbm>>) target(%dma_start3A_232 : memref<64xf32, #tpu.memory_space<vmem>>) target_semaphore(%arg12 : memref<!tpu.dma_semaphore, #tpu.memory_space<semaphore_mem>>)
      %slice3A_236 = vector.extract_strided_slice %get3A_29 {offsets = [5], sizes = [1], strides = [1]} : vector<16xi32> to vector<1xi32>
      %squeeze3A_237 = vector.extract %slice3A_236[0] : i32 from vector<1xi32>
      %mul3A_238 = arith.constant 16 : i32
      %mul3A_239 = arith.muli %scan3A_18, %mul3A_238 : i32
      %add3A_240 = arith.addi %mul3A_6, %mul3A_239 : i32
      %add3A_241 = arith.constant 5 : i32
      %add3A_242 = arith.addi %add3A_240, %add3A_241 : i32
      %dma_start3A_243 = arith.constant 0 : i32
      %dma_start3A_244 = tpu.memref_slice %arg10[%add3A_242, %dma_start3A_243] : memref<256x64xf32, #tpu.memory_space<vmem>> -> memref<1x64xf32, #tpu.memory_space<vmem>>
      %dma_start3A_245 = tpu.memref_squeeze %dma_start3A_244 : memref<1x64xf32, #tpu.memory_space<vmem>> -> memref<64xf32, #tpu.memory_space<vmem>>
      %dma_start3A_246 = arith.constant 0 : i32
      %dma_start3A_247 = tpu.memref_slice %arg5[%squeeze3A_237, %dma_start3A_246] : memref<1000000x64xf32, #tpu.memory_space<hbm>> -> memref<1x64xf32, #tpu.memory_space<hbm>>
      %dma_start3A_248 = tpu.memref_squeeze %dma_start3A_247 : memref<1x64xf32, #tpu.memory_space<hbm>> -> memref<64xf32, #tpu.memory_space<hbm>>
      %dma_start3A_249 = arith.constant 0 : i32
      %dma_start3A_250 = tpu.memref_slice %arg10[%add3A_242, %dma_start3A_249] : memref<256x64xf32, #tpu.memory_space<vmem>> -> memref<1x64xf32, #tpu.memory_space<vmem>>
      %dma_start3A_251 = tpu.memref_squeeze %dma_start3A_250 : memref<1x64xf32, #tpu.memory_space<vmem>> -> memref<64xf32, #tpu.memory_space<vmem>>
      %dma_start3A_252 = arith.constant 0 : i32
      %dma_start3A_253 = tpu.memref_slice %arg5[%squeeze3A_237, %dma_start3A_252] : memref<1000000x64xf32, #tpu.memory_space<hbm>> -> memref<1x64xf32, #tpu.memory_space<hbm>>
      %dma_start3A_254 = tpu.memref_squeeze %dma_start3A_253 : memref<1x64xf32, #tpu.memory_space<hbm>> -> memref<64xf32, #tpu.memory_space<hbm>>
      tpu.enqueue_dma source(%dma_start3A_254 : memref<64xf32, #tpu.memory_space<hbm>>) target(%dma_start3A_251 : memref<64xf32, #tpu.memory_space<vmem>>) target_semaphore(%arg12 : memref<!tpu.dma_semaphore, #tpu.memory_space<semaphore_mem>>)
      %slice3A_255 = vector.extract_strided_slice %get3A_23 {offsets = [6], sizes = [1], strides = [1]} : vector<16xi32> to vector<1xi32>
      %squeeze3A_256 = vector.extract %slice3A_255[0] : i32 from vector<1xi32>
      %mul3A_257 = arith.constant 16 : i32
      %mul3A_258 = arith.muli %scan3A_18, %mul3A_257 : i32
      %add3A_259 = arith.addi %mul3A_6, %mul3A_258 : i32
      %add3A_260 = arith.constant 6 : i32
      %add3A_261 = arith.addi %add3A_259, %add3A_260 : i32
      %dma_start3A_262 = arith.constant 0 : i32
      %dma_start3A_263 = tpu.memref_slice %arg9[%add3A_261, %dma_start3A_262] : memref<256x64xf32, #tpu.memory_space<vmem>> -> memref<1x64xf32, #tpu.memory_space<vmem>>
      %dma_start3A_264 = tpu.memref_squeeze %dma_start3A_263 : memref<1x64xf32, #tpu.memory_space<vmem>> -> memref<64xf32, #tpu.memory_space<vmem>>
      %dma_start3A_265 = arith.constant 0 : i32
      %dma_start3A_266 = tpu.memref_slice %arg4[%squeeze3A_256, %dma_start3A_265] : memref<1000000x64xf32, #tpu.memory_space<hbm>> -> memref<1x64xf32, #tpu.memory_space<hbm>>
      %dma_start3A_267 = tpu.memref_squeeze %dma_start3A_266 : memref<1x64xf32, #tpu.memory_space<hbm>> -> memref<64xf32, #tpu.memory_space<hbm>>
      %dma_start3A_268 = arith.constant 0 : i32
      %dma_start3A_269 = tpu.memref_slice %arg9[%add3A_261, %dma_start3A_268] : memref<256x64xf32, #tpu.memory_space<vmem>> -> memref<1x64xf32, #tpu.memory_space<vmem>>
      %dma_start3A_270 = tpu.memref_squeeze %dma_start3A_269 : memref<1x64xf32, #tpu.memory_space<vmem>> -> memref<64xf32, #tpu.memory_space<vmem>>
      %dma_start3A_271 = arith.constant 0 : i32
      %dma_start3A_272 = tpu.memref_slice %arg4[%squeeze3A_256, %dma_start3A_271] : memref<1000000x64xf32, #tpu.memory_space<hbm>> -> memref<1x64xf32, #tpu.memory_space<hbm>>
      %dma_start3A_273 = tpu.memref_squeeze %dma_start3A_272 : memref<1x64xf32, #tpu.memory_space<hbm>> -> memref<64xf32, #tpu.memory_space<hbm>>
      tpu.enqueue_dma source(%dma_start3A_273 : memref<64xf32, #tpu.memory_space<hbm>>) target(%dma_start3A_270 : memref<64xf32, #tpu.memory_space<vmem>>) target_semaphore(%arg12 : memref<!tpu.dma_semaphore, #tpu.memory_space<semaphore_mem>>)
      %slice3A_274 = vector.extract_strided_slice %get3A_29 {offsets = [6], sizes = [1], strides = [1]} : vector<16xi32> to vector<1xi32>
      %squeeze3A_275 = vector.extract %slice3A_274[0] : i32 from vector<1xi32>
      %mul3A_276 = arith.constant 16 : i32
      %mul3A_277 = arith.muli %scan3A_18, %mul3A_276 : i32
      %add3A_278 = arith.addi %mul3A_6, %mul3A_277 : i32
      %add3A_279 = arith.constant 6 : i32
      %add3A_280 = arith.addi %add3A_278, %add3A_279 : i32
      %dma_start3A_281 = arith.constant 0 : i32
      %dma_start3A_282 = tpu.memref_slice %arg10[%add3A_280, %dma_start3A_281] : memref<256x64xf32, #tpu.memory_space<vmem>> -> memref<1x64xf32, #tpu.memory_space<vmem>>
      %dma_start3A_283 = tpu.memref_squeeze %dma_start3A_282 : memref<1x64xf32, #tpu.memory_space<vmem>> -> memref<64xf32, #tpu.memory_space<vmem>>
      %dma_start3A_284 = arith.constant 0 : i32
      %dma_start3A_285 = tpu.memref_slice %arg5[%squeeze3A_275, %dma_start3A_284] : memref<1000000x64xf32, #tpu.memory_space<hbm>> -> memref<1x64xf32, #tpu.memory_space<hbm>>
      %dma_start3A_286 = tpu.memref_squeeze %dma_start3A_285 : memref<1x64xf32, #tpu.memory_space<hbm>> -> memref<64xf32, #tpu.memory_space<hbm>>
      %dma_start3A_287 = arith.constant 0 : i32
      %dma_start3A_288 = tpu.memref_slice %arg10[%add3A_280, %dma_start3A_287] : memref<256x64xf32, #tpu.memory_space<vmem>> -> memref<1x64xf32, #tpu.memory_space<vmem>>
      %dma_start3A_289 = tpu.memref_squeeze %dma_start3A_288 : memref<1x64xf32, #tpu.memory_space<vmem>> -> memref<64xf32, #tpu.memory_space<vmem>>
      %dma_start3A_290 = arith.constant 0 : i32
      %dma_start3A_291 = tpu.memref_slice %arg5[%squeeze3A_275, %dma_start3A_290] : memref<1000000x64xf32, #tpu.memory_space<hbm>> -> memref<1x64xf32, #tpu.memory_space<hbm>>
      %dma_start3A_292 = tpu.memref_squeeze %dma_start3A_291 : memref<1x64xf32, #tpu.memory_space<hbm>> -> memref<64xf32, #tpu.memory_space<hbm>>
      tpu.enqueue_dma source(%dma_start3A_292 : memref<64xf32, #tpu.memory_space<hbm>>) target(%dma_start3A_289 : memref<64xf32, #tpu.memory_space<vmem>>) target_semaphore(%arg12 : memref<!tpu.dma_semaphore, #tpu.memory_space<semaphore_mem>>)
      %slice3A_293 = vector.extract_strided_slice %get3A_23 {offsets = [7], sizes = [1], strides = [1]} : vector<16xi32> to vector<1xi32>
      %squeeze3A_294 = vector.extract %slice3A_293[0] : i32 from vector<1xi32>
      %mul3A_295 = arith.constant 16 : i32
      %mul3A_296 = arith.muli %scan3A_18, %mul3A_295 : i32
      %add3A_297 = arith.addi %mul3A_6, %mul3A_296 : i32
      %add3A_298 = arith.constant 7 : i32
      %add3A_299 = arith.addi %add3A_297, %add3A_298 : i32
      %dma_start3A_300 = arith.constant 0 : i32
      %dma_start3A_301 = tpu.memref_slice %arg9[%add3A_299, %dma_start3A_300] : memref<256x64xf32, #tpu.memory_space<vmem>> -> memref<1x64xf32, #tpu.memory_space<vmem>>
      %dma_start3A_302 = tpu.memref_squeeze %dma_start3A_301 : memref<1x64xf32, #tpu.memory_space<vmem>> -> memref<64xf32, #tpu.memory_space<vmem>>
      %dma_start3A_303 = arith.constant 0 : i32
      %dma_start3A_304 = tpu.memref_slice %arg4[%squeeze3A_294, %dma_start3A_303] : memref<1000000x64xf32, #tpu.memory_space<hbm>> -> memref<1x64xf32, #tpu.memory_space<hbm>>
      %dma_start3A_305 = tpu.memref_squeeze %dma_start3A_304 : memref<1x64xf32, #tpu.memory_space<hbm>> -> memref<64xf32, #tpu.memory_space<hbm>>
      %dma_start3A_306 = arith.constant 0 : i32
      %dma_start3A_307 = tpu.memref_slice %arg9[%add3A_299, %dma_start3A_306] : memref<256x64xf32, #tpu.memory_space<vmem>> -> memref<1x64xf32, #tpu.memory_space<vmem>>
      %dma_start3A_308 = tpu.memref_squeeze %dma_start3A_307 : memref<1x64xf32, #tpu.memory_space<vmem>> -> memref<64xf32, #tpu.memory_space<vmem>>
      %dma_start3A_309 = arith.constant 0 : i32
      %dma_start3A_310 = tpu.memref_slice %arg4[%squeeze3A_294, %dma_start3A_309] : memref<1000000x64xf32, #tpu.memory_space<hbm>> -> memref<1x64xf32, #tpu.memory_space<hbm>>
      %dma_start3A_311 = tpu.memref_squeeze %dma_start3A_310 : memref<1x64xf32, #tpu.memory_space<hbm>> -> memref<64xf32, #tpu.memory_space<hbm>>
      tpu.enqueue_dma source(%dma_start3A_311 : memref<64xf32, #tpu.memory_space<hbm>>) target(%dma_start3A_308 : memref<64xf32, #tpu.memory_space<vmem>>) target_semaphore(%arg12 : memref<!tpu.dma_semaphore, #tpu.memory_space<semaphore_mem>>)
      %slice3A_312 = vector.extract_strided_slice %get3A_29 {offsets = [7], sizes = [1], strides = [1]} : vector<16xi32> to vector<1xi32>
      %squeeze3A_313 = vector.extract %slice3A_312[0] : i32 from vector<1xi32>
      %mul3A_314 = arith.constant 16 : i32
      %mul3A_315 = arith.muli %scan3A_18, %mul3A_314 : i32
      %add3A_316 = arith.addi %mul3A_6, %mul3A_315 : i32
      %add3A_317 = arith.constant 7 : i32
      %add3A_318 = arith.addi %add3A_316, %add3A_317 : i32
      %dma_start3A_319 = arith.constant 0 : i32
      %dma_start3A_320 = tpu.memref_slice %arg10[%add3A_318, %dma_start3A_319] : memref<256x64xf32, #tpu.memory_space<vmem>> -> memref<1x64xf32, #tpu.memory_space<vmem>>
      %dma_start3A_321 = tpu.memref_squeeze %dma_start3A_320 : memref<1x64xf32, #tpu.memory_space<vmem>> -> memref<64xf32, #tpu.memory_space<vmem>>
      %dma_start3A_322 = arith.constant 0 : i32
      %dma_start3A_323 = tpu.memref_slice %arg5[%squeeze3A_313, %dma_start3A_322] : memref<1000000x64xf32, #tpu.memory_space<hbm>> -> memref<1x64xf32, #tpu.memory_space<hbm>>
      %dma_start3A_324 = tpu.memref_squeeze %dma_start3A_323 : memref<1x64xf32, #tpu.memory_space<hbm>> -> memref<64xf32, #tpu.memory_space<hbm>>
      %dma_start3A_325 = arith.constant 0 : i32
      %dma_start3A_326 = tpu.memref_slice %arg10[%add3A_318, %dma_start3A_325] : memref<256x64xf32, #tpu.memory_space<vmem>> -> memref<1x64xf32, #tpu.memory_space<vmem>>
      %dma_start3A_327 = tpu.memref_squeeze %dma_start3A_326 : memref<1x64xf32, #tpu.memory_space<vmem>> -> memref<64xf32, #tpu.memory_space<vmem>>
      %dma_start3A_328 = arith.constant 0 : i32
      %dma_start3A_329 = tpu.memref_slice %arg5[%squeeze3A_313, %dma_start3A_328] : memref<1000000x64xf32, #tpu.memory_space<hbm>> -> memref<1x64xf32, #tpu.memory_space<hbm>>
      %dma_start3A_330 = tpu.memref_squeeze %dma_start3A_329 : memref<1x64xf32, #tpu.memory_space<hbm>> -> memref<64xf32, #tpu.memory_space<hbm>>
      tpu.enqueue_dma source(%dma_start3A_330 : memref<64xf32, #tpu.memory_space<hbm>>) target(%dma_start3A_327 : memref<64xf32, #tpu.memory_space<vmem>>) target_semaphore(%arg12 : memref<!tpu.dma_semaphore, #tpu.memory_space<semaphore_mem>>)
      %slice3A_331 = vector.extract_strided_slice %get3A_23 {offsets = [8], sizes = [1], strides = [1]} : vector<16xi32> to vector<1xi32>
      %squeeze3A_332 = vector.extract %slice3A_331[0] : i32 from vector<1xi32>
      %mul3A_333 = arith.constant 16 : i32
      %mul3A_334 = arith.muli %scan3A_18, %mul3A_333 : i32
      %add3A_335 = arith.addi %mul3A_6, %mul3A_334 : i32
      %add3A_336 = arith.constant 8 : i32
      %add3A_337 = arith.addi %add3A_335, %add3A_336 : i32
      %dma_start3A_338 = arith.constant 0 : i32
      %dma_start3A_339 = tpu.memref_slice %arg9[%add3A_337, %dma_start3A_338] : memref<256x64xf32, #tpu.memory_space<vmem>> -> memref<1x64xf32, #tpu.memory_space<vmem>>
      %dma_start3A_340 = tpu.memref_squeeze %dma_start3A_339 : memref<1x64xf32, #tpu.memory_space<vmem>> -> memref<64xf32, #tpu.memory_space<vmem>>
      %dma_start3A_341 = arith.constant 0 : i32
      %dma_start3A_342 = tpu.memref_slice %arg4[%squeeze3A_332, %dma_start3A_341] : memref<1000000x64xf32, #tpu.memory_space<hbm>> -> memref<1x64xf32, #tpu.memory_space<hbm>>
      %dma_start3A_343 = tpu.memref_squeeze %dma_start3A_342 : memref<1x64xf32, #tpu.memory_space<hbm>> -> memref<64xf32, #tpu.memory_space<hbm>>
      %dma_start3A_344 = arith.constant 0 : i32
      %dma_start3A_345 = tpu.memref_slice %arg9[%add3A_337, %dma_start3A_344] : memref<256x64xf32, #tpu.memory_space<vmem>> -> memref<1x64xf32, #tpu.memory_space<vmem>>
      %dma_start3A_346 = tpu.memref_squeeze %dma_start3A_345 : memref<1x64xf32, #tpu.memory_space<vmem>> -> memref<64xf32, #tpu.memory_space<vmem>>
      %dma_start3A_347 = arith.constant 0 : i32
      %dma_start3A_348 = tpu.memref_slice %arg4[%squeeze3A_332, %dma_start3A_347] : memref<1000000x64xf32, #tpu.memory_space<hbm>> -> memref<1x64xf32, #tpu.memory_space<hbm>>
      %dma_start3A_349 = tpu.memref_squeeze %dma_start3A_348 : memref<1x64xf32, #tpu.memory_space<hbm>> -> memref<64xf32, #tpu.memory_space<hbm>>
      tpu.enqueue_dma source(%dma_start3A_349 : memref<64xf32, #tpu.memory_space<hbm>>) target(%dma_start3A_346 : memref<64xf32, #tpu.memory_space<vmem>>) target_semaphore(%arg12 : memref<!tpu.dma_semaphore, #tpu.memory_space<semaphore_mem>>)
      %slice3A_350 = vector.extract_strided_slice %get3A_29 {offsets = [8], sizes = [1], strides = [1]} : vector<16xi32> to vector<1xi32>
      %squeeze3A_351 = vector.extract %slice3A_350[0] : i32 from vector<1xi32>
      %mul3A_352 = arith.constant 16 : i32
      %mul3A_353 = arith.muli %scan3A_18, %mul3A_352 : i32
      %add3A_354 = arith.addi %mul3A_6, %mul3A_353 : i32
      %add3A_355 = arith.constant 8 : i32
      %add3A_356 = arith.addi %add3A_354, %add3A_355 : i32
      %dma_start3A_357 = arith.constant 0 : i32
      %dma_start3A_358 = tpu.memref_slice %arg10[%add3A_356, %dma_start3A_357] : memref<256x64xf32, #tpu.memory_space<vmem>> -> memref<1x64xf32, #tpu.memory_space<vmem>>
      %dma_start3A_359 = tpu.memref_squeeze %dma_start3A_358 : memref<1x64xf32, #tpu.memory_space<vmem>> -> memref<64xf32, #tpu.memory_space<vmem>>
      %dma_start3A_360 = arith.constant 0 : i32
      %dma_start3A_361 = tpu.memref_slice %arg5[%squeeze3A_351, %dma_start3A_360] : memref<1000000x64xf32, #tpu.memory_space<hbm>> -> memref<1x64xf32, #tpu.memory_space<hbm>>
      %dma_start3A_362 = tpu.memref_squeeze %dma_start3A_361 : memref<1x64xf32, #tpu.memory_space<hbm>> -> memref<64xf32, #tpu.memory_space<hbm>>
      %dma_start3A_363 = arith.constant 0 : i32
      %dma_start3A_364 = tpu.memref_slice %arg10[%add3A_356, %dma_start3A_363] : memref<256x64xf32, #tpu.memory_space<vmem>> -> memref<1x64xf32, #tpu.memory_space<vmem>>
      %dma_start3A_365 = tpu.memref_squeeze %dma_start3A_364 : memref<1x64xf32, #tpu.memory_space<vmem>> -> memref<64xf32, #tpu.memory_space<vmem>>
      %dma_start3A_366 = arith.constant 0 : i32
      %dma_start3A_367 = tpu.memref_slice %arg5[%squeeze3A_351, %dma_start3A_366] : memref<1000000x64xf32, #tpu.memory_space<hbm>> -> memref<1x64xf32, #tpu.memory_space<hbm>>
      %dma_start3A_368 = tpu.memref_squeeze %dma_start3A_367 : memref<1x64xf32, #tpu.memory_space<hbm>> -> memref<64xf32, #tpu.memory_space<hbm>>
      tpu.enqueue_dma source(%dma_start3A_368 : memref<64xf32, #tpu.memory_space<hbm>>) target(%dma_start3A_365 : memref<64xf32, #tpu.memory_space<vmem>>) target_semaphore(%arg12 : memref<!tpu.dma_semaphore, #tpu.memory_space<semaphore_mem>>)
      %slice3A_369 = vector.extract_strided_slice %get3A_23 {offsets = [9], sizes = [1], strides = [1]} : vector<16xi32> to vector<1xi32>
      %squeeze3A_370 = vector.extract %slice3A_369[0] : i32 from vector<1xi32>
      %mul3A_371 = arith.constant 16 : i32
      %mul3A_372 = arith.muli %scan3A_18, %mul3A_371 : i32
      %add3A_373 = arith.addi %mul3A_6, %mul3A_372 : i32
      %add3A_374 = arith.constant 9 : i32
      %add3A_375 = arith.addi %add3A_373, %add3A_374 : i32
      %dma_start3A_376 = arith.constant 0 : i32
      %dma_start3A_377 = tpu.memref_slice %arg9[%add3A_375, %dma_start3A_376] : memref<256x64xf32, #tpu.memory_space<vmem>> -> memref<1x64xf32, #tpu.memory_space<vmem>>
      %dma_start3A_378 = tpu.memref_squeeze %dma_start3A_377 : memref<1x64xf32, #tpu.memory_space<vmem>> -> memref<64xf32, #tpu.memory_space<vmem>>
      %dma_start3A_379 = arith.constant 0 : i32
      %dma_start3A_380 = tpu.memref_slice %arg4[%squeeze3A_370, %dma_start3A_379] : memref<1000000x64xf32, #tpu.memory_space<hbm>> -> memref<1x64xf32, #tpu.memory_space<hbm>>
      %dma_start3A_381 = tpu.memref_squeeze %dma_start3A_380 : memref<1x64xf32, #tpu.memory_space<hbm>> -> memref<64xf32, #tpu.memory_space<hbm>>
      %dma_start3A_382 = arith.constant 0 : i32
      %dma_start3A_383 = tpu.memref_slice %arg9[%add3A_375, %dma_start3A_382] : memref<256x64xf32, #tpu.memory_space<vmem>> -> memref<1x64xf32, #tpu.memory_space<vmem>>
      %dma_start3A_384 = tpu.memref_squeeze %dma_start3A_383 : memref<1x64xf32, #tpu.memory_space<vmem>> -> memref<64xf32, #tpu.memory_space<vmem>>
      %dma_start3A_385 = arith.constant 0 : i32
      %dma_start3A_386 = tpu.memref_slice %arg4[%squeeze3A_370, %dma_start3A_385] : memref<1000000x64xf32, #tpu.memory_space<hbm>> -> memref<1x64xf32, #tpu.memory_space<hbm>>
      %dma_start3A_387 = tpu.memref_squeeze %dma_start3A_386 : memref<1x64xf32, #tpu.memory_space<hbm>> -> memref<64xf32, #tpu.memory_space<hbm>>
      tpu.enqueue_dma source(%dma_start3A_387 : memref<64xf32, #tpu.memory_space<hbm>>) target(%dma_start3A_384 : memref<64xf32, #tpu.memory_space<vmem>>) target_semaphore(%arg12 : memref<!tpu.dma_semaphore, #tpu.memory_space<semaphore_mem>>)
      %slice3A_388 = vector.extract_strided_slice %get3A_29 {offsets = [9], sizes = [1], strides = [1]} : vector<16xi32> to vector<1xi32>
      %squeeze3A_389 = vector.extract %slice3A_388[0] : i32 from vector<1xi32>
      %mul3A_390 = arith.constant 16 : i32
      %mul3A_391 = arith.muli %scan3A_18, %mul3A_390 : i32
      %add3A_392 = arith.addi %mul3A_6, %mul3A_391 : i32
      %add3A_393 = arith.constant 9 : i32
      %add3A_394 = arith.addi %add3A_392, %add3A_393 : i32
      %dma_start3A_395 = arith.constant 0 : i32
      %dma_start3A_396 = tpu.memref_slice %arg10[%add3A_394, %dma_start3A_395] : memref<256x64xf32, #tpu.memory_space<vmem>> -> memref<1x64xf32, #tpu.memory_space<vmem>>
      %dma_start3A_397 = tpu.memref_squeeze %dma_start3A_396 : memref<1x64xf32, #tpu.memory_space<vmem>> -> memref<64xf32, #tpu.memory_space<vmem>>
      %dma_start3A_398 = arith.constant 0 : i32
      %dma_start3A_399 = tpu.memref_slice %arg5[%squeeze3A_389, %dma_start3A_398] : memref<1000000x64xf32, #tpu.memory_space<hbm>> -> memref<1x64xf32, #tpu.memory_space<hbm>>
      %dma_start3A_400 = tpu.memref_squeeze %dma_start3A_399 : memref<1x64xf32, #tpu.memory_space<hbm>> -> memref<64xf32, #tpu.memory_space<hbm>>
      %dma_start3A_401 = arith.constant 0 : i32
      %dma_start3A_402 = tpu.memref_slice %arg10[%add3A_394, %dma_start3A_401] : memref<256x64xf32, #tpu.memory_space<vmem>> -> memref<1x64xf32, #tpu.memory_space<vmem>>
      %dma_start3A_403 = tpu.memref_squeeze %dma_start3A_402 : memref<1x64xf32, #tpu.memory_space<vmem>> -> memref<64xf32, #tpu.memory_space<vmem>>
      %dma_start3A_404 = arith.constant 0 : i32
      %dma_start3A_405 = tpu.memref_slice %arg5[%squeeze3A_389, %dma_start3A_404] : memref<1000000x64xf32, #tpu.memory_space<hbm>> -> memref<1x64xf32, #tpu.memory_space<hbm>>
      %dma_start3A_406 = tpu.memref_squeeze %dma_start3A_405 : memref<1x64xf32, #tpu.memory_space<hbm>> -> memref<64xf32, #tpu.memory_space<hbm>>
      tpu.enqueue_dma source(%dma_start3A_406 : memref<64xf32, #tpu.memory_space<hbm>>) target(%dma_start3A_403 : memref<64xf32, #tpu.memory_space<vmem>>) target_semaphore(%arg12 : memref<!tpu.dma_semaphore, #tpu.memory_space<semaphore_mem>>)
      %slice3A_407 = vector.extract_strided_slice %get3A_23 {offsets = [10], sizes = [1], strides = [1]} : vector<16xi32> to vector<1xi32>
      %squeeze3A_408 = vector.extract %slice3A_407[0] : i32 from vector<1xi32>
      %mul3A_409 = arith.constant 16 : i32
      %mul3A_410 = arith.muli %scan3A_18, %mul3A_409 : i32
      %add3A_411 = arith.addi %mul3A_6, %mul3A_410 : i32
      %add3A_412 = arith.constant 10 : i32
      %add3A_413 = arith.addi %add3A_411, %add3A_412 : i32
      %dma_start3A_414 = arith.constant 0 : i32
      %dma_start3A_415 = tpu.memref_slice %arg9[%add3A_413, %dma_start3A_414] : memref<256x64xf32, #tpu.memory_space<vmem>> -> memref<1x64xf32, #tpu.memory_space<vmem>>
      %dma_start3A_416 = tpu.memref_squeeze %dma_start3A_415 : memref<1x64xf32, #tpu.memory_space<vmem>> -> memref<64xf32, #tpu.memory_space<vmem>>
      %dma_start3A_417 = arith.constant 0 : i32
      %dma_start3A_418 = tpu.memref_slice %arg4[%squeeze3A_408, %dma_start3A_417] : memref<1000000x64xf32, #tpu.memory_space<hbm>> -> memref<1x64xf32, #tpu.memory_space<hbm>>
      %dma_start3A_419 = tpu.memref_squeeze %dma_start3A_418 : memref<1x64xf32, #tpu.memory_space<hbm>> -> memref<64xf32, #tpu.memory_space<hbm>>
      %dma_start3A_420 = arith.constant 0 : i32
      %dma_start3A_421 = tpu.memref_slice %arg9[%add3A_413, %dma_start3A_420] : memref<256x64xf32, #tpu.memory_space<vmem>> -> memref<1x64xf32, #tpu.memory_space<vmem>>
      %dma_start3A_422 = tpu.memref_squeeze %dma_start3A_421 : memref<1x64xf32, #tpu.memory_space<vmem>> -> memref<64xf32, #tpu.memory_space<vmem>>
      %dma_start3A_423 = arith.constant 0 : i32
      %dma_start3A_424 = tpu.memref_slice %arg4[%squeeze3A_408, %dma_start3A_423] : memref<1000000x64xf32, #tpu.memory_space<hbm>> -> memref<1x64xf32, #tpu.memory_space<hbm>>
      %dma_start3A_425 = tpu.memref_squeeze %dma_start3A_424 : memref<1x64xf32, #tpu.memory_space<hbm>> -> memref<64xf32, #tpu.memory_space<hbm>>
      tpu.enqueue_dma source(%dma_start3A_425 : memref<64xf32, #tpu.memory_space<hbm>>) target(%dma_start3A_422 : memref<64xf32, #tpu.memory_space<vmem>>) target_semaphore(%arg12 : memref<!tpu.dma_semaphore, #tpu.memory_space<semaphore_mem>>)
      %slice3A_426 = vector.extract_strided_slice %get3A_29 {offsets = [10], sizes = [1], strides = [1]} : vector<16xi32> to vector<1xi32>
      %squeeze3A_427 = vector.extract %slice3A_426[0] : i32 from vector<1xi32>
      %mul3A_428 = arith.constant 16 : i32
      %mul3A_429 = arith.muli %scan3A_18, %mul3A_428 : i32
      %add3A_430 = arith.addi %mul3A_6, %mul3A_429 : i32
      %add3A_431 = arith.constant 10 : i32
      %add3A_432 = arith.addi %add3A_430, %add3A_431 : i32
      %dma_start3A_433 = arith.constant 0 : i32
      %dma_start3A_434 = tpu.memref_slice %arg10[%add3A_432, %dma_start3A_433] : memref<256x64xf32, #tpu.memory_space<vmem>> -> memref<1x64xf32, #tpu.memory_space<vmem>>
      %dma_start3A_435 = tpu.memref_squeeze %dma_start3A_434 : memref<1x64xf32, #tpu.memory_space<vmem>> -> memref<64xf32, #tpu.memory_space<vmem>>
      %dma_start3A_436 = arith.constant 0 : i32
      %dma_start3A_437 = tpu.memref_slice %arg5[%squeeze3A_427, %dma_start3A_436] : memref<1000000x64xf32, #tpu.memory_space<hbm>> -> memref<1x64xf32, #tpu.memory_space<hbm>>
      %dma_start3A_438 = tpu.memref_squeeze %dma_start3A_437 : memref<1x64xf32, #tpu.memory_space<hbm>> -> memref<64xf32, #tpu.memory_space<hbm>>
      %dma_start3A_439 = arith.constant 0 : i32
      %dma_start3A_440 = tpu.memref_slice %arg10[%add3A_432, %dma_start3A_439] : memref<256x64xf32, #tpu.memory_space<vmem>> -> memref<1x64xf32, #tpu.memory_space<vmem>>
      %dma_start3A_441 = tpu.memref_squeeze %dma_start3A_440 : memref<1x64xf32, #tpu.memory_space<vmem>> -> memref<64xf32, #tpu.memory_space<vmem>>
      %dma_start3A_442 = arith.constant 0 : i32
      %dma_start3A_443 = tpu.memref_slice %arg5[%squeeze3A_427, %dma_start3A_442] : memref<1000000x64xf32, #tpu.memory_space<hbm>> -> memref<1x64xf32, #tpu.memory_space<hbm>>
      %dma_start3A_444 = tpu.memref_squeeze %dma_start3A_443 : memref<1x64xf32, #tpu.memory_space<hbm>> -> memref<64xf32, #tpu.memory_space<hbm>>
      tpu.enqueue_dma source(%dma_start3A_444 : memref<64xf32, #tpu.memory_space<hbm>>) target(%dma_start3A_441 : memref<64xf32, #tpu.memory_space<vmem>>) target_semaphore(%arg12 : memref<!tpu.dma_semaphore, #tpu.memory_space<semaphore_mem>>)
      %slice3A_445 = vector.extract_strided_slice %get3A_23 {offsets = [11], sizes = [1], strides = [1]} : vector<16xi32> to vector<1xi32>
      %squeeze3A_446 = vector.extract %slice3A_445[0] : i32 from vector<1xi32>
      %mul3A_447 = arith.constant 16 : i32
      %mul3A_448 = arith.muli %scan3A_18, %mul3A_447 : i32
      %add3A_449 = arith.addi %mul3A_6, %mul3A_448 : i32
      %add3A_450 = arith.constant 11 : i32
      %add3A_451 = arith.addi %add3A_449, %add3A_450 : i32
      %dma_start3A_452 = arith.constant 0 : i32
      %dma_start3A_453 = tpu.memref_slice %arg9[%add3A_451, %dma_start3A_452] : memref<256x64xf32, #tpu.memory_space<vmem>> -> memref<1x64xf32, #tpu.memory_space<vmem>>
      %dma_start3A_454 = tpu.memref_squeeze %dma_start3A_453 : memref<1x64xf32, #tpu.memory_space<vmem>> -> memref<64xf32, #tpu.memory_space<vmem>>
      %dma_start3A_455 = arith.constant 0 : i32
      %dma_start3A_456 = tpu.memref_slice %arg4[%squeeze3A_446, %dma_start3A_455] : memref<1000000x64xf32, #tpu.memory_space<hbm>> -> memref<1x64xf32, #tpu.memory_space<hbm>>
      %dma_start3A_457 = tpu.memref_squeeze %dma_start3A_456 : memref<1x64xf32, #tpu.memory_space<hbm>> -> memref<64xf32, #tpu.memory_space<hbm>>
      %dma_start3A_458 = arith.constant 0 : i32
      %dma_start3A_459 = tpu.memref_slice %arg9[%add3A_451, %dma_start3A_458] : memref<256x64xf32, #tpu.memory_space<vmem>> -> memref<1x64xf32, #tpu.memory_space<vmem>>
      %dma_start3A_460 = tpu.memref_squeeze %dma_start3A_459 : memref<1x64xf32, #tpu.memory_space<vmem>> -> memref<64xf32, #tpu.memory_space<vmem>>
      %dma_start3A_461 = arith.constant 0 : i32
      %dma_start3A_462 = tpu.memref_slice %arg4[%squeeze3A_446, %dma_start3A_461] : memref<1000000x64xf32, #tpu.memory_space<hbm>> -> memref<1x64xf32, #tpu.memory_space<hbm>>
      %dma_start3A_463 = tpu.memref_squeeze %dma_start3A_462 : memref<1x64xf32, #tpu.memory_space<hbm>> -> memref<64xf32, #tpu.memory_space<hbm>>
      tpu.enqueue_dma source(%dma_start3A_463 : memref<64xf32, #tpu.memory_space<hbm>>) target(%dma_start3A_460 : memref<64xf32, #tpu.memory_space<vmem>>) target_semaphore(%arg12 : memref<!tpu.dma_semaphore, #tpu.memory_space<semaphore_mem>>)
      %slice3A_464 = vector.extract_strided_slice %get3A_29 {offsets = [11], sizes = [1], strides = [1]} : vector<16xi32> to vector<1xi32>
      %squeeze3A_465 = vector.extract %slice3A_464[0] : i32 from vector<1xi32>
      %mul3A_466 = arith.constant 16 : i32
      %mul3A_467 = arith.muli %scan3A_18, %mul3A_466 : i32
      %add3A_468 = arith.addi %mul3A_6, %mul3A_467 : i32
      %add3A_469 = arith.constant 11 : i32
      %add3A_470 = arith.addi %add3A_468, %add3A_469 : i32
      %dma_start3A_471 = arith.constant 0 : i32
      %dma_start3A_472 = tpu.memref_slice %arg10[%add3A_470, %dma_start3A_471] : memref<256x64xf32, #tpu.memory_space<vmem>> -> memref<1x64xf32, #tpu.memory_space<vmem>>
      %dma_start3A_473 = tpu.memref_squeeze %dma_start3A_472 : memref<1x64xf32, #tpu.memory_space<vmem>> -> memref<64xf32, #tpu.memory_space<vmem>>
      %dma_start3A_474 = arith.constant 0 : i32
      %dma_start3A_475 = tpu.memref_slice %arg5[%squeeze3A_465, %dma_start3A_474] : memref<1000000x64xf32, #tpu.memory_space<hbm>> -> memref<1x64xf32, #tpu.memory_space<hbm>>
      %dma_start3A_476 = tpu.memref_squeeze %dma_start3A_475 : memref<1x64xf32, #tpu.memory_space<hbm>> -> memref<64xf32, #tpu.memory_space<hbm>>
      %dma_start3A_477 = arith.constant 0 : i32
      %dma_start3A_478 = tpu.memref_slice %arg10[%add3A_470, %dma_start3A_477] : memref<256x64xf32, #tpu.memory_space<vmem>> -> memref<1x64xf32, #tpu.memory_space<vmem>>
      %dma_start3A_479 = tpu.memref_squeeze %dma_start3A_478 : memref<1x64xf32, #tpu.memory_space<vmem>> -> memref<64xf32, #tpu.memory_space<vmem>>
      %dma_start3A_480 = arith.constant 0 : i32
      %dma_start3A_481 = tpu.memref_slice %arg5[%squeeze3A_465, %dma_start3A_480] : memref<1000000x64xf32, #tpu.memory_space<hbm>> -> memref<1x64xf32, #tpu.memory_space<hbm>>
      %dma_start3A_482 = tpu.memref_squeeze %dma_start3A_481 : memref<1x64xf32, #tpu.memory_space<hbm>> -> memref<64xf32, #tpu.memory_space<hbm>>
      tpu.enqueue_dma source(%dma_start3A_482 : memref<64xf32, #tpu.memory_space<hbm>>) target(%dma_start3A_479 : memref<64xf32, #tpu.memory_space<vmem>>) target_semaphore(%arg12 : memref<!tpu.dma_semaphore, #tpu.memory_space<semaphore_mem>>)
      %slice3A_483 = vector.extract_strided_slice %get3A_23 {offsets = [12], sizes = [1], strides = [1]} : vector<16xi32> to vector<1xi32>
      %squeeze3A_484 = vector.extract %slice3A_483[0] : i32 from vector<1xi32>
      %mul3A_485 = arith.constant 16 : i32
      %mul3A_486 = arith.muli %scan3A_18, %mul3A_485 : i32
      %add3A_487 = arith.addi %mul3A_6, %mul3A_486 : i32
      %add3A_488 = arith.constant 12 : i32
      %add3A_489 = arith.addi %add3A_487, %add3A_488 : i32
      %dma_start3A_490 = arith.constant 0 : i32
      %dma_start3A_491 = tpu.memref_slice %arg9[%add3A_489, %dma_start3A_490] : memref<256x64xf32, #tpu.memory_space<vmem>> -> memref<1x64xf32, #tpu.memory_space<vmem>>
      %dma_start3A_492 = tpu.memref_squeeze %dma_start3A_491 : memref<1x64xf32, #tpu.memory_space<vmem>> -> memref<64xf32, #tpu.memory_space<vmem>>
      %dma_start3A_493 = arith.constant 0 : i32
      %dma_start3A_494 = tpu.memref_slice %arg4[%squeeze3A_484, %dma_start3A_493] : memref<1000000x64xf32, #tpu.memory_space<hbm>> -> memref<1x64xf32, #tpu.memory_space<hbm>>
      %dma_start3A_495 = tpu.memref_squeeze %dma_start3A_494 : memref<1x64xf32, #tpu.memory_space<hbm>> -> memref<64xf32, #tpu.memory_space<hbm>>
      %dma_start3A_496 = arith.constant 0 : i32
      %dma_start3A_497 = tpu.memref_slice %arg9[%add3A_489, %dma_start3A_496] : memref<256x64xf32, #tpu.memory_space<vmem>> -> memref<1x64xf32, #tpu.memory_space<vmem>>
      %dma_start3A_498 = tpu.memref_squeeze %dma_start3A_497 : memref<1x64xf32, #tpu.memory_space<vmem>> -> memref<64xf32, #tpu.memory_space<vmem>>
      %dma_start3A_499 = arith.constant 0 : i32
      %dma_start3A_500 = tpu.memref_slice %arg4[%squeeze3A_484, %dma_start3A_499] : memref<1000000x64xf32, #tpu.memory_space<hbm>> -> memref<1x64xf32, #tpu.memory_space<hbm>>
      %dma_start3A_501 = tpu.memref_squeeze %dma_start3A_500 : memref<1x64xf32, #tpu.memory_space<hbm>> -> memref<64xf32, #tpu.memory_space<hbm>>
      tpu.enqueue_dma source(%dma_start3A_501 : memref<64xf32, #tpu.memory_space<hbm>>) target(%dma_start3A_498 : memref<64xf32, #tpu.memory_space<vmem>>) target_semaphore(%arg12 : memref<!tpu.dma_semaphore, #tpu.memory_space<semaphore_mem>>)
      %slice3A_502 = vector.extract_strided_slice %get3A_29 {offsets = [12], sizes = [1], strides = [1]} : vector<16xi32> to vector<1xi32>
      %squeeze3A_503 = vector.extract %slice3A_502[0] : i32 from vector<1xi32>
      %mul3A_504 = arith.constant 16 : i32
      %mul3A_505 = arith.muli %scan3A_18, %mul3A_504 : i32
      %add3A_506 = arith.addi %mul3A_6, %mul3A_505 : i32
      %add3A_507 = arith.constant 12 : i32
      %add3A_508 = arith.addi %add3A_506, %add3A_507 : i32
      %dma_start3A_509 = arith.constant 0 : i32
      %dma_start3A_510 = tpu.memref_slice %arg10[%add3A_508, %dma_start3A_509] : memref<256x64xf32, #tpu.memory_space<vmem>> -> memref<1x64xf32, #tpu.memory_space<vmem>>
      %dma_start3A_511 = tpu.memref_squeeze %dma_start3A_510 : memref<1x64xf32, #tpu.memory_space<vmem>> -> memref<64xf32, #tpu.memory_space<vmem>>
      %dma_start3A_512 = arith.constant 0 : i32
      %dma_start3A_513 = tpu.memref_slice %arg5[%squeeze3A_503, %dma_start3A_512] : memref<1000000x64xf32, #tpu.memory_space<hbm>> -> memref<1x64xf32, #tpu.memory_space<hbm>>
      %dma_start3A_514 = tpu.memref_squeeze %dma_start3A_513 : memref<1x64xf32, #tpu.memory_space<hbm>> -> memref<64xf32, #tpu.memory_space<hbm>>
      %dma_start3A_515 = arith.constant 0 : i32
      %dma_start3A_516 = tpu.memref_slice %arg10[%add3A_508, %dma_start3A_515] : memref<256x64xf32, #tpu.memory_space<vmem>> -> memref<1x64xf32, #tpu.memory_space<vmem>>
      %dma_start3A_517 = tpu.memref_squeeze %dma_start3A_516 : memref<1x64xf32, #tpu.memory_space<vmem>> -> memref<64xf32, #tpu.memory_space<vmem>>
      %dma_start3A_518 = arith.constant 0 : i32
      %dma_start3A_519 = tpu.memref_slice %arg5[%squeeze3A_503, %dma_start3A_518] : memref<1000000x64xf32, #tpu.memory_space<hbm>> -> memref<1x64xf32, #tpu.memory_space<hbm>>
      %dma_start3A_520 = tpu.memref_squeeze %dma_start3A_519 : memref<1x64xf32, #tpu.memory_space<hbm>> -> memref<64xf32, #tpu.memory_space<hbm>>
      tpu.enqueue_dma source(%dma_start3A_520 : memref<64xf32, #tpu.memory_space<hbm>>) target(%dma_start3A_517 : memref<64xf32, #tpu.memory_space<vmem>>) target_semaphore(%arg12 : memref<!tpu.dma_semaphore, #tpu.memory_space<semaphore_mem>>)
      %slice3A_521 = vector.extract_strided_slice %get3A_23 {offsets = [13], sizes = [1], strides = [1]} : vector<16xi32> to vector<1xi32>
      %squeeze3A_522 = vector.extract %slice3A_521[0] : i32 from vector<1xi32>
      %mul3A_523 = arith.constant 16 : i32
      %mul3A_524 = arith.muli %scan3A_18, %mul3A_523 : i32
      %add3A_525 = arith.addi %mul3A_6, %mul3A_524 : i32
      %add3A_526 = arith.constant 13 : i32
      %add3A_527 = arith.addi %add3A_525, %add3A_526 : i32
      %dma_start3A_528 = arith.constant 0 : i32
      %dma_start3A_529 = tpu.memref_slice %arg9[%add3A_527, %dma_start3A_528] : memref<256x64xf32, #tpu.memory_space<vmem>> -> memref<1x64xf32, #tpu.memory_space<vmem>>
      %dma_start3A_530 = tpu.memref_squeeze %dma_start3A_529 : memref<1x64xf32, #tpu.memory_space<vmem>> -> memref<64xf32, #tpu.memory_space<vmem>>
      %dma_start3A_531 = arith.constant 0 : i32
      %dma_start3A_532 = tpu.memref_slice %arg4[%squeeze3A_522, %dma_start3A_531] : memref<1000000x64xf32, #tpu.memory_space<hbm>> -> memref<1x64xf32, #tpu.memory_space<hbm>>
      %dma_start3A_533 = tpu.memref_squeeze %dma_start3A_532 : memref<1x64xf32, #tpu.memory_space<hbm>> -> memref<64xf32, #tpu.memory_space<hbm>>
      %dma_start3A_534 = arith.constant 0 : i32
      %dma_start3A_535 = tpu.memref_slice %arg9[%add3A_527, %dma_start3A_534] : memref<256x64xf32, #tpu.memory_space<vmem>> -> memref<1x64xf32, #tpu.memory_space<vmem>>
      %dma_start3A_536 = tpu.memref_squeeze %dma_start3A_535 : memref<1x64xf32, #tpu.memory_space<vmem>> -> memref<64xf32, #tpu.memory_space<vmem>>
      %dma_start3A_537 = arith.constant 0 : i32
      %dma_start3A_538 = tpu.memref_slice %arg4[%squeeze3A_522, %dma_start3A_537] : memref<1000000x64xf32, #tpu.memory_space<hbm>> -> memref<1x64xf32, #tpu.memory_space<hbm>>
      %dma_start3A_539 = tpu.memref_squeeze %dma_start3A_538 : memref<1x64xf32, #tpu.memory_space<hbm>> -> memref<64xf32, #tpu.memory_space<hbm>>
      tpu.enqueue_dma source(%dma_start3A_539 : memref<64xf32, #tpu.memory_space<hbm>>) target(%dma_start3A_536 : memref<64xf32, #tpu.memory_space<vmem>>) target_semaphore(%arg12 : memref<!tpu.dma_semaphore, #tpu.memory_space<semaphore_mem>>)
      %slice3A_540 = vector.extract_strided_slice %get3A_29 {offsets = [13], sizes = [1], strides = [1]} : vector<16xi32> to vector<1xi32>
      %squeeze3A_541 = vector.extract %slice3A_540[0] : i32 from vector<1xi32>
      %mul3A_542 = arith.constant 16 : i32
      %mul3A_543 = arith.muli %scan3A_18, %mul3A_542 : i32
      %add3A_544 = arith.addi %mul3A_6, %mul3A_543 : i32
      %add3A_545 = arith.constant 13 : i32
      %add3A_546 = arith.addi %add3A_544, %add3A_545 : i32
      %dma_start3A_547 = arith.constant 0 : i32
      %dma_start3A_548 = tpu.memref_slice %arg10[%add3A_546, %dma_start3A_547] : memref<256x64xf32, #tpu.memory_space<vmem>> -> memref<1x64xf32, #tpu.memory_space<vmem>>
      %dma_start3A_549 = tpu.memref_squeeze %dma_start3A_548 : memref<1x64xf32, #tpu.memory_space<vmem>> -> memref<64xf32, #tpu.memory_space<vmem>>
      %dma_start3A_550 = arith.constant 0 : i32
      %dma_start3A_551 = tpu.memref_slice %arg5[%squeeze3A_541, %dma_start3A_550] : memref<1000000x64xf32, #tpu.memory_space<hbm>> -> memref<1x64xf32, #tpu.memory_space<hbm>>
      %dma_start3A_552 = tpu.memref_squeeze %dma_start3A_551 : memref<1x64xf32, #tpu.memory_space<hbm>> -> memref<64xf32, #tpu.memory_space<hbm>>
      %dma_start3A_553 = arith.constant 0 : i32
      %dma_start3A_554 = tpu.memref_slice %arg10[%add3A_546, %dma_start3A_553] : memref<256x64xf32, #tpu.memory_space<vmem>> -> memref<1x64xf32, #tpu.memory_space<vmem>>
      %dma_start3A_555 = tpu.memref_squeeze %dma_start3A_554 : memref<1x64xf32, #tpu.memory_space<vmem>> -> memref<64xf32, #tpu.memory_space<vmem>>
      %dma_start3A_556 = arith.constant 0 : i32
      %dma_start3A_557 = tpu.memref_slice %arg5[%squeeze3A_541, %dma_start3A_556] : memref<1000000x64xf32, #tpu.memory_space<hbm>> -> memref<1x64xf32, #tpu.memory_space<hbm>>
      %dma_start3A_558 = tpu.memref_squeeze %dma_start3A_557 : memref<1x64xf32, #tpu.memory_space<hbm>> -> memref<64xf32, #tpu.memory_space<hbm>>
      tpu.enqueue_dma source(%dma_start3A_558 : memref<64xf32, #tpu.memory_space<hbm>>) target(%dma_start3A_555 : memref<64xf32, #tpu.memory_space<vmem>>) target_semaphore(%arg12 : memref<!tpu.dma_semaphore, #tpu.memory_space<semaphore_mem>>)
      %slice3A_559 = vector.extract_strided_slice %get3A_23 {offsets = [14], sizes = [1], strides = [1]} : vector<16xi32> to vector<1xi32>
      %squeeze3A_560 = vector.extract %slice3A_559[0] : i32 from vector<1xi32>
      %mul3A_561 = arith.constant 16 : i32
      %mul3A_562 = arith.muli %scan3A_18, %mul3A_561 : i32
      %add3A_563 = arith.addi %mul3A_6, %mul3A_562 : i32
      %add3A_564 = arith.constant 14 : i32
      %add3A_565 = arith.addi %add3A_563, %add3A_564 : i32
      %dma_start3A_566 = arith.constant 0 : i32
      %dma_start3A_567 = tpu.memref_slice %arg9[%add3A_565, %dma_start3A_566] : memref<256x64xf32, #tpu.memory_space<vmem>> -> memref<1x64xf32, #tpu.memory_space<vmem>>
      %dma_start3A_568 = tpu.memref_squeeze %dma_start3A_567 : memref<1x64xf32, #tpu.memory_space<vmem>> -> memref<64xf32, #tpu.memory_space<vmem>>
      %dma_start3A_569 = arith.constant 0 : i32
      %dma_start3A_570 = tpu.memref_slice %arg4[%squeeze3A_560, %dma_start3A_569] : memref<1000000x64xf32, #tpu.memory_space<hbm>> -> memref<1x64xf32, #tpu.memory_space<hbm>>
      %dma_start3A_571 = tpu.memref_squeeze %dma_start3A_570 : memref<1x64xf32, #tpu.memory_space<hbm>> -> memref<64xf32, #tpu.memory_space<hbm>>
      %dma_start3A_572 = arith.constant 0 : i32
      %dma_start3A_573 = tpu.memref_slice %arg9[%add3A_565, %dma_start3A_572] : memref<256x64xf32, #tpu.memory_space<vmem>> -> memref<1x64xf32, #tpu.memory_space<vmem>>
      %dma_start3A_574 = tpu.memref_squeeze %dma_start3A_573 : memref<1x64xf32, #tpu.memory_space<vmem>> -> memref<64xf32, #tpu.memory_space<vmem>>
      %dma_start3A_575 = arith.constant 0 : i32
      %dma_start3A_576 = tpu.memref_slice %arg4[%squeeze3A_560, %dma_start3A_575] : memref<1000000x64xf32, #tpu.memory_space<hbm>> -> memref<1x64xf32, #tpu.memory_space<hbm>>
      %dma_start3A_577 = tpu.memref_squeeze %dma_start3A_576 : memref<1x64xf32, #tpu.memory_space<hbm>> -> memref<64xf32, #tpu.memory_space<hbm>>
      tpu.enqueue_dma source(%dma_start3A_577 : memref<64xf32, #tpu.memory_space<hbm>>) target(%dma_start3A_574 : memref<64xf32, #tpu.memory_space<vmem>>) target_semaphore(%arg12 : memref<!tpu.dma_semaphore, #tpu.memory_space<semaphore_mem>>)
      %slice3A_578 = vector.extract_strided_slice %get3A_29 {offsets = [14], sizes = [1], strides = [1]} : vector<16xi32> to vector<1xi32>
      %squeeze3A_579 = vector.extract %slice3A_578[0] : i32 from vector<1xi32>
      %mul3A_580 = arith.constant 16 : i32
      %mul3A_581 = arith.muli %scan3A_18, %mul3A_580 : i32
      %add3A_582 = arith.addi %mul3A_6, %mul3A_581 : i32
      %add3A_583 = arith.constant 14 : i32
      %add3A_584 = arith.addi %add3A_582, %add3A_583 : i32
      %dma_start3A_585 = arith.constant 0 : i32
      %dma_start3A_586 = tpu.memref_slice %arg10[%add3A_584, %dma_start3A_585] : memref<256x64xf32, #tpu.memory_space<vmem>> -> memref<1x64xf32, #tpu.memory_space<vmem>>
      %dma_start3A_587 = tpu.memref_squeeze %dma_start3A_586 : memref<1x64xf32, #tpu.memory_space<vmem>> -> memref<64xf32, #tpu.memory_space<vmem>>
      %dma_start3A_588 = arith.constant 0 : i32
      %dma_start3A_589 = tpu.memref_slice %arg5[%squeeze3A_579, %dma_start3A_588] : memref<1000000x64xf32, #tpu.memory_space<hbm>> -> memref<1x64xf32, #tpu.memory_space<hbm>>
      %dma_start3A_590 = tpu.memref_squeeze %dma_start3A_589 : memref<1x64xf32, #tpu.memory_space<hbm>> -> memref<64xf32, #tpu.memory_space<hbm>>
      %dma_start3A_591 = arith.constant 0 : i32
      %dma_start3A_592 = tpu.memref_slice %arg10[%add3A_584, %dma_start3A_591] : memref<256x64xf32, #tpu.memory_space<vmem>> -> memref<1x64xf32, #tpu.memory_space<vmem>>
      %dma_start3A_593 = tpu.memref_squeeze %dma_start3A_592 : memref<1x64xf32, #tpu.memory_space<vmem>> -> memref<64xf32, #tpu.memory_space<vmem>>
      %dma_start3A_594 = arith.constant 0 : i32
      %dma_start3A_595 = tpu.memref_slice %arg5[%squeeze3A_579, %dma_start3A_594] : memref<1000000x64xf32, #tpu.memory_space<hbm>> -> memref<1x64xf32, #tpu.memory_space<hbm>>
      %dma_start3A_596 = tpu.memref_squeeze %dma_start3A_595 : memref<1x64xf32, #tpu.memory_space<hbm>> -> memref<64xf32, #tpu.memory_space<hbm>>
      tpu.enqueue_dma source(%dma_start3A_596 : memref<64xf32, #tpu.memory_space<hbm>>) target(%dma_start3A_593 : memref<64xf32, #tpu.memory_space<vmem>>) target_semaphore(%arg12 : memref<!tpu.dma_semaphore, #tpu.memory_space<semaphore_mem>>)
      %slice3A_597 = vector.extract_strided_slice %get3A_23 {offsets = [15], sizes = [1], strides = [1]} : vector<16xi32> to vector<1xi32>
      %squeeze3A_598 = vector.extract %slice3A_597[0] : i32 from vector<1xi32>
      %mul3A_599 = arith.constant 16 : i32
      %mul3A_600 = arith.muli %scan3A_18, %mul3A_599 : i32
      %add3A_601 = arith.addi %mul3A_6, %mul3A_600 : i32
      %add3A_602 = arith.constant 15 : i32
      %add3A_603 = arith.addi %add3A_601, %add3A_602 : i32
      %dma_start3A_604 = arith.constant 0 : i32
      %dma_start3A_605 = tpu.memref_slice %arg9[%add3A_603, %dma_start3A_604] : memref<256x64xf32, #tpu.memory_space<vmem>> -> memref<1x64xf32, #tpu.memory_space<vmem>>
      %dma_start3A_606 = tpu.memref_squeeze %dma_start3A_605 : memref<1x64xf32, #tpu.memory_space<vmem>> -> memref<64xf32, #tpu.memory_space<vmem>>
      %dma_start3A_607 = arith.constant 0 : i32
      %dma_start3A_608 = tpu.memref_slice %arg4[%squeeze3A_598, %dma_start3A_607] : memref<1000000x64xf32, #tpu.memory_space<hbm>> -> memref<1x64xf32, #tpu.memory_space<hbm>>
      %dma_start3A_609 = tpu.memref_squeeze %dma_start3A_608 : memref<1x64xf32, #tpu.memory_space<hbm>> -> memref<64xf32, #tpu.memory_space<hbm>>
      %dma_start3A_610 = arith.constant 0 : i32
      %dma_start3A_611 = tpu.memref_slice %arg9[%add3A_603, %dma_start3A_610] : memref<256x64xf32, #tpu.memory_space<vmem>> -> memref<1x64xf32, #tpu.memory_space<vmem>>
      %dma_start3A_612 = tpu.memref_squeeze %dma_start3A_611 : memref<1x64xf32, #tpu.memory_space<vmem>> -> memref<64xf32, #tpu.memory_space<vmem>>
      %dma_start3A_613 = arith.constant 0 : i32
      %dma_start3A_614 = tpu.memref_slice %arg4[%squeeze3A_598, %dma_start3A_613] : memref<1000000x64xf32, #tpu.memory_space<hbm>> -> memref<1x64xf32, #tpu.memory_space<hbm>>
      %dma_start3A_615 = tpu.memref_squeeze %dma_start3A_614 : memref<1x64xf32, #tpu.memory_space<hbm>> -> memref<64xf32, #tpu.memory_space<hbm>>
      tpu.enqueue_dma source(%dma_start3A_615 : memref<64xf32, #tpu.memory_space<hbm>>) target(%dma_start3A_612 : memref<64xf32, #tpu.memory_space<vmem>>) target_semaphore(%arg12 : memref<!tpu.dma_semaphore, #tpu.memory_space<semaphore_mem>>)
      %slice3A_616 = vector.extract_strided_slice %get3A_29 {offsets = [15], sizes = [1], strides = [1]} : vector<16xi32> to vector<1xi32>
      %squeeze3A_617 = vector.extract %slice3A_616[0] : i32 from vector<1xi32>
      %mul3A_618 = arith.constant 16 : i32
      %mul3A_619 = arith.muli %scan3A_18, %mul3A_618 : i32
      %add3A_620 = arith.addi %mul3A_6, %mul3A_619 : i32
      %add3A_621 = arith.constant 15 : i32
      %add3A_622 = arith.addi %add3A_620, %add3A_621 : i32
      %dma_start3A_623 = arith.constant 0 : i32
      %dma_start3A_624 = tpu.memref_slice %arg10[%add3A_622, %dma_start3A_623] : memref<256x64xf32, #tpu.memory_space<vmem>> -> memref<1x64xf32, #tpu.memory_space<vmem>>
      %dma_start3A_625 = tpu.memref_squeeze %dma_start3A_624 : memref<1x64xf32, #tpu.memory_space<vmem>> -> memref<64xf32, #tpu.memory_space<vmem>>
      %dma_start3A_626 = arith.constant 0 : i32
      %dma_start3A_627 = tpu.memref_slice %arg5[%squeeze3A_617, %dma_start3A_626] : memref<1000000x64xf32, #tpu.memory_space<hbm>> -> memref<1x64xf32, #tpu.memory_space<hbm>>
      %dma_start3A_628 = tpu.memref_squeeze %dma_start3A_627 : memref<1x64xf32, #tpu.memory_space<hbm>> -> memref<64xf32, #tpu.memory_space<hbm>>
      %dma_start3A_629 = arith.constant 0 : i32
      %dma_start3A_630 = tpu.memref_slice %arg10[%add3A_622, %dma_start3A_629] : memref<256x64xf32, #tpu.memory_space<vmem>> -> memref<1x64xf32, #tpu.memory_space<vmem>>
      %dma_start3A_631 = tpu.memref_squeeze %dma_start3A_630 : memref<1x64xf32, #tpu.memory_space<vmem>> -> memref<64xf32, #tpu.memory_space<vmem>>
      %dma_start3A_632 = arith.constant 0 : i32
      %dma_start3A_633 = tpu.memref_slice %arg5[%squeeze3A_617, %dma_start3A_632] : memref<1000000x64xf32, #tpu.memory_space<hbm>> -> memref<1x64xf32, #tpu.memory_space<hbm>>
      %dma_start3A_634 = tpu.memref_squeeze %dma_start3A_633 : memref<1x64xf32, #tpu.memory_space<hbm>> -> memref<64xf32, #tpu.memory_space<hbm>>
      tpu.enqueue_dma source(%dma_start3A_634 : memref<64xf32, #tpu.memory_space<hbm>>) target(%dma_start3A_631 : memref<64xf32, #tpu.memory_space<vmem>>) target_semaphore(%arg12 : memref<!tpu.dma_semaphore, #tpu.memory_space<semaphore_mem>>)
    }
    %scan3A_11 = arith.constant 8 : i32
    %scan3A_12 = arith.constant 0 : i32
    %scan3A_13 = arith.constant 0 : i32
    %scan3A_14 = arith.constant 4 : i32
    %scan3A_15 = arith.addi %scan3A_13, %scan3A_14 : i32
    %scan3A_16 = arith.constant 1 : i32
    scf.for %scan3A_18 = %scan3A_13 to %scan3A_15 step %scan3A_16  : i32 {
      %add3A_19 = arith.constant 1 : i32
      %add3A_20 = arith.addi %scan3A_18, %add3A_19 : i32
      %lt3A = arith.constant 4 : i32
      %lt3A_21 = arith.cmpi slt, %add3A_20, %lt3A : i32
      %convert_element_type3A = arith.extui %lt3A_21 : i1 to i32
      %cond3A = arith.constant 0 : i32
      %cond3A_22 = arith.cmpi ne, %convert_element_type3A, %cond3A : i32
      scf.if %cond3A_22 {
        %add3A_56 = arith.constant 1 : i32
        %add3A_57 = arith.addi %scan3A_18, %add3A_56 : i32
        %rem3A_58 = arith.constant 2 : i32
        %rem3A_59 = arith.remsi %add3A_57, %rem3A_58 : i32
        %mul3A_60 = arith.constant 128 : i32
        %mul3A_61 = arith.muli %rem3A_59, %mul3A_60 : i32
        %scan3A_62 = arith.constant 0 : i32
        %scan3A_63 = arith.constant 0 : i32
        %scan3A_64 = arith.constant 8 : i32
        %scan3A_65 = arith.addi %scan3A_63, %scan3A_64 : i32
        %scan3A_66 = arith.constant 1 : i32
        scf.for %scan3A_68 = %scan3A_63 to %scan3A_65 step %scan3A_66  : i32 {
          %mul3A_69 = arith.constant 128 : i32
          %mul3A_70 = arith.muli %add3A_57, %mul3A_69 : i32
          %mul3A_71 = arith.constant 16 : i32
          %mul3A_72 = arith.muli %scan3A_68, %mul3A_71 : i32
          %add3A_73 = arith.addi %mul3A_70, %mul3A_72 : i32
          %get3A = arith.index_cast %add3A_73 : i32 to index
          %get3A_74 = tpu.vector_load %arg7[%get3A] {strides = array<i32>} : memref<512xi32, #tpu.memory_space<vmem>>, vector<16xi32>,
          %mul3A_75 = arith.constant 128 : i32
          %mul3A_76 = arith.muli %add3A_57, %mul3A_75 : i32
          %mul3A_77 = arith.constant 16 : i32
          %mul3A_78 = arith.muli %scan3A_68, %mul3A_77 : i32
          %add3A_79 = arith.addi %mul3A_76, %mul3A_78 : i32
          %get3A_80 = arith.index_cast %add3A_79 : i32 to index
          %get3A_81 = tpu.vector_load %arg8[%get3A_80] {strides = array<i32>} : memref<512xi32, #tpu.memory_space<vmem>>, vector<16xi32>,
          %slice3A = vector.extract_strided_slice %get3A_74 {offsets = [0], sizes = [1], strides = [1]} : vector<16xi32> to vector<1xi32>
          %squeeze3A = vector.extract %slice3A[0] : i32 from vector<1xi32>
          %mul3A_82 = arith.constant 16 : i32
          %mul3A_83 = arith.muli %scan3A_68, %mul3A_82 : i32
          %add3A_84 = arith.addi %mul3A_61, %mul3A_83 : i32
          %add3A_85 = arith.constant 0 : i32
          %add3A_86 = arith.addi %add3A_84, %add3A_85 : i32
          %dma_start3A = arith.constant 0 : i32
          %dma_start3A_87 = tpu.memref_slice %arg9[%add3A_86, %dma_start3A] : memref<256x64xf32, #tpu.memory_space<vmem>> -> memref<1x64xf32, #tpu.memory_space<vmem>>
          %dma_start3A_88 = tpu.memref_squeeze %dma_start3A_87 : memref<1x64xf32, #tpu.memory_space<vmem>> -> memref<64xf32, #tpu.memory_space<vmem>>
          %dma_start3A_89 = arith.constant 0 : i32
          %dma_start3A_90 = tpu.memref_slice %arg4[%squeeze3A, %dma_start3A_89] : memref<1000000x64xf32, #tpu.memory_space<hbm>> -> memref<1x64xf32, #tpu.memory_space<hbm>>
          %dma_start3A_91 = tpu.memref_squeeze %dma_start3A_90 : memref<1x64xf32, #tpu.memory_space<hbm>> -> memref<64xf32, #tpu.memory_space<hbm>>
          %dma_start3A_92 = arith.constant 0 : i32
          %dma_start3A_93 = tpu.memref_slice %arg9[%add3A_86, %dma_start3A_92] : memref<256x64xf32, #tpu.memory_space<vmem>> -> memref<1x64xf32, #tpu.memory_space<vmem>>
          %dma_start3A_94 = tpu.memref_squeeze %dma_start3A_93 : memref<1x64xf32, #tpu.memory_space<vmem>> -> memref<64xf32, #tpu.memory_space<vmem>>
          %dma_start3A_95 = arith.constant 0 : i32
          %dma_start3A_96 = tpu.memref_slice %arg4[%squeeze3A, %dma_start3A_95] : memref<1000000x64xf32, #tpu.memory_space<hbm>> -> memref<1x64xf32, #tpu.memory_space<hbm>>
          %dma_start3A_97 = tpu.memref_squeeze %dma_start3A_96 : memref<1x64xf32, #tpu.memory_space<hbm>> -> memref<64xf32, #tpu.memory_space<hbm>>
          tpu.enqueue_dma source(%dma_start3A_97 : memref<64xf32, #tpu.memory_space<hbm>>) target(%dma_start3A_94 : memref<64xf32, #tpu.memory_space<vmem>>) target_semaphore(%arg12 : memref<!tpu.dma_semaphore, #tpu.memory_space<semaphore_mem>>)
          %slice3A_98 = vector.extract_strided_slice %get3A_81 {offsets = [0], sizes = [1], strides = [1]} : vector<16xi32> to vector<1xi32>
          %squeeze3A_99 = vector.extract %slice3A_98[0] : i32 from vector<1xi32>
          %mul3A_100 = arith.constant 16 : i32
          %mul3A_101 = arith.muli %scan3A_68, %mul3A_100 : i32
          %add3A_102 = arith.addi %mul3A_61, %mul3A_101 : i32
          %add3A_103 = arith.constant 0 : i32
          %add3A_104 = arith.addi %add3A_102, %add3A_103 : i32
          %dma_start3A_105 = arith.constant 0 : i32
          %dma_start3A_106 = tpu.memref_slice %arg10[%add3A_104, %dma_start3A_105] : memref<256x64xf32, #tpu.memory_space<vmem>> -> memref<1x64xf32, #tpu.memory_space<vmem>>
          %dma_start3A_107 = tpu.memref_squeeze %dma_start3A_106 : memref<1x64xf32, #tpu.memory_space<vmem>> -> memref<64xf32, #tpu.memory_space<vmem>>
          %dma_start3A_108 = arith.constant 0 : i32
          %dma_start3A_109 = tpu.memref_slice %arg5[%squeeze3A_99, %dma_start3A_108] : memref<1000000x64xf32, #tpu.memory_space<hbm>> -> memref<1x64xf32, #tpu.memory_space<hbm>>
          %dma_start3A_110 = tpu.memref_squeeze %dma_start3A_109 : memref<1x64xf32, #tpu.memory_space<hbm>> -> memref<64xf32, #tpu.memory_space<hbm>>
          %dma_start3A_111 = arith.constant 0 : i32
          %dma_start3A_112 = tpu.memref_slice %arg10[%add3A_104, %dma_start3A_111] : memref<256x64xf32, #tpu.memory_space<vmem>> -> memref<1x64xf32, #tpu.memory_space<vmem>>
          %dma_start3A_113 = tpu.memref_squeeze %dma_start3A_112 : memref<1x64xf32, #tpu.memory_space<vmem>> -> memref<64xf32, #tpu.memory_space<vmem>>
          %dma_start3A_114 = arith.constant 0 : i32
          %dma_start3A_115 = tpu.memref_slice %arg5[%squeeze3A_99, %dma_start3A_114] : memref<1000000x64xf32, #tpu.memory_space<hbm>> -> memref<1x64xf32, #tpu.memory_space<hbm>>
          %dma_start3A_116 = tpu.memref_squeeze %dma_start3A_115 : memref<1x64xf32, #tpu.memory_space<hbm>> -> memref<64xf32, #tpu.memory_space<hbm>>
          tpu.enqueue_dma source(%dma_start3A_116 : memref<64xf32, #tpu.memory_space<hbm>>) target(%dma_start3A_113 : memref<64xf32, #tpu.memory_space<vmem>>) target_semaphore(%arg12 : memref<!tpu.dma_semaphore, #tpu.memory_space<semaphore_mem>>)
          %slice3A_117 = vector.extract_strided_slice %get3A_74 {offsets = [1], sizes = [1], strides = [1]} : vector<16xi32> to vector<1xi32>
          %squeeze3A_118 = vector.extract %slice3A_117[0] : i32 from vector<1xi32>
          %mul3A_119 = arith.constant 16 : i32
          %mul3A_120 = arith.muli %scan3A_68, %mul3A_119 : i32
          %add3A_121 = arith.addi %mul3A_61, %mul3A_120 : i32
          %add3A_122 = arith.constant 1 : i32
          %add3A_123 = arith.addi %add3A_121, %add3A_122 : i32
          %dma_start3A_124 = arith.constant 0 : i32
          %dma_start3A_125 = tpu.memref_slice %arg9[%add3A_123, %dma_start3A_124] : memref<256x64xf32, #tpu.memory_space<vmem>> -> memref<1x64xf32, #tpu.memory_space<vmem>>
          %dma_start3A_126 = tpu.memref_squeeze %dma_start3A_125 : memref<1x64xf32, #tpu.memory_space<vmem>> -> memref<64xf32, #tpu.memory_space<vmem>>
          %dma_start3A_127 = arith.constant 0 : i32
          %dma_start3A_128 = tpu.memref_slice %arg4[%squeeze3A_118, %dma_start3A_127] : memref<1000000x64xf32, #tpu.memory_space<hbm>> -> memref<1x64xf32, #tpu.memory_space<hbm>>
          %dma_start3A_129 = tpu.memref_squeeze %dma_start3A_128 : memref<1x64xf32, #tpu.memory_space<hbm>> -> memref<64xf32, #tpu.memory_space<hbm>>
          %dma_start3A_130 = arith.constant 0 : i32
          %dma_start3A_131 = tpu.memref_slice %arg9[%add3A_123, %dma_start3A_130] : memref<256x64xf32, #tpu.memory_space<vmem>> -> memref<1x64xf32, #tpu.memory_space<vmem>>
          %dma_start3A_132 = tpu.memref_squeeze %dma_start3A_131 : memref<1x64xf32, #tpu.memory_space<vmem>> -> memref<64xf32, #tpu.memory_space<vmem>>
          %dma_start3A_133 = arith.constant 0 : i32
          %dma_start3A_134 = tpu.memref_slice %arg4[%squeeze3A_118, %dma_start3A_133] : memref<1000000x64xf32, #tpu.memory_space<hbm>> -> memref<1x64xf32, #tpu.memory_space<hbm>>
          %dma_start3A_135 = tpu.memref_squeeze %dma_start3A_134 : memref<1x64xf32, #tpu.memory_space<hbm>> -> memref<64xf32, #tpu.memory_space<hbm>>
          tpu.enqueue_dma source(%dma_start3A_135 : memref<64xf32, #tpu.memory_space<hbm>>) target(%dma_start3A_132 : memref<64xf32, #tpu.memory_space<vmem>>) target_semaphore(%arg12 : memref<!tpu.dma_semaphore, #tpu.memory_space<semaphore_mem>>)
          %slice3A_136 = vector.extract_strided_slice %get3A_81 {offsets = [1], sizes = [1], strides = [1]} : vector<16xi32> to vector<1xi32>
          %squeeze3A_137 = vector.extract %slice3A_136[0] : i32 from vector<1xi32>
          %mul3A_138 = arith.constant 16 : i32
          %mul3A_139 = arith.muli %scan3A_68, %mul3A_138 : i32
          %add3A_140 = arith.addi %mul3A_61, %mul3A_139 : i32
          %add3A_141 = arith.constant 1 : i32
          %add3A_142 = arith.addi %add3A_140, %add3A_141 : i32
          %dma_start3A_143 = arith.constant 0 : i32
          %dma_start3A_144 = tpu.memref_slice %arg10[%add3A_142, %dma_start3A_143] : memref<256x64xf32, #tpu.memory_space<vmem>> -> memref<1x64xf32, #tpu.memory_space<vmem>>
          %dma_start3A_145 = tpu.memref_squeeze %dma_start3A_144 : memref<1x64xf32, #tpu.memory_space<vmem>> -> memref<64xf32, #tpu.memory_space<vmem>>
          %dma_start3A_146 = arith.constant 0 : i32
          %dma_start3A_147 = tpu.memref_slice %arg5[%squeeze3A_137, %dma_start3A_146] : memref<1000000x64xf32, #tpu.memory_space<hbm>> -> memref<1x64xf32, #tpu.memory_space<hbm>>
          %dma_start3A_148 = tpu.memref_squeeze %dma_start3A_147 : memref<1x64xf32, #tpu.memory_space<hbm>> -> memref<64xf32, #tpu.memory_space<hbm>>
          %dma_start3A_149 = arith.constant 0 : i32
          %dma_start3A_150 = tpu.memref_slice %arg10[%add3A_142, %dma_start3A_149] : memref<256x64xf32, #tpu.memory_space<vmem>> -> memref<1x64xf32, #tpu.memory_space<vmem>>
          %dma_start3A_151 = tpu.memref_squeeze %dma_start3A_150 : memref<1x64xf32, #tpu.memory_space<vmem>> -> memref<64xf32, #tpu.memory_space<vmem>>
          %dma_start3A_152 = arith.constant 0 : i32
          %dma_start3A_153 = tpu.memref_slice %arg5[%squeeze3A_137, %dma_start3A_152] : memref<1000000x64xf32, #tpu.memory_space<hbm>> -> memref<1x64xf32, #tpu.memory_space<hbm>>
          %dma_start3A_154 = tpu.memref_squeeze %dma_start3A_153 : memref<1x64xf32, #tpu.memory_space<hbm>> -> memref<64xf32, #tpu.memory_space<hbm>>
          tpu.enqueue_dma source(%dma_start3A_154 : memref<64xf32, #tpu.memory_space<hbm>>) target(%dma_start3A_151 : memref<64xf32, #tpu.memory_space<vmem>>) target_semaphore(%arg12 : memref<!tpu.dma_semaphore, #tpu.memory_space<semaphore_mem>>)
          %slice3A_155 = vector.extract_strided_slice %get3A_74 {offsets = [2], sizes = [1], strides = [1]} : vector<16xi32> to vector<1xi32>
          %squeeze3A_156 = vector.extract %slice3A_155[0] : i32 from vector<1xi32>
          %mul3A_157 = arith.constant 16 : i32
          %mul3A_158 = arith.muli %scan3A_68, %mul3A_157 : i32
          %add3A_159 = arith.addi %mul3A_61, %mul3A_158 : i32
          %add3A_160 = arith.constant 2 : i32
          %add3A_161 = arith.addi %add3A_159, %add3A_160 : i32
          %dma_start3A_162 = arith.constant 0 : i32
          %dma_start3A_163 = tpu.memref_slice %arg9[%add3A_161, %dma_start3A_162] : memref<256x64xf32, #tpu.memory_space<vmem>> -> memref<1x64xf32, #tpu.memory_space<vmem>>
          %dma_start3A_164 = tpu.memref_squeeze %dma_start3A_163 : memref<1x64xf32, #tpu.memory_space<vmem>> -> memref<64xf32, #tpu.memory_space<vmem>>
          %dma_start3A_165 = arith.constant 0 : i32
          %dma_start3A_166 = tpu.memref_slice %arg4[%squeeze3A_156, %dma_start3A_165] : memref<1000000x64xf32, #tpu.memory_space<hbm>> -> memref<1x64xf32, #tpu.memory_space<hbm>>
          %dma_start3A_167 = tpu.memref_squeeze %dma_start3A_166 : memref<1x64xf32, #tpu.memory_space<hbm>> -> memref<64xf32, #tpu.memory_space<hbm>>
          %dma_start3A_168 = arith.constant 0 : i32
          %dma_start3A_169 = tpu.memref_slice %arg9[%add3A_161, %dma_start3A_168] : memref<256x64xf32, #tpu.memory_space<vmem>> -> memref<1x64xf32, #tpu.memory_space<vmem>>
          %dma_start3A_170 = tpu.memref_squeeze %dma_start3A_169 : memref<1x64xf32, #tpu.memory_space<vmem>> -> memref<64xf32, #tpu.memory_space<vmem>>
          %dma_start3A_171 = arith.constant 0 : i32
          %dma_start3A_172 = tpu.memref_slice %arg4[%squeeze3A_156, %dma_start3A_171] : memref<1000000x64xf32, #tpu.memory_space<hbm>> -> memref<1x64xf32, #tpu.memory_space<hbm>>
          %dma_start3A_173 = tpu.memref_squeeze %dma_start3A_172 : memref<1x64xf32, #tpu.memory_space<hbm>> -> memref<64xf32, #tpu.memory_space<hbm>>
          tpu.enqueue_dma source(%dma_start3A_173 : memref<64xf32, #tpu.memory_space<hbm>>) target(%dma_start3A_170 : memref<64xf32, #tpu.memory_space<vmem>>) target_semaphore(%arg12 : memref<!tpu.dma_semaphore, #tpu.memory_space<semaphore_mem>>)
          %slice3A_174 = vector.extract_strided_slice %get3A_81 {offsets = [2], sizes = [1], strides = [1]} : vector<16xi32> to vector<1xi32>
          %squeeze3A_175 = vector.extract %slice3A_174[0] : i32 from vector<1xi32>
          %mul3A_176 = arith.constant 16 : i32
          %mul3A_177 = arith.muli %scan3A_68, %mul3A_176 : i32
          %add3A_178 = arith.addi %mul3A_61, %mul3A_177 : i32
          %add3A_179 = arith.constant 2 : i32
          %add3A_180 = arith.addi %add3A_178, %add3A_179 : i32
          %dma_start3A_181 = arith.constant 0 : i32
          %dma_start3A_182 = tpu.memref_slice %arg10[%add3A_180, %dma_start3A_181] : memref<256x64xf32, #tpu.memory_space<vmem>> -> memref<1x64xf32, #tpu.memory_space<vmem>>
          %dma_start3A_183 = tpu.memref_squeeze %dma_start3A_182 : memref<1x64xf32, #tpu.memory_space<vmem>> -> memref<64xf32, #tpu.memory_space<vmem>>
          %dma_start3A_184 = arith.constant 0 : i32
          %dma_start3A_185 = tpu.memref_slice %arg5[%squeeze3A_175, %dma_start3A_184] : memref<1000000x64xf32, #tpu.memory_space<hbm>> -> memref<1x64xf32, #tpu.memory_space<hbm>>
          %dma_start3A_186 = tpu.memref_squeeze %dma_start3A_185 : memref<1x64xf32, #tpu.memory_space<hbm>> -> memref<64xf32, #tpu.memory_space<hbm>>
          %dma_start3A_187 = arith.constant 0 : i32
          %dma_start3A_188 = tpu.memref_slice %arg10[%add3A_180, %dma_start3A_187] : memref<256x64xf32, #tpu.memory_space<vmem>> -> memref<1x64xf32, #tpu.memory_space<vmem>>
          %dma_start3A_189 = tpu.memref_squeeze %dma_start3A_188 : memref<1x64xf32, #tpu.memory_space<vmem>> -> memref<64xf32, #tpu.memory_space<vmem>>
          %dma_start3A_190 = arith.constant 0 : i32
          %dma_start3A_191 = tpu.memref_slice %arg5[%squeeze3A_175, %dma_start3A_190] : memref<1000000x64xf32, #tpu.memory_space<hbm>> -> memref<1x64xf32, #tpu.memory_space<hbm>>
          %dma_start3A_192 = tpu.memref_squeeze %dma_start3A_191 : memref<1x64xf32, #tpu.memory_space<hbm>> -> memref<64xf32, #tpu.memory_space<hbm>>
          tpu.enqueue_dma source(%dma_start3A_192 : memref<64xf32, #tpu.memory_space<hbm>>) target(%dma_start3A_189 : memref<64xf32, #tpu.memory_space<vmem>>) target_semaphore(%arg12 : memref<!tpu.dma_semaphore, #tpu.memory_space<semaphore_mem>>)
          %slice3A_193 = vector.extract_strided_slice %get3A_74 {offsets = [3], sizes = [1], strides = [1]} : vector<16xi32> to vector<1xi32>
          %squeeze3A_194 = vector.extract %slice3A_193[0] : i32 from vector<1xi32>
          %mul3A_195 = arith.constant 16 : i32
          %mul3A_196 = arith.muli %scan3A_68, %mul3A_195 : i32
          %add3A_197 = arith.addi %mul3A_61, %mul3A_196 : i32
          %add3A_198 = arith.constant 3 : i32
          %add3A_199 = arith.addi %add3A_197, %add3A_198 : i32
          %dma_start3A_200 = arith.constant 0 : i32
          %dma_start3A_201 = tpu.memref_slice %arg9[%add3A_199, %dma_start3A_200] : memref<256x64xf32, #tpu.memory_space<vmem>> -> memref<1x64xf32, #tpu.memory_space<vmem>>
          %dma_start3A_202 = tpu.memref_squeeze %dma_start3A_201 : memref<1x64xf32, #tpu.memory_space<vmem>> -> memref<64xf32, #tpu.memory_space<vmem>>
          %dma_start3A_203 = arith.constant 0 : i32
          %dma_start3A_204 = tpu.memref_slice %arg4[%squeeze3A_194, %dma_start3A_203] : memref<1000000x64xf32, #tpu.memory_space<hbm>> -> memref<1x64xf32, #tpu.memory_space<hbm>>
          %dma_start3A_205 = tpu.memref_squeeze %dma_start3A_204 : memref<1x64xf32, #tpu.memory_space<hbm>> -> memref<64xf32, #tpu.memory_space<hbm>>
          %dma_start3A_206 = arith.constant 0 : i32
          %dma_start3A_207 = tpu.memref_slice %arg9[%add3A_199, %dma_start3A_206] : memref<256x64xf32, #tpu.memory_space<vmem>> -> memref<1x64xf32, #tpu.memory_space<vmem>>
          %dma_start3A_208 = tpu.memref_squeeze %dma_start3A_207 : memref<1x64xf32, #tpu.memory_space<vmem>> -> memref<64xf32, #tpu.memory_space<vmem>>
          %dma_start3A_209 = arith.constant 0 : i32
          %dma_start3A_210 = tpu.memref_slice %arg4[%squeeze3A_194, %dma_start3A_209] : memref<1000000x64xf32, #tpu.memory_space<hbm>> -> memref<1x64xf32, #tpu.memory_space<hbm>>
          %dma_start3A_211 = tpu.memref_squeeze %dma_start3A_210 : memref<1x64xf32, #tpu.memory_space<hbm>> -> memref<64xf32, #tpu.memory_space<hbm>>
          tpu.enqueue_dma source(%dma_start3A_211 : memref<64xf32, #tpu.memory_space<hbm>>) target(%dma_start3A_208 : memref<64xf32, #tpu.memory_space<vmem>>) target_semaphore(%arg12 : memref<!tpu.dma_semaphore, #tpu.memory_space<semaphore_mem>>)
          %slice3A_212 = vector.extract_strided_slice %get3A_81 {offsets = [3], sizes = [1], strides = [1]} : vector<16xi32> to vector<1xi32>
          %squeeze3A_213 = vector.extract %slice3A_212[0] : i32 from vector<1xi32>
          %mul3A_214 = arith.constant 16 : i32
          %mul3A_215 = arith.muli %scan3A_68, %mul3A_214 : i32
          %add3A_216 = arith.addi %mul3A_61, %mul3A_215 : i32
          %add3A_217 = arith.constant 3 : i32
          %add3A_218 = arith.addi %add3A_216, %add3A_217 : i32
          %dma_start3A_219 = arith.constant 0 : i32
          %dma_start3A_220 = tpu.memref_slice %arg10[%add3A_218, %dma_start3A_219] : memref<256x64xf32, #tpu.memory_space<vmem>> -> memref<1x64xf32, #tpu.memory_space<vmem>>
          %dma_start3A_221 = tpu.memref_squeeze %dma_start3A_220 : memref<1x64xf32, #tpu.memory_space<vmem>> -> memref<64xf32, #tpu.memory_space<vmem>>
          %dma_start3A_222 = arith.constant 0 : i32
          %dma_start3A_223 = tpu.memref_slice %arg5[%squeeze3A_213, %dma_start3A_222] : memref<1000000x64xf32, #tpu.memory_space<hbm>> -> memref<1x64xf32, #tpu.memory_space<hbm>>
          %dma_start3A_224 = tpu.memref_squeeze %dma_start3A_223 : memref<1x64xf32, #tpu.memory_space<hbm>> -> memref<64xf32, #tpu.memory_space<hbm>>
          %dma_start3A_225 = arith.constant 0 : i32
          %dma_start3A_226 = tpu.memref_slice %arg10[%add3A_218, %dma_start3A_225] : memref<256x64xf32, #tpu.memory_space<vmem>> -> memref<1x64xf32, #tpu.memory_space<vmem>>
          %dma_start3A_227 = tpu.memref_squeeze %dma_start3A_226 : memref<1x64xf32, #tpu.memory_space<vmem>> -> memref<64xf32, #tpu.memory_space<vmem>>
          %dma_start3A_228 = arith.constant 0 : i32
          %dma_start3A_229 = tpu.memref_slice %arg5[%squeeze3A_213, %dma_start3A_228] : memref<1000000x64xf32, #tpu.memory_space<hbm>> -> memref<1x64xf32, #tpu.memory_space<hbm>>
          %dma_start3A_230 = tpu.memref_squeeze %dma_start3A_229 : memref<1x64xf32, #tpu.memory_space<hbm>> -> memref<64xf32, #tpu.memory_space<hbm>>
          tpu.enqueue_dma source(%dma_start3A_230 : memref<64xf32, #tpu.memory_space<hbm>>) target(%dma_start3A_227 : memref<64xf32, #tpu.memory_space<vmem>>) target_semaphore(%arg12 : memref<!tpu.dma_semaphore, #tpu.memory_space<semaphore_mem>>)
          %slice3A_231 = vector.extract_strided_slice %get3A_74 {offsets = [4], sizes = [1], strides = [1]} : vector<16xi32> to vector<1xi32>
          %squeeze3A_232 = vector.extract %slice3A_231[0] : i32 from vector<1xi32>
          %mul3A_233 = arith.constant 16 : i32
          %mul3A_234 = arith.muli %scan3A_68, %mul3A_233 : i32
          %add3A_235 = arith.addi %mul3A_61, %mul3A_234 : i32
          %add3A_236 = arith.constant 4 : i32
          %add3A_237 = arith.addi %add3A_235, %add3A_236 : i32
          %dma_start3A_238 = arith.constant 0 : i32
          %dma_start3A_239 = tpu.memref_slice %arg9[%add3A_237, %dma_start3A_238] : memref<256x64xf32, #tpu.memory_space<vmem>> -> memref<1x64xf32, #tpu.memory_space<vmem>>
          %dma_start3A_240 = tpu.memref_squeeze %dma_start3A_239 : memref<1x64xf32, #tpu.memory_space<vmem>> -> memref<64xf32, #tpu.memory_space<vmem>>
          %dma_start3A_241 = arith.constant 0 : i32
          %dma_start3A_242 = tpu.memref_slice %arg4[%squeeze3A_232, %dma_start3A_241] : memref<1000000x64xf32, #tpu.memory_space<hbm>> -> memref<1x64xf32, #tpu.memory_space<hbm>>
          %dma_start3A_243 = tpu.memref_squeeze %dma_start3A_242 : memref<1x64xf32, #tpu.memory_space<hbm>> -> memref<64xf32, #tpu.memory_space<hbm>>
          %dma_start3A_244 = arith.constant 0 : i32
          %dma_start3A_245 = tpu.memref_slice %arg9[%add3A_237, %dma_start3A_244] : memref<256x64xf32, #tpu.memory_space<vmem>> -> memref<1x64xf32, #tpu.memory_space<vmem>>
          %dma_start3A_246 = tpu.memref_squeeze %dma_start3A_245 : memref<1x64xf32, #tpu.memory_space<vmem>> -> memref<64xf32, #tpu.memory_space<vmem>>
          %dma_start3A_247 = arith.constant 0 : i32
          %dma_start3A_248 = tpu.memref_slice %arg4[%squeeze3A_232, %dma_start3A_247] : memref<1000000x64xf32, #tpu.memory_space<hbm>> -> memref<1x64xf32, #tpu.memory_space<hbm>>
          %dma_start3A_249 = tpu.memref_squeeze %dma_start3A_248 : memref<1x64xf32, #tpu.memory_space<hbm>> -> memref<64xf32, #tpu.memory_space<hbm>>
          tpu.enqueue_dma source(%dma_start3A_249 : memref<64xf32, #tpu.memory_space<hbm>>) target(%dma_start3A_246 : memref<64xf32, #tpu.memory_space<vmem>>) target_semaphore(%arg12 : memref<!tpu.dma_semaphore, #tpu.memory_space<semaphore_mem>>)
          %slice3A_250 = vector.extract_strided_slice %get3A_81 {offsets = [4], sizes = [1], strides = [1]} : vector<16xi32> to vector<1xi32>
          %squeeze3A_251 = vector.extract %slice3A_250[0] : i32 from vector<1xi32>
          %mul3A_252 = arith.constant 16 : i32
          %mul3A_253 = arith.muli %scan3A_68, %mul3A_252 : i32
          %add3A_254 = arith.addi %mul3A_61, %mul3A_253 : i32
          %add3A_255 = arith.constant 4 : i32
          %add3A_256 = arith.addi %add3A_254, %add3A_255 : i32
          %dma_start3A_257 = arith.constant 0 : i32
          %dma_start3A_258 = tpu.memref_slice %arg10[%add3A_256, %dma_start3A_257] : memref<256x64xf32, #tpu.memory_space<vmem>> -> memref<1x64xf32, #tpu.memory_space<vmem>>
          %dma_start3A_259 = tpu.memref_squeeze %dma_start3A_258 : memref<1x64xf32, #tpu.memory_space<vmem>> -> memref<64xf32, #tpu.memory_space<vmem>>
          %dma_start3A_260 = arith.constant 0 : i32
          %dma_start3A_261 = tpu.memref_slice %arg5[%squeeze3A_251, %dma_start3A_260] : memref<1000000x64xf32, #tpu.memory_space<hbm>> -> memref<1x64xf32, #tpu.memory_space<hbm>>
          %dma_start3A_262 = tpu.memref_squeeze %dma_start3A_261 : memref<1x64xf32, #tpu.memory_space<hbm>> -> memref<64xf32, #tpu.memory_space<hbm>>
          %dma_start3A_263 = arith.constant 0 : i32
          %dma_start3A_264 = tpu.memref_slice %arg10[%add3A_256, %dma_start3A_263] : memref<256x64xf32, #tpu.memory_space<vmem>> -> memref<1x64xf32, #tpu.memory_space<vmem>>
          %dma_start3A_265 = tpu.memref_squeeze %dma_start3A_264 : memref<1x64xf32, #tpu.memory_space<vmem>> -> memref<64xf32, #tpu.memory_space<vmem>>
          %dma_start3A_266 = arith.constant 0 : i32
          %dma_start3A_267 = tpu.memref_slice %arg5[%squeeze3A_251, %dma_start3A_266] : memref<1000000x64xf32, #tpu.memory_space<hbm>> -> memref<1x64xf32, #tpu.memory_space<hbm>>
          %dma_start3A_268 = tpu.memref_squeeze %dma_start3A_267 : memref<1x64xf32, #tpu.memory_space<hbm>> -> memref<64xf32, #tpu.memory_space<hbm>>
          tpu.enqueue_dma source(%dma_start3A_268 : memref<64xf32, #tpu.memory_space<hbm>>) target(%dma_start3A_265 : memref<64xf32, #tpu.memory_space<vmem>>) target_semaphore(%arg12 : memref<!tpu.dma_semaphore, #tpu.memory_space<semaphore_mem>>)
          %slice3A_269 = vector.extract_strided_slice %get3A_74 {offsets = [5], sizes = [1], strides = [1]} : vector<16xi32> to vector<1xi32>
          %squeeze3A_270 = vector.extract %slice3A_269[0] : i32 from vector<1xi32>
          %mul3A_271 = arith.constant 16 : i32
          %mul3A_272 = arith.muli %scan3A_68, %mul3A_271 : i32
          %add3A_273 = arith.addi %mul3A_61, %mul3A_272 : i32
          %add3A_274 = arith.constant 5 : i32
          %add3A_275 = arith.addi %add3A_273, %add3A_274 : i32
          %dma_start3A_276 = arith.constant 0 : i32
          %dma_start3A_277 = tpu.memref_slice %arg9[%add3A_275, %dma_start3A_276] : memref<256x64xf32, #tpu.memory_space<vmem>> -> memref<1x64xf32, #tpu.memory_space<vmem>>
          %dma_start3A_278 = tpu.memref_squeeze %dma_start3A_277 : memref<1x64xf32, #tpu.memory_space<vmem>> -> memref<64xf32, #tpu.memory_space<vmem>>
          %dma_start3A_279 = arith.constant 0 : i32
          %dma_start3A_280 = tpu.memref_slice %arg4[%squeeze3A_270, %dma_start3A_279] : memref<1000000x64xf32, #tpu.memory_space<hbm>> -> memref<1x64xf32, #tpu.memory_space<hbm>>
          %dma_start3A_281 = tpu.memref_squeeze %dma_start3A_280 : memref<1x64xf32, #tpu.memory_space<hbm>> -> memref<64xf32, #tpu.memory_space<hbm>>
          %dma_start3A_282 = arith.constant 0 : i32
          %dma_start3A_283 = tpu.memref_slice %arg9[%add3A_275, %dma_start3A_282] : memref<256x64xf32, #tpu.memory_space<vmem>> -> memref<1x64xf32, #tpu.memory_space<vmem>>
          %dma_start3A_284 = tpu.memref_squeeze %dma_start3A_283 : memref<1x64xf32, #tpu.memory_space<vmem>> -> memref<64xf32, #tpu.memory_space<vmem>>
          %dma_start3A_285 = arith.constant 0 : i32
          %dma_start3A_286 = tpu.memref_slice %arg4[%squeeze3A_270, %dma_start3A_285] : memref<1000000x64xf32, #tpu.memory_space<hbm>> -> memref<1x64xf32, #tpu.memory_space<hbm>>
          %dma_start3A_287 = tpu.memref_squeeze %dma_start3A_286 : memref<1x64xf32, #tpu.memory_space<hbm>> -> memref<64xf32, #tpu.memory_space<hbm>>
          tpu.enqueue_dma source(%dma_start3A_287 : memref<64xf32, #tpu.memory_space<hbm>>) target(%dma_start3A_284 : memref<64xf32, #tpu.memory_space<vmem>>) target_semaphore(%arg12 : memref<!tpu.dma_semaphore, #tpu.memory_space<semaphore_mem>>)
          %slice3A_288 = vector.extract_strided_slice %get3A_81 {offsets = [5], sizes = [1], strides = [1]} : vector<16xi32> to vector<1xi32>
          %squeeze3A_289 = vector.extract %slice3A_288[0] : i32 from vector<1xi32>
          %mul3A_290 = arith.constant 16 : i32
          %mul3A_291 = arith.muli %scan3A_68, %mul3A_290 : i32
          %add3A_292 = arith.addi %mul3A_61, %mul3A_291 : i32
          %add3A_293 = arith.constant 5 : i32
          %add3A_294 = arith.addi %add3A_292, %add3A_293 : i32
          %dma_start3A_295 = arith.constant 0 : i32
          %dma_start3A_296 = tpu.memref_slice %arg10[%add3A_294, %dma_start3A_295] : memref<256x64xf32, #tpu.memory_space<vmem>> -> memref<1x64xf32, #tpu.memory_space<vmem>>
          %dma_start3A_297 = tpu.memref_squeeze %dma_start3A_296 : memref<1x64xf32, #tpu.memory_space<vmem>> -> memref<64xf32, #tpu.memory_space<vmem>>
          %dma_start3A_298 = arith.constant 0 : i32
          %dma_start3A_299 = tpu.memref_slice %arg5[%squeeze3A_289, %dma_start3A_298] : memref<1000000x64xf32, #tpu.memory_space<hbm>> -> memref<1x64xf32, #tpu.memory_space<hbm>>
          %dma_start3A_300 = tpu.memref_squeeze %dma_start3A_299 : memref<1x64xf32, #tpu.memory_space<hbm>> -> memref<64xf32, #tpu.memory_space<hbm>>
          %dma_start3A_301 = arith.constant 0 : i32
          %dma_start3A_302 = tpu.memref_slice %arg10[%add3A_294, %dma_start3A_301] : memref<256x64xf32, #tpu.memory_space<vmem>> -> memref<1x64xf32, #tpu.memory_space<vmem>>
          %dma_start3A_303 = tpu.memref_squeeze %dma_start3A_302 : memref<1x64xf32, #tpu.memory_space<vmem>> -> memref<64xf32, #tpu.memory_space<vmem>>
          %dma_start3A_304 = arith.constant 0 : i32
          %dma_start3A_305 = tpu.memref_slice %arg5[%squeeze3A_289, %dma_start3A_304] : memref<1000000x64xf32, #tpu.memory_space<hbm>> -> memref<1x64xf32, #tpu.memory_space<hbm>>
          %dma_start3A_306 = tpu.memref_squeeze %dma_start3A_305 : memref<1x64xf32, #tpu.memory_space<hbm>> -> memref<64xf32, #tpu.memory_space<hbm>>
          tpu.enqueue_dma source(%dma_start3A_306 : memref<64xf32, #tpu.memory_space<hbm>>) target(%dma_start3A_303 : memref<64xf32, #tpu.memory_space<vmem>>) target_semaphore(%arg12 : memref<!tpu.dma_semaphore, #tpu.memory_space<semaphore_mem>>)
          %slice3A_307 = vector.extract_strided_slice %get3A_74 {offsets = [6], sizes = [1], strides = [1]} : vector<16xi32> to vector<1xi32>
          %squeeze3A_308 = vector.extract %slice3A_307[0] : i32 from vector<1xi32>
          %mul3A_309 = arith.constant 16 : i32
          %mul3A_310 = arith.muli %scan3A_68, %mul3A_309 : i32
          %add3A_311 = arith.addi %mul3A_61, %mul3A_310 : i32
          %add3A_312 = arith.constant 6 : i32
          %add3A_313 = arith.addi %add3A_311, %add3A_312 : i32
          %dma_start3A_314 = arith.constant 0 : i32
          %dma_start3A_315 = tpu.memref_slice %arg9[%add3A_313, %dma_start3A_314] : memref<256x64xf32, #tpu.memory_space<vmem>> -> memref<1x64xf32, #tpu.memory_space<vmem>>
          %dma_start3A_316 = tpu.memref_squeeze %dma_start3A_315 : memref<1x64xf32, #tpu.memory_space<vmem>> -> memref<64xf32, #tpu.memory_space<vmem>>
          %dma_start3A_317 = arith.constant 0 : i32
          %dma_start3A_318 = tpu.memref_slice %arg4[%squeeze3A_308, %dma_start3A_317] : memref<1000000x64xf32, #tpu.memory_space<hbm>> -> memref<1x64xf32, #tpu.memory_space<hbm>>
          %dma_start3A_319 = tpu.memref_squeeze %dma_start3A_318 : memref<1x64xf32, #tpu.memory_space<hbm>> -> memref<64xf32, #tpu.memory_space<hbm>>
          %dma_start3A_320 = arith.constant 0 : i32
          %dma_start3A_321 = tpu.memref_slice %arg9[%add3A_313, %dma_start3A_320] : memref<256x64xf32, #tpu.memory_space<vmem>> -> memref<1x64xf32, #tpu.memory_space<vmem>>
          %dma_start3A_322 = tpu.memref_squeeze %dma_start3A_321 : memref<1x64xf32, #tpu.memory_space<vmem>> -> memref<64xf32, #tpu.memory_space<vmem>>
          %dma_start3A_323 = arith.constant 0 : i32
          %dma_start3A_324 = tpu.memref_slice %arg4[%squeeze3A_308, %dma_start3A_323] : memref<1000000x64xf32, #tpu.memory_space<hbm>> -> memref<1x64xf32, #tpu.memory_space<hbm>>
          %dma_start3A_325 = tpu.memref_squeeze %dma_start3A_324 : memref<1x64xf32, #tpu.memory_space<hbm>> -> memref<64xf32, #tpu.memory_space<hbm>>
          tpu.enqueue_dma source(%dma_start3A_325 : memref<64xf32, #tpu.memory_space<hbm>>) target(%dma_start3A_322 : memref<64xf32, #tpu.memory_space<vmem>>) target_semaphore(%arg12 : memref<!tpu.dma_semaphore, #tpu.memory_space<semaphore_mem>>)
          %slice3A_326 = vector.extract_strided_slice %get3A_81 {offsets = [6], sizes = [1], strides = [1]} : vector<16xi32> to vector<1xi32>
          %squeeze3A_327 = vector.extract %slice3A_326[0] : i32 from vector<1xi32>
          %mul3A_328 = arith.constant 16 : i32
          %mul3A_329 = arith.muli %scan3A_68, %mul3A_328 : i32
          %add3A_330 = arith.addi %mul3A_61, %mul3A_329 : i32
          %add3A_331 = arith.constant 6 : i32
          %add3A_332 = arith.addi %add3A_330, %add3A_331 : i32
          %dma_start3A_333 = arith.constant 0 : i32
          %dma_start3A_334 = tpu.memref_slice %arg10[%add3A_332, %dma_start3A_333] : memref<256x64xf32, #tpu.memory_space<vmem>> -> memref<1x64xf32, #tpu.memory_space<vmem>>
          %dma_start3A_335 = tpu.memref_squeeze %dma_start3A_334 : memref<1x64xf32, #tpu.memory_space<vmem>> -> memref<64xf32, #tpu.memory_space<vmem>>
          %dma_start3A_336 = arith.constant 0 : i32
          %dma_start3A_337 = tpu.memref_slice %arg5[%squeeze3A_327, %dma_start3A_336] : memref<1000000x64xf32, #tpu.memory_space<hbm>> -> memref<1x64xf32, #tpu.memory_space<hbm>>
          %dma_start3A_338 = tpu.memref_squeeze %dma_start3A_337 : memref<1x64xf32, #tpu.memory_space<hbm>> -> memref<64xf32, #tpu.memory_space<hbm>>
          %dma_start3A_339 = arith.constant 0 : i32
          %dma_start3A_340 = tpu.memref_slice %arg10[%add3A_332, %dma_start3A_339] : memref<256x64xf32, #tpu.memory_space<vmem>> -> memref<1x64xf32, #tpu.memory_space<vmem>>
          %dma_start3A_341 = tpu.memref_squeeze %dma_start3A_340 : memref<1x64xf32, #tpu.memory_space<vmem>> -> memref<64xf32, #tpu.memory_space<vmem>>
          %dma_start3A_342 = arith.constant 0 : i32
          %dma_start3A_343 = tpu.memref_slice %arg5[%squeeze3A_327, %dma_start3A_342] : memref<1000000x64xf32, #tpu.memory_space<hbm>> -> memref<1x64xf32, #tpu.memory_space<hbm>>
          %dma_start3A_344 = tpu.memref_squeeze %dma_start3A_343 : memref<1x64xf32, #tpu.memory_space<hbm>> -> memref<64xf32, #tpu.memory_space<hbm>>
          tpu.enqueue_dma source(%dma_start3A_344 : memref<64xf32, #tpu.memory_space<hbm>>) target(%dma_start3A_341 : memref<64xf32, #tpu.memory_space<vmem>>) target_semaphore(%arg12 : memref<!tpu.dma_semaphore, #tpu.memory_space<semaphore_mem>>)
          %slice3A_345 = vector.extract_strided_slice %get3A_74 {offsets = [7], sizes = [1], strides = [1]} : vector<16xi32> to vector<1xi32>
          %squeeze3A_346 = vector.extract %slice3A_345[0] : i32 from vector<1xi32>
          %mul3A_347 = arith.constant 16 : i32
          %mul3A_348 = arith.muli %scan3A_68, %mul3A_347 : i32
          %add3A_349 = arith.addi %mul3A_61, %mul3A_348 : i32
          %add3A_350 = arith.constant 7 : i32
          %add3A_351 = arith.addi %add3A_349, %add3A_350 : i32
          %dma_start3A_352 = arith.constant 0 : i32
          %dma_start3A_353 = tpu.memref_slice %arg9[%add3A_351, %dma_start3A_352] : memref<256x64xf32, #tpu.memory_space<vmem>> -> memref<1x64xf32, #tpu.memory_space<vmem>>
          %dma_start3A_354 = tpu.memref_squeeze %dma_start3A_353 : memref<1x64xf32, #tpu.memory_space<vmem>> -> memref<64xf32, #tpu.memory_space<vmem>>
          %dma_start3A_355 = arith.constant 0 : i32
          %dma_start3A_356 = tpu.memref_slice %arg4[%squeeze3A_346, %dma_start3A_355] : memref<1000000x64xf32, #tpu.memory_space<hbm>> -> memref<1x64xf32, #tpu.memory_space<hbm>>
          %dma_start3A_357 = tpu.memref_squeeze %dma_start3A_356 : memref<1x64xf32, #tpu.memory_space<hbm>> -> memref<64xf32, #tpu.memory_space<hbm>>
          %dma_start3A_358 = arith.constant 0 : i32
          %dma_start3A_359 = tpu.memref_slice %arg9[%add3A_351, %dma_start3A_358] : memref<256x64xf32, #tpu.memory_space<vmem>> -> memref<1x64xf32, #tpu.memory_space<vmem>>
          %dma_start3A_360 = tpu.memref_squeeze %dma_start3A_359 : memref<1x64xf32, #tpu.memory_space<vmem>> -> memref<64xf32, #tpu.memory_space<vmem>>
          %dma_start3A_361 = arith.constant 0 : i32
          %dma_start3A_362 = tpu.memref_slice %arg4[%squeeze3A_346, %dma_start3A_361] : memref<1000000x64xf32, #tpu.memory_space<hbm>> -> memref<1x64xf32, #tpu.memory_space<hbm>>
          %dma_start3A_363 = tpu.memref_squeeze %dma_start3A_362 : memref<1x64xf32, #tpu.memory_space<hbm>> -> memref<64xf32, #tpu.memory_space<hbm>>
          tpu.enqueue_dma source(%dma_start3A_363 : memref<64xf32, #tpu.memory_space<hbm>>) target(%dma_start3A_360 : memref<64xf32, #tpu.memory_space<vmem>>) target_semaphore(%arg12 : memref<!tpu.dma_semaphore, #tpu.memory_space<semaphore_mem>>)
          %slice3A_364 = vector.extract_strided_slice %get3A_81 {offsets = [7], sizes = [1], strides = [1]} : vector<16xi32> to vector<1xi32>
          %squeeze3A_365 = vector.extract %slice3A_364[0] : i32 from vector<1xi32>
          %mul3A_366 = arith.constant 16 : i32
          %mul3A_367 = arith.muli %scan3A_68, %mul3A_366 : i32
          %add3A_368 = arith.addi %mul3A_61, %mul3A_367 : i32
          %add3A_369 = arith.constant 7 : i32
          %add3A_370 = arith.addi %add3A_368, %add3A_369 : i32
          %dma_start3A_371 = arith.constant 0 : i32
          %dma_start3A_372 = tpu.memref_slice %arg10[%add3A_370, %dma_start3A_371] : memref<256x64xf32, #tpu.memory_space<vmem>> -> memref<1x64xf32, #tpu.memory_space<vmem>>
          %dma_start3A_373 = tpu.memref_squeeze %dma_start3A_372 : memref<1x64xf32, #tpu.memory_space<vmem>> -> memref<64xf32, #tpu.memory_space<vmem>>
          %dma_start3A_374 = arith.constant 0 : i32
          %dma_start3A_375 = tpu.memref_slice %arg5[%squeeze3A_365, %dma_start3A_374] : memref<1000000x64xf32, #tpu.memory_space<hbm>> -> memref<1x64xf32, #tpu.memory_space<hbm>>
          %dma_start3A_376 = tpu.memref_squeeze %dma_start3A_375 : memref<1x64xf32, #tpu.memory_space<hbm>> -> memref<64xf32, #tpu.memory_space<hbm>>
          %dma_start3A_377 = arith.constant 0 : i32
          %dma_start3A_378 = tpu.memref_slice %arg10[%add3A_370, %dma_start3A_377] : memref<256x64xf32, #tpu.memory_space<vmem>> -> memref<1x64xf32, #tpu.memory_space<vmem>>
          %dma_start3A_379 = tpu.memref_squeeze %dma_start3A_378 : memref<1x64xf32, #tpu.memory_space<vmem>> -> memref<64xf32, #tpu.memory_space<vmem>>
          %dma_start3A_380 = arith.constant 0 : i32
          %dma_start3A_381 = tpu.memref_slice %arg5[%squeeze3A_365, %dma_start3A_380] : memref<1000000x64xf32, #tpu.memory_space<hbm>> -> memref<1x64xf32, #tpu.memory_space<hbm>>
          %dma_start3A_382 = tpu.memref_squeeze %dma_start3A_381 : memref<1x64xf32, #tpu.memory_space<hbm>> -> memref<64xf32, #tpu.memory_space<hbm>>
          tpu.enqueue_dma source(%dma_start3A_382 : memref<64xf32, #tpu.memory_space<hbm>>) target(%dma_start3A_379 : memref<64xf32, #tpu.memory_space<vmem>>) target_semaphore(%arg12 : memref<!tpu.dma_semaphore, #tpu.memory_space<semaphore_mem>>)
          %slice3A_383 = vector.extract_strided_slice %get3A_74 {offsets = [8], sizes = [1], strides = [1]} : vector<16xi32> to vector<1xi32>
          %squeeze3A_384 = vector.extract %slice3A_383[0] : i32 from vector<1xi32>
          %mul3A_385 = arith.constant 16 : i32
          %mul3A_386 = arith.muli %scan3A_68, %mul3A_385 : i32
          %add3A_387 = arith.addi %mul3A_61, %mul3A_386 : i32
          %add3A_388 = arith.constant 8 : i32
          %add3A_389 = arith.addi %add3A_387, %add3A_388 : i32
          %dma_start3A_390 = arith.constant 0 : i32
          %dma_start3A_391 = tpu.memref_slice %arg9[%add3A_389, %dma_start3A_390] : memref<256x64xf32, #tpu.memory_space<vmem>> -> memref<1x64xf32, #tpu.memory_space<vmem>>
          %dma_start3A_392 = tpu.memref_squeeze %dma_start3A_391 : memref<1x64xf32, #tpu.memory_space<vmem>> -> memref<64xf32, #tpu.memory_space<vmem>>
          %dma_start3A_393 = arith.constant 0 : i32
          %dma_start3A_394 = tpu.memref_slice %arg4[%squeeze3A_384, %dma_start3A_393] : memref<1000000x64xf32, #tpu.memory_space<hbm>> -> memref<1x64xf32, #tpu.memory_space<hbm>>
          %dma_start3A_395 = tpu.memref_squeeze %dma_start3A_394 : memref<1x64xf32, #tpu.memory_space<hbm>> -> memref<64xf32, #tpu.memory_space<hbm>>
          %dma_start3A_396 = arith.constant 0 : i32
          %dma_start3A_397 = tpu.memref_slice %arg9[%add3A_389, %dma_start3A_396] : memref<256x64xf32, #tpu.memory_space<vmem>> -> memref<1x64xf32, #tpu.memory_space<vmem>>
          %dma_start3A_398 = tpu.memref_squeeze %dma_start3A_397 : memref<1x64xf32, #tpu.memory_space<vmem>> -> memref<64xf32, #tpu.memory_space<vmem>>
          %dma_start3A_399 = arith.constant 0 : i32
          %dma_start3A_400 = tpu.memref_slice %arg4[%squeeze3A_384, %dma_start3A_399] : memref<1000000x64xf32, #tpu.memory_space<hbm>> -> memref<1x64xf32, #tpu.memory_space<hbm>>
          %dma_start3A_401 = tpu.memref_squeeze %dma_start3A_400 : memref<1x64xf32, #tpu.memory_space<hbm>> -> memref<64xf32, #tpu.memory_space<hbm>>
          tpu.enqueue_dma source(%dma_start3A_401 : memref<64xf32, #tpu.memory_space<hbm>>) target(%dma_start3A_398 : memref<64xf32, #tpu.memory_space<vmem>>) target_semaphore(%arg12 : memref<!tpu.dma_semaphore, #tpu.memory_space<semaphore_mem>>)
          %slice3A_402 = vector.extract_strided_slice %get3A_81 {offsets = [8], sizes = [1], strides = [1]} : vector<16xi32> to vector<1xi32>
          %squeeze3A_403 = vector.extract %slice3A_402[0] : i32 from vector<1xi32>
          %mul3A_404 = arith.constant 16 : i32
          %mul3A_405 = arith.muli %scan3A_68, %mul3A_404 : i32
          %add3A_406 = arith.addi %mul3A_61, %mul3A_405 : i32
          %add3A_407 = arith.constant 8 : i32
          %add3A_408 = arith.addi %add3A_406, %add3A_407 : i32
          %dma_start3A_409 = arith.constant 0 : i32
          %dma_start3A_410 = tpu.memref_slice %arg10[%add3A_408, %dma_start3A_409] : memref<256x64xf32, #tpu.memory_space<vmem>> -> memref<1x64xf32, #tpu.memory_space<vmem>>
          %dma_start3A_411 = tpu.memref_squeeze %dma_start3A_410 : memref<1x64xf32, #tpu.memory_space<vmem>> -> memref<64xf32, #tpu.memory_space<vmem>>
          %dma_start3A_412 = arith.constant 0 : i32
          %dma_start3A_413 = tpu.memref_slice %arg5[%squeeze3A_403, %dma_start3A_412] : memref<1000000x64xf32, #tpu.memory_space<hbm>> -> memref<1x64xf32, #tpu.memory_space<hbm>>
          %dma_start3A_414 = tpu.memref_squeeze %dma_start3A_413 : memref<1x64xf32, #tpu.memory_space<hbm>> -> memref<64xf32, #tpu.memory_space<hbm>>
          %dma_start3A_415 = arith.constant 0 : i32
          %dma_start3A_416 = tpu.memref_slice %arg10[%add3A_408, %dma_start3A_415] : memref<256x64xf32, #tpu.memory_space<vmem>> -> memref<1x64xf32, #tpu.memory_space<vmem>>
          %dma_start3A_417 = tpu.memref_squeeze %dma_start3A_416 : memref<1x64xf32, #tpu.memory_space<vmem>> -> memref<64xf32, #tpu.memory_space<vmem>>
          %dma_start3A_418 = arith.constant 0 : i32
          %dma_start3A_419 = tpu.memref_slice %arg5[%squeeze3A_403, %dma_start3A_418] : memref<1000000x64xf32, #tpu.memory_space<hbm>> -> memref<1x64xf32, #tpu.memory_space<hbm>>
          %dma_start3A_420 = tpu.memref_squeeze %dma_start3A_419 : memref<1x64xf32, #tpu.memory_space<hbm>> -> memref<64xf32, #tpu.memory_space<hbm>>
          tpu.enqueue_dma source(%dma_start3A_420 : memref<64xf32, #tpu.memory_space<hbm>>) target(%dma_start3A_417 : memref<64xf32, #tpu.memory_space<vmem>>) target_semaphore(%arg12 : memref<!tpu.dma_semaphore, #tpu.memory_space<semaphore_mem>>)
          %slice3A_421 = vector.extract_strided_slice %get3A_74 {offsets = [9], sizes = [1], strides = [1]} : vector<16xi32> to vector<1xi32>
          %squeeze3A_422 = vector.extract %slice3A_421[0] : i32 from vector<1xi32>
          %mul3A_423 = arith.constant 16 : i32
          %mul3A_424 = arith.muli %scan3A_68, %mul3A_423 : i32
          %add3A_425 = arith.addi %mul3A_61, %mul3A_424 : i32
          %add3A_426 = arith.constant 9 : i32
          %add3A_427 = arith.addi %add3A_425, %add3A_426 : i32
          %dma_start3A_428 = arith.constant 0 : i32
          %dma_start3A_429 = tpu.memref_slice %arg9[%add3A_427, %dma_start3A_428] : memref<256x64xf32, #tpu.memory_space<vmem>> -> memref<1x64xf32, #tpu.memory_space<vmem>>
          %dma_start3A_430 = tpu.memref_squeeze %dma_start3A_429 : memref<1x64xf32, #tpu.memory_space<vmem>> -> memref<64xf32, #tpu.memory_space<vmem>>
          %dma_start3A_431 = arith.constant 0 : i32
          %dma_start3A_432 = tpu.memref_slice %arg4[%squeeze3A_422, %dma_start3A_431] : memref<1000000x64xf32, #tpu.memory_space<hbm>> -> memref<1x64xf32, #tpu.memory_space<hbm>>
          %dma_start3A_433 = tpu.memref_squeeze %dma_start3A_432 : memref<1x64xf32, #tpu.memory_space<hbm>> -> memref<64xf32, #tpu.memory_space<hbm>>
          %dma_start3A_434 = arith.constant 0 : i32
          %dma_start3A_435 = tpu.memref_slice %arg9[%add3A_427, %dma_start3A_434] : memref<256x64xf32, #tpu.memory_space<vmem>> -> memref<1x64xf32, #tpu.memory_space<vmem>>
          %dma_start3A_436 = tpu.memref_squeeze %dma_start3A_435 : memref<1x64xf32, #tpu.memory_space<vmem>> -> memref<64xf32, #tpu.memory_space<vmem>>
          %dma_start3A_437 = arith.constant 0 : i32
          %dma_start3A_438 = tpu.memref_slice %arg4[%squeeze3A_422, %dma_start3A_437] : memref<1000000x64xf32, #tpu.memory_space<hbm>> -> memref<1x64xf32, #tpu.memory_space<hbm>>
          %dma_start3A_439 = tpu.memref_squeeze %dma_start3A_438 : memref<1x64xf32, #tpu.memory_space<hbm>> -> memref<64xf32, #tpu.memory_space<hbm>>
          tpu.enqueue_dma source(%dma_start3A_439 : memref<64xf32, #tpu.memory_space<hbm>>) target(%dma_start3A_436 : memref<64xf32, #tpu.memory_space<vmem>>) target_semaphore(%arg12 : memref<!tpu.dma_semaphore, #tpu.memory_space<semaphore_mem>>)
          %slice3A_440 = vector.extract_strided_slice %get3A_81 {offsets = [9], sizes = [1], strides = [1]} : vector<16xi32> to vector<1xi32>
          %squeeze3A_441 = vector.extract %slice3A_440[0] : i32 from vector<1xi32>
          %mul3A_442 = arith.constant 16 : i32
          %mul3A_443 = arith.muli %scan3A_68, %mul3A_442 : i32
          %add3A_444 = arith.addi %mul3A_61, %mul3A_443 : i32
          %add3A_445 = arith.constant 9 : i32
          %add3A_446 = arith.addi %add3A_444, %add3A_445 : i32
          %dma_start3A_447 = arith.constant 0 : i32
          %dma_start3A_448 = tpu.memref_slice %arg10[%add3A_446, %dma_start3A_447] : memref<256x64xf32, #tpu.memory_space<vmem>> -> memref<1x64xf32, #tpu.memory_space<vmem>>
          %dma_start3A_449 = tpu.memref_squeeze %dma_start3A_448 : memref<1x64xf32, #tpu.memory_space<vmem>> -> memref<64xf32, #tpu.memory_space<vmem>>
          %dma_start3A_450 = arith.constant 0 : i32
          %dma_start3A_451 = tpu.memref_slice %arg5[%squeeze3A_441, %dma_start3A_450] : memref<1000000x64xf32, #tpu.memory_space<hbm>> -> memref<1x64xf32, #tpu.memory_space<hbm>>
          %dma_start3A_452 = tpu.memref_squeeze %dma_start3A_451 : memref<1x64xf32, #tpu.memory_space<hbm>> -> memref<64xf32, #tpu.memory_space<hbm>>
          %dma_start3A_453 = arith.constant 0 : i32
          %dma_start3A_454 = tpu.memref_slice %arg10[%add3A_446, %dma_start3A_453] : memref<256x64xf32, #tpu.memory_space<vmem>> -> memref<1x64xf32, #tpu.memory_space<vmem>>
          %dma_start3A_455 = tpu.memref_squeeze %dma_start3A_454 : memref<1x64xf32, #tpu.memory_space<vmem>> -> memref<64xf32, #tpu.memory_space<vmem>>
          %dma_start3A_456 = arith.constant 0 : i32
          %dma_start3A_457 = tpu.memref_slice %arg5[%squeeze3A_441, %dma_start3A_456] : memref<1000000x64xf32, #tpu.memory_space<hbm>> -> memref<1x64xf32, #tpu.memory_space<hbm>>
          %dma_start3A_458 = tpu.memref_squeeze %dma_start3A_457 : memref<1x64xf32, #tpu.memory_space<hbm>> -> memref<64xf32, #tpu.memory_space<hbm>>
          tpu.enqueue_dma source(%dma_start3A_458 : memref<64xf32, #tpu.memory_space<hbm>>) target(%dma_start3A_455 : memref<64xf32, #tpu.memory_space<vmem>>) target_semaphore(%arg12 : memref<!tpu.dma_semaphore, #tpu.memory_space<semaphore_mem>>)
          %slice3A_459 = vector.extract_strided_slice %get3A_74 {offsets = [10], sizes = [1], strides = [1]} : vector<16xi32> to vector<1xi32>
          %squeeze3A_460 = vector.extract %slice3A_459[0] : i32 from vector<1xi32>
          %mul3A_461 = arith.constant 16 : i32
          %mul3A_462 = arith.muli %scan3A_68, %mul3A_461 : i32
          %add3A_463 = arith.addi %mul3A_61, %mul3A_462 : i32
          %add3A_464 = arith.constant 10 : i32
          %add3A_465 = arith.addi %add3A_463, %add3A_464 : i32
          %dma_start3A_466 = arith.constant 0 : i32
          %dma_start3A_467 = tpu.memref_slice %arg9[%add3A_465, %dma_start3A_466] : memref<256x64xf32, #tpu.memory_space<vmem>> -> memref<1x64xf32, #tpu.memory_space<vmem>>
          %dma_start3A_468 = tpu.memref_squeeze %dma_start3A_467 : memref<1x64xf32, #tpu.memory_space<vmem>> -> memref<64xf32, #tpu.memory_space<vmem>>
          %dma_start3A_469 = arith.constant 0 : i32
          %dma_start3A_470 = tpu.memref_slice %arg4[%squeeze3A_460, %dma_start3A_469] : memref<1000000x64xf32, #tpu.memory_space<hbm>> -> memref<1x64xf32, #tpu.memory_space<hbm>>
          %dma_start3A_471 = tpu.memref_squeeze %dma_start3A_470 : memref<1x64xf32, #tpu.memory_space<hbm>> -> memref<64xf32, #tpu.memory_space<hbm>>
          %dma_start3A_472 = arith.constant 0 : i32
          %dma_start3A_473 = tpu.memref_slice %arg9[%add3A_465, %dma_start3A_472] : memref<256x64xf32, #tpu.memory_space<vmem>> -> memref<1x64xf32, #tpu.memory_space<vmem>>
          %dma_start3A_474 = tpu.memref_squeeze %dma_start3A_473 : memref<1x64xf32, #tpu.memory_space<vmem>> -> memref<64xf32, #tpu.memory_space<vmem>>
          %dma_start3A_475 = arith.constant 0 : i32
          %dma_start3A_476 = tpu.memref_slice %arg4[%squeeze3A_460, %dma_start3A_475] : memref<1000000x64xf32, #tpu.memory_space<hbm>> -> memref<1x64xf32, #tpu.memory_space<hbm>>
          %dma_start3A_477 = tpu.memref_squeeze %dma_start3A_476 : memref<1x64xf32, #tpu.memory_space<hbm>> -> memref<64xf32, #tpu.memory_space<hbm>>
          tpu.enqueue_dma source(%dma_start3A_477 : memref<64xf32, #tpu.memory_space<hbm>>) target(%dma_start3A_474 : memref<64xf32, #tpu.memory_space<vmem>>) target_semaphore(%arg12 : memref<!tpu.dma_semaphore, #tpu.memory_space<semaphore_mem>>)
          %slice3A_478 = vector.extract_strided_slice %get3A_81 {offsets = [10], sizes = [1], strides = [1]} : vector<16xi32> to vector<1xi32>
          %squeeze3A_479 = vector.extract %slice3A_478[0] : i32 from vector<1xi32>
          %mul3A_480 = arith.constant 16 : i32
          %mul3A_481 = arith.muli %scan3A_68, %mul3A_480 : i32
          %add3A_482 = arith.addi %mul3A_61, %mul3A_481 : i32
          %add3A_483 = arith.constant 10 : i32
          %add3A_484 = arith.addi %add3A_482, %add3A_483 : i32
          %dma_start3A_485 = arith.constant 0 : i32
          %dma_start3A_486 = tpu.memref_slice %arg10[%add3A_484, %dma_start3A_485] : memref<256x64xf32, #tpu.memory_space<vmem>> -> memref<1x64xf32, #tpu.memory_space<vmem>>
          %dma_start3A_487 = tpu.memref_squeeze %dma_start3A_486 : memref<1x64xf32, #tpu.memory_space<vmem>> -> memref<64xf32, #tpu.memory_space<vmem>>
          %dma_start3A_488 = arith.constant 0 : i32
          %dma_start3A_489 = tpu.memref_slice %arg5[%squeeze3A_479, %dma_start3A_488] : memref<1000000x64xf32, #tpu.memory_space<hbm>> -> memref<1x64xf32, #tpu.memory_space<hbm>>
          %dma_start3A_490 = tpu.memref_squeeze %dma_start3A_489 : memref<1x64xf32, #tpu.memory_space<hbm>> -> memref<64xf32, #tpu.memory_space<hbm>>
          %dma_start3A_491 = arith.constant 0 : i32
          %dma_start3A_492 = tpu.memref_slice %arg10[%add3A_484, %dma_start3A_491] : memref<256x64xf32, #tpu.memory_space<vmem>> -> memref<1x64xf32, #tpu.memory_space<vmem>>
          %dma_start3A_493 = tpu.memref_squeeze %dma_start3A_492 : memref<1x64xf32, #tpu.memory_space<vmem>> -> memref<64xf32, #tpu.memory_space<vmem>>
          %dma_start3A_494 = arith.constant 0 : i32
          %dma_start3A_495 = tpu.memref_slice %arg5[%squeeze3A_479, %dma_start3A_494] : memref<1000000x64xf32, #tpu.memory_space<hbm>> -> memref<1x64xf32, #tpu.memory_space<hbm>>
          %dma_start3A_496 = tpu.memref_squeeze %dma_start3A_495 : memref<1x64xf32, #tpu.memory_space<hbm>> -> memref<64xf32, #tpu.memory_space<hbm>>
          tpu.enqueue_dma source(%dma_start3A_496 : memref<64xf32, #tpu.memory_space<hbm>>) target(%dma_start3A_493 : memref<64xf32, #tpu.memory_space<vmem>>) target_semaphore(%arg12 : memref<!tpu.dma_semaphore, #tpu.memory_space<semaphore_mem>>)
          %slice3A_497 = vector.extract_strided_slice %get3A_74 {offsets = [11], sizes = [1], strides = [1]} : vector<16xi32> to vector<1xi32>
          %squeeze3A_498 = vector.extract %slice3A_497[0] : i32 from vector<1xi32>
          %mul3A_499 = arith.constant 16 : i32
          %mul3A_500 = arith.muli %scan3A_68, %mul3A_499 : i32
          %add3A_501 = arith.addi %mul3A_61, %mul3A_500 : i32
          %add3A_502 = arith.constant 11 : i32
          %add3A_503 = arith.addi %add3A_501, %add3A_502 : i32
          %dma_start3A_504 = arith.constant 0 : i32
          %dma_start3A_505 = tpu.memref_slice %arg9[%add3A_503, %dma_start3A_504] : memref<256x64xf32, #tpu.memory_space<vmem>> -> memref<1x64xf32, #tpu.memory_space<vmem>>
          %dma_start3A_506 = tpu.memref_squeeze %dma_start3A_505 : memref<1x64xf32, #tpu.memory_space<vmem>> -> memref<64xf32, #tpu.memory_space<vmem>>
          %dma_start3A_507 = arith.constant 0 : i32
          %dma_start3A_508 = tpu.memref_slice %arg4[%squeeze3A_498, %dma_start3A_507] : memref<1000000x64xf32, #tpu.memory_space<hbm>> -> memref<1x64xf32, #tpu.memory_space<hbm>>
          %dma_start3A_509 = tpu.memref_squeeze %dma_start3A_508 : memref<1x64xf32, #tpu.memory_space<hbm>> -> memref<64xf32, #tpu.memory_space<hbm>>
          %dma_start3A_510 = arith.constant 0 : i32
          %dma_start3A_511 = tpu.memref_slice %arg9[%add3A_503, %dma_start3A_510] : memref<256x64xf32, #tpu.memory_space<vmem>> -> memref<1x64xf32, #tpu.memory_space<vmem>>
          %dma_start3A_512 = tpu.memref_squeeze %dma_start3A_511 : memref<1x64xf32, #tpu.memory_space<vmem>> -> memref<64xf32, #tpu.memory_space<vmem>>
          %dma_start3A_513 = arith.constant 0 : i32
          %dma_start3A_514 = tpu.memref_slice %arg4[%squeeze3A_498, %dma_start3A_513] : memref<1000000x64xf32, #tpu.memory_space<hbm>> -> memref<1x64xf32, #tpu.memory_space<hbm>>
          %dma_start3A_515 = tpu.memref_squeeze %dma_start3A_514 : memref<1x64xf32, #tpu.memory_space<hbm>> -> memref<64xf32, #tpu.memory_space<hbm>>
          tpu.enqueue_dma source(%dma_start3A_515 : memref<64xf32, #tpu.memory_space<hbm>>) target(%dma_start3A_512 : memref<64xf32, #tpu.memory_space<vmem>>) target_semaphore(%arg12 : memref<!tpu.dma_semaphore, #tpu.memory_space<semaphore_mem>>)
          %slice3A_516 = vector.extract_strided_slice %get3A_81 {offsets = [11], sizes = [1], strides = [1]} : vector<16xi32> to vector<1xi32>
          %squeeze3A_517 = vector.extract %slice3A_516[0] : i32 from vector<1xi32>
          %mul3A_518 = arith.constant 16 : i32
          %mul3A_519 = arith.muli %scan3A_68, %mul3A_518 : i32
          %add3A_520 = arith.addi %mul3A_61, %mul3A_519 : i32
          %add3A_521 = arith.constant 11 : i32
          %add3A_522 = arith.addi %add3A_520, %add3A_521 : i32
          %dma_start3A_523 = arith.constant 0 : i32
          %dma_start3A_524 = tpu.memref_slice %arg10[%add3A_522, %dma_start3A_523] : memref<256x64xf32, #tpu.memory_space<vmem>> -> memref<1x64xf32, #tpu.memory_space<vmem>>
          %dma_start3A_525 = tpu.memref_squeeze %dma_start3A_524 : memref<1x64xf32, #tpu.memory_space<vmem>> -> memref<64xf32, #tpu.memory_space<vmem>>
          %dma_start3A_526 = arith.constant 0 : i32
          %dma_start3A_527 = tpu.memref_slice %arg5[%squeeze3A_517, %dma_start3A_526] : memref<1000000x64xf32, #tpu.memory_space<hbm>> -> memref<1x64xf32, #tpu.memory_space<hbm>>
          %dma_start3A_528 = tpu.memref_squeeze %dma_start3A_527 : memref<1x64xf32, #tpu.memory_space<hbm>> -> memref<64xf32, #tpu.memory_space<hbm>>
          %dma_start3A_529 = arith.constant 0 : i32
          %dma_start3A_530 = tpu.memref_slice %arg10[%add3A_522, %dma_start3A_529] : memref<256x64xf32, #tpu.memory_space<vmem>> -> memref<1x64xf32, #tpu.memory_space<vmem>>
          %dma_start3A_531 = tpu.memref_squeeze %dma_start3A_530 : memref<1x64xf32, #tpu.memory_space<vmem>> -> memref<64xf32, #tpu.memory_space<vmem>>
          %dma_start3A_532 = arith.constant 0 : i32
          %dma_start3A_533 = tpu.memref_slice %arg5[%squeeze3A_517, %dma_start3A_532] : memref<1000000x64xf32, #tpu.memory_space<hbm>> -> memref<1x64xf32, #tpu.memory_space<hbm>>
          %dma_start3A_534 = tpu.memref_squeeze %dma_start3A_533 : memref<1x64xf32, #tpu.memory_space<hbm>> -> memref<64xf32, #tpu.memory_space<hbm>>
          tpu.enqueue_dma source(%dma_start3A_534 : memref<64xf32, #tpu.memory_space<hbm>>) target(%dma_start3A_531 : memref<64xf32, #tpu.memory_space<vmem>>) target_semaphore(%arg12 : memref<!tpu.dma_semaphore, #tpu.memory_space<semaphore_mem>>)
          %slice3A_535 = vector.extract_strided_slice %get3A_74 {offsets = [12], sizes = [1], strides = [1]} : vector<16xi32> to vector<1xi32>
          %squeeze3A_536 = vector.extract %slice3A_535[0] : i32 from vector<1xi32>
          %mul3A_537 = arith.constant 16 : i32
          %mul3A_538 = arith.muli %scan3A_68, %mul3A_537 : i32
          %add3A_539 = arith.addi %mul3A_61, %mul3A_538 : i32
          %add3A_540 = arith.constant 12 : i32
          %add3A_541 = arith.addi %add3A_539, %add3A_540 : i32
          %dma_start3A_542 = arith.constant 0 : i32
          %dma_start3A_543 = tpu.memref_slice %arg9[%add3A_541, %dma_start3A_542] : memref<256x64xf32, #tpu.memory_space<vmem>> -> memref<1x64xf32, #tpu.memory_space<vmem>>
          %dma_start3A_544 = tpu.memref_squeeze %dma_start3A_543 : memref<1x64xf32, #tpu.memory_space<vmem>> -> memref<64xf32, #tpu.memory_space<vmem>>
          %dma_start3A_545 = arith.constant 0 : i32
          %dma_start3A_546 = tpu.memref_slice %arg4[%squeeze3A_536, %dma_start3A_545] : memref<1000000x64xf32, #tpu.memory_space<hbm>> -> memref<1x64xf32, #tpu.memory_space<hbm>>
          %dma_start3A_547 = tpu.memref_squeeze %dma_start3A_546 : memref<1x64xf32, #tpu.memory_space<hbm>> -> memref<64xf32, #tpu.memory_space<hbm>>
          %dma_start3A_548 = arith.constant 0 : i32
          %dma_start3A_549 = tpu.memref_slice %arg9[%add3A_541, %dma_start3A_548] : memref<256x64xf32, #tpu.memory_space<vmem>> -> memref<1x64xf32, #tpu.memory_space<vmem>>
          %dma_start3A_550 = tpu.memref_squeeze %dma_start3A_549 : memref<1x64xf32, #tpu.memory_space<vmem>> -> memref<64xf32, #tpu.memory_space<vmem>>
          %dma_start3A_551 = arith.constant 0 : i32
          %dma_start3A_552 = tpu.memref_slice %arg4[%squeeze3A_536, %dma_start3A_551] : memref<1000000x64xf32, #tpu.memory_space<hbm>> -> memref<1x64xf32, #tpu.memory_space<hbm>>
          %dma_start3A_553 = tpu.memref_squeeze %dma_start3A_552 : memref<1x64xf32, #tpu.memory_space<hbm>> -> memref<64xf32, #tpu.memory_space<hbm>>
          tpu.enqueue_dma source(%dma_start3A_553 : memref<64xf32, #tpu.memory_space<hbm>>) target(%dma_start3A_550 : memref<64xf32, #tpu.memory_space<vmem>>) target_semaphore(%arg12 : memref<!tpu.dma_semaphore, #tpu.memory_space<semaphore_mem>>)
          %slice3A_554 = vector.extract_strided_slice %get3A_81 {offsets = [12], sizes = [1], strides = [1]} : vector<16xi32> to vector<1xi32>
          %squeeze3A_555 = vector.extract %slice3A_554[0] : i32 from vector<1xi32>
          %mul3A_556 = arith.constant 16 : i32
          %mul3A_557 = arith.muli %scan3A_68, %mul3A_556 : i32
          %add3A_558 = arith.addi %mul3A_61, %mul3A_557 : i32
          %add3A_559 = arith.constant 12 : i32
          %add3A_560 = arith.addi %add3A_558, %add3A_559 : i32
          %dma_start3A_561 = arith.constant 0 : i32
          %dma_start3A_562 = tpu.memref_slice %arg10[%add3A_560, %dma_start3A_561] : memref<256x64xf32, #tpu.memory_space<vmem>> -> memref<1x64xf32, #tpu.memory_space<vmem>>
          %dma_start3A_563 = tpu.memref_squeeze %dma_start3A_562 : memref<1x64xf32, #tpu.memory_space<vmem>> -> memref<64xf32, #tpu.memory_space<vmem>>
          %dma_start3A_564 = arith.constant 0 : i32
          %dma_start3A_565 = tpu.memref_slice %arg5[%squeeze3A_555, %dma_start3A_564] : memref<1000000x64xf32, #tpu.memory_space<hbm>> -> memref<1x64xf32, #tpu.memory_space<hbm>>
          %dma_start3A_566 = tpu.memref_squeeze %dma_start3A_565 : memref<1x64xf32, #tpu.memory_space<hbm>> -> memref<64xf32, #tpu.memory_space<hbm>>
          %dma_start3A_567 = arith.constant 0 : i32
          %dma_start3A_568 = tpu.memref_slice %arg10[%add3A_560, %dma_start3A_567] : memref<256x64xf32, #tpu.memory_space<vmem>> -> memref<1x64xf32, #tpu.memory_space<vmem>>
          %dma_start3A_569 = tpu.memref_squeeze %dma_start3A_568 : memref<1x64xf32, #tpu.memory_space<vmem>> -> memref<64xf32, #tpu.memory_space<vmem>>
          %dma_start3A_570 = arith.constant 0 : i32
          %dma_start3A_571 = tpu.memref_slice %arg5[%squeeze3A_555, %dma_start3A_570] : memref<1000000x64xf32, #tpu.memory_space<hbm>> -> memref<1x64xf32, #tpu.memory_space<hbm>>
          %dma_start3A_572 = tpu.memref_squeeze %dma_start3A_571 : memref<1x64xf32, #tpu.memory_space<hbm>> -> memref<64xf32, #tpu.memory_space<hbm>>
          tpu.enqueue_dma source(%dma_start3A_572 : memref<64xf32, #tpu.memory_space<hbm>>) target(%dma_start3A_569 : memref<64xf32, #tpu.memory_space<vmem>>) target_semaphore(%arg12 : memref<!tpu.dma_semaphore, #tpu.memory_space<semaphore_mem>>)
          %slice3A_573 = vector.extract_strided_slice %get3A_74 {offsets = [13], sizes = [1], strides = [1]} : vector<16xi32> to vector<1xi32>
          %squeeze3A_574 = vector.extract %slice3A_573[0] : i32 from vector<1xi32>
          %mul3A_575 = arith.constant 16 : i32
          %mul3A_576 = arith.muli %scan3A_68, %mul3A_575 : i32
          %add3A_577 = arith.addi %mul3A_61, %mul3A_576 : i32
          %add3A_578 = arith.constant 13 : i32
          %add3A_579 = arith.addi %add3A_577, %add3A_578 : i32
          %dma_start3A_580 = arith.constant 0 : i32
          %dma_start3A_581 = tpu.memref_slice %arg9[%add3A_579, %dma_start3A_580] : memref<256x64xf32, #tpu.memory_space<vmem>> -> memref<1x64xf32, #tpu.memory_space<vmem>>
          %dma_start3A_582 = tpu.memref_squeeze %dma_start3A_581 : memref<1x64xf32, #tpu.memory_space<vmem>> -> memref<64xf32, #tpu.memory_space<vmem>>
          %dma_start3A_583 = arith.constant 0 : i32
          %dma_start3A_584 = tpu.memref_slice %arg4[%squeeze3A_574, %dma_start3A_583] : memref<1000000x64xf32, #tpu.memory_space<hbm>> -> memref<1x64xf32, #tpu.memory_space<hbm>>
          %dma_start3A_585 = tpu.memref_squeeze %dma_start3A_584 : memref<1x64xf32, #tpu.memory_space<hbm>> -> memref<64xf32, #tpu.memory_space<hbm>>
          %dma_start3A_586 = arith.constant 0 : i32
          %dma_start3A_587 = tpu.memref_slice %arg9[%add3A_579, %dma_start3A_586] : memref<256x64xf32, #tpu.memory_space<vmem>> -> memref<1x64xf32, #tpu.memory_space<vmem>>
          %dma_start3A_588 = tpu.memref_squeeze %dma_start3A_587 : memref<1x64xf32, #tpu.memory_space<vmem>> -> memref<64xf32, #tpu.memory_space<vmem>>
          %dma_start3A_589 = arith.constant 0 : i32
          %dma_start3A_590 = tpu.memref_slice %arg4[%squeeze3A_574, %dma_start3A_589] : memref<1000000x64xf32, #tpu.memory_space<hbm>> -> memref<1x64xf32, #tpu.memory_space<hbm>>
          %dma_start3A_591 = tpu.memref_squeeze %dma_start3A_590 : memref<1x64xf32, #tpu.memory_space<hbm>> -> memref<64xf32, #tpu.memory_space<hbm>>
          tpu.enqueue_dma source(%dma_start3A_591 : memref<64xf32, #tpu.memory_space<hbm>>) target(%dma_start3A_588 : memref<64xf32, #tpu.memory_space<vmem>>) target_semaphore(%arg12 : memref<!tpu.dma_semaphore, #tpu.memory_space<semaphore_mem>>)
          %slice3A_592 = vector.extract_strided_slice %get3A_81 {offsets = [13], sizes = [1], strides = [1]} : vector<16xi32> to vector<1xi32>
          %squeeze3A_593 = vector.extract %slice3A_592[0] : i32 from vector<1xi32>
          %mul3A_594 = arith.constant 16 : i32
          %mul3A_595 = arith.muli %scan3A_68, %mul3A_594 : i32
          %add3A_596 = arith.addi %mul3A_61, %mul3A_595 : i32
          %add3A_597 = arith.constant 13 : i32
          %add3A_598 = arith.addi %add3A_596, %add3A_597 : i32
          %dma_start3A_599 = arith.constant 0 : i32
          %dma_start3A_600 = tpu.memref_slice %arg10[%add3A_598, %dma_start3A_599] : memref<256x64xf32, #tpu.memory_space<vmem>> -> memref<1x64xf32, #tpu.memory_space<vmem>>
          %dma_start3A_601 = tpu.memref_squeeze %dma_start3A_600 : memref<1x64xf32, #tpu.memory_space<vmem>> -> memref<64xf32, #tpu.memory_space<vmem>>
          %dma_start3A_602 = arith.constant 0 : i32
          %dma_start3A_603 = tpu.memref_slice %arg5[%squeeze3A_593, %dma_start3A_602] : memref<1000000x64xf32, #tpu.memory_space<hbm>> -> memref<1x64xf32, #tpu.memory_space<hbm>>
          %dma_start3A_604 = tpu.memref_squeeze %dma_start3A_603 : memref<1x64xf32, #tpu.memory_space<hbm>> -> memref<64xf32, #tpu.memory_space<hbm>>
          %dma_start3A_605 = arith.constant 0 : i32
          %dma_start3A_606 = tpu.memref_slice %arg10[%add3A_598, %dma_start3A_605] : memref<256x64xf32, #tpu.memory_space<vmem>> -> memref<1x64xf32, #tpu.memory_space<vmem>>
          %dma_start3A_607 = tpu.memref_squeeze %dma_start3A_606 : memref<1x64xf32, #tpu.memory_space<vmem>> -> memref<64xf32, #tpu.memory_space<vmem>>
          %dma_start3A_608 = arith.constant 0 : i32
          %dma_start3A_609 = tpu.memref_slice %arg5[%squeeze3A_593, %dma_start3A_608] : memref<1000000x64xf32, #tpu.memory_space<hbm>> -> memref<1x64xf32, #tpu.memory_space<hbm>>
          %dma_start3A_610 = tpu.memref_squeeze %dma_start3A_609 : memref<1x64xf32, #tpu.memory_space<hbm>> -> memref<64xf32, #tpu.memory_space<hbm>>
          tpu.enqueue_dma source(%dma_start3A_610 : memref<64xf32, #tpu.memory_space<hbm>>) target(%dma_start3A_607 : memref<64xf32, #tpu.memory_space<vmem>>) target_semaphore(%arg12 : memref<!tpu.dma_semaphore, #tpu.memory_space<semaphore_mem>>)
          %slice3A_611 = vector.extract_strided_slice %get3A_74 {offsets = [14], sizes = [1], strides = [1]} : vector<16xi32> to vector<1xi32>
          %squeeze3A_612 = vector.extract %slice3A_611[0] : i32 from vector<1xi32>
          %mul3A_613 = arith.constant 16 : i32
          %mul3A_614 = arith.muli %scan3A_68, %mul3A_613 : i32
          %add3A_615 = arith.addi %mul3A_61, %mul3A_614 : i32
          %add3A_616 = arith.constant 14 : i32
          %add3A_617 = arith.addi %add3A_615, %add3A_616 : i32
          %dma_start3A_618 = arith.constant 0 : i32
          %dma_start3A_619 = tpu.memref_slice %arg9[%add3A_617, %dma_start3A_618] : memref<256x64xf32, #tpu.memory_space<vmem>> -> memref<1x64xf32, #tpu.memory_space<vmem>>
          %dma_start3A_620 = tpu.memref_squeeze %dma_start3A_619 : memref<1x64xf32, #tpu.memory_space<vmem>> -> memref<64xf32, #tpu.memory_space<vmem>>
          %dma_start3A_621 = arith.constant 0 : i32
          %dma_start3A_622 = tpu.memref_slice %arg4[%squeeze3A_612, %dma_start3A_621] : memref<1000000x64xf32, #tpu.memory_space<hbm>> -> memref<1x64xf32, #tpu.memory_space<hbm>>
          %dma_start3A_623 = tpu.memref_squeeze %dma_start3A_622 : memref<1x64xf32, #tpu.memory_space<hbm>> -> memref<64xf32, #tpu.memory_space<hbm>>
          %dma_start3A_624 = arith.constant 0 : i32
          %dma_start3A_625 = tpu.memref_slice %arg9[%add3A_617, %dma_start3A_624] : memref<256x64xf32, #tpu.memory_space<vmem>> -> memref<1x64xf32, #tpu.memory_space<vmem>>
          %dma_start3A_626 = tpu.memref_squeeze %dma_start3A_625 : memref<1x64xf32, #tpu.memory_space<vmem>> -> memref<64xf32, #tpu.memory_space<vmem>>
          %dma_start3A_627 = arith.constant 0 : i32
          %dma_start3A_628 = tpu.memref_slice %arg4[%squeeze3A_612, %dma_start3A_627] : memref<1000000x64xf32, #tpu.memory_space<hbm>> -> memref<1x64xf32, #tpu.memory_space<hbm>>
          %dma_start3A_629 = tpu.memref_squeeze %dma_start3A_628 : memref<1x64xf32, #tpu.memory_space<hbm>> -> memref<64xf32, #tpu.memory_space<hbm>>
          tpu.enqueue_dma source(%dma_start3A_629 : memref<64xf32, #tpu.memory_space<hbm>>) target(%dma_start3A_626 : memref<64xf32, #tpu.memory_space<vmem>>) target_semaphore(%arg12 : memref<!tpu.dma_semaphore, #tpu.memory_space<semaphore_mem>>)
          %slice3A_630 = vector.extract_strided_slice %get3A_81 {offsets = [14], sizes = [1], strides = [1]} : vector<16xi32> to vector<1xi32>
          %squeeze3A_631 = vector.extract %slice3A_630[0] : i32 from vector<1xi32>
          %mul3A_632 = arith.constant 16 : i32
          %mul3A_633 = arith.muli %scan3A_68, %mul3A_632 : i32
          %add3A_634 = arith.addi %mul3A_61, %mul3A_633 : i32
          %add3A_635 = arith.constant 14 : i32
          %add3A_636 = arith.addi %add3A_634, %add3A_635 : i32
          %dma_start3A_637 = arith.constant 0 : i32
          %dma_start3A_638 = tpu.memref_slice %arg10[%add3A_636, %dma_start3A_637] : memref<256x64xf32, #tpu.memory_space<vmem>> -> memref<1x64xf32, #tpu.memory_space<vmem>>
          %dma_start3A_639 = tpu.memref_squeeze %dma_start3A_638 : memref<1x64xf32, #tpu.memory_space<vmem>> -> memref<64xf32, #tpu.memory_space<vmem>>
          %dma_start3A_640 = arith.constant 0 : i32
          %dma_start3A_641 = tpu.memref_slice %arg5[%squeeze3A_631, %dma_start3A_640] : memref<1000000x64xf32, #tpu.memory_space<hbm>> -> memref<1x64xf32, #tpu.memory_space<hbm>>
          %dma_start3A_642 = tpu.memref_squeeze %dma_start3A_641 : memref<1x64xf32, #tpu.memory_space<hbm>> -> memref<64xf32, #tpu.memory_space<hbm>>
          %dma_start3A_643 = arith.constant 0 : i32
          %dma_start3A_644 = tpu.memref_slice %arg10[%add3A_636, %dma_start3A_643] : memref<256x64xf32, #tpu.memory_space<vmem>> -> memref<1x64xf32, #tpu.memory_space<vmem>>
          %dma_start3A_645 = tpu.memref_squeeze %dma_start3A_644 : memref<1x64xf32, #tpu.memory_space<vmem>> -> memref<64xf32, #tpu.memory_space<vmem>>
          %dma_start3A_646 = arith.constant 0 : i32
          %dma_start3A_647 = tpu.memref_slice %arg5[%squeeze3A_631, %dma_start3A_646] : memref<1000000x64xf32, #tpu.memory_space<hbm>> -> memref<1x64xf32, #tpu.memory_space<hbm>>
          %dma_start3A_648 = tpu.memref_squeeze %dma_start3A_647 : memref<1x64xf32, #tpu.memory_space<hbm>> -> memref<64xf32, #tpu.memory_space<hbm>>
          tpu.enqueue_dma source(%dma_start3A_648 : memref<64xf32, #tpu.memory_space<hbm>>) target(%dma_start3A_645 : memref<64xf32, #tpu.memory_space<vmem>>) target_semaphore(%arg12 : memref<!tpu.dma_semaphore, #tpu.memory_space<semaphore_mem>>)
          %slice3A_649 = vector.extract_strided_slice %get3A_74 {offsets = [15], sizes = [1], strides = [1]} : vector<16xi32> to vector<1xi32>
          %squeeze3A_650 = vector.extract %slice3A_649[0] : i32 from vector<1xi32>
          %mul3A_651 = arith.constant 16 : i32
          %mul3A_652 = arith.muli %scan3A_68, %mul3A_651 : i32
          %add3A_653 = arith.addi %mul3A_61, %mul3A_652 : i32
          %add3A_654 = arith.constant 15 : i32
          %add3A_655 = arith.addi %add3A_653, %add3A_654 : i32
          %dma_start3A_656 = arith.constant 0 : i32
          %dma_start3A_657 = tpu.memref_slice %arg9[%add3A_655, %dma_start3A_656] : memref<256x64xf32, #tpu.memory_space<vmem>> -> memref<1x64xf32, #tpu.memory_space<vmem>>
          %dma_start3A_658 = tpu.memref_squeeze %dma_start3A_657 : memref<1x64xf32, #tpu.memory_space<vmem>> -> memref<64xf32, #tpu.memory_space<vmem>>
          %dma_start3A_659 = arith.constant 0 : i32
          %dma_start3A_660 = tpu.memref_slice %arg4[%squeeze3A_650, %dma_start3A_659] : memref<1000000x64xf32, #tpu.memory_space<hbm>> -> memref<1x64xf32, #tpu.memory_space<hbm>>
          %dma_start3A_661 = tpu.memref_squeeze %dma_start3A_660 : memref<1x64xf32, #tpu.memory_space<hbm>> -> memref<64xf32, #tpu.memory_space<hbm>>
          %dma_start3A_662 = arith.constant 0 : i32
          %dma_start3A_663 = tpu.memref_slice %arg9[%add3A_655, %dma_start3A_662] : memref<256x64xf32, #tpu.memory_space<vmem>> -> memref<1x64xf32, #tpu.memory_space<vmem>>
          %dma_start3A_664 = tpu.memref_squeeze %dma_start3A_663 : memref<1x64xf32, #tpu.memory_space<vmem>> -> memref<64xf32, #tpu.memory_space<vmem>>
          %dma_start3A_665 = arith.constant 0 : i32
          %dma_start3A_666 = tpu.memref_slice %arg4[%squeeze3A_650, %dma_start3A_665] : memref<1000000x64xf32, #tpu.memory_space<hbm>> -> memref<1x64xf32, #tpu.memory_space<hbm>>
          %dma_start3A_667 = tpu.memref_squeeze %dma_start3A_666 : memref<1x64xf32, #tpu.memory_space<hbm>> -> memref<64xf32, #tpu.memory_space<hbm>>
          tpu.enqueue_dma source(%dma_start3A_667 : memref<64xf32, #tpu.memory_space<hbm>>) target(%dma_start3A_664 : memref<64xf32, #tpu.memory_space<vmem>>) target_semaphore(%arg12 : memref<!tpu.dma_semaphore, #tpu.memory_space<semaphore_mem>>)
          %slice3A_668 = vector.extract_strided_slice %get3A_81 {offsets = [15], sizes = [1], strides = [1]} : vector<16xi32> to vector<1xi32>
          %squeeze3A_669 = vector.extract %slice3A_668[0] : i32 from vector<1xi32>
          %mul3A_670 = arith.constant 16 : i32
          %mul3A_671 = arith.muli %scan3A_68, %mul3A_670 : i32
          %add3A_672 = arith.addi %mul3A_61, %mul3A_671 : i32
          %add3A_673 = arith.constant 15 : i32
          %add3A_674 = arith.addi %add3A_672, %add3A_673 : i32
          %dma_start3A_675 = arith.constant 0 : i32
          %dma_start3A_676 = tpu.memref_slice %arg10[%add3A_674, %dma_start3A_675] : memref<256x64xf32, #tpu.memory_space<vmem>> -> memref<1x64xf32, #tpu.memory_space<vmem>>
          %dma_start3A_677 = tpu.memref_squeeze %dma_start3A_676 : memref<1x64xf32, #tpu.memory_space<vmem>> -> memref<64xf32, #tpu.memory_space<vmem>>
          %dma_start3A_678 = arith.constant 0 : i32
          %dma_start3A_679 = tpu.memref_slice %arg5[%squeeze3A_669, %dma_start3A_678] : memref<1000000x64xf32, #tpu.memory_space<hbm>> -> memref<1x64xf32, #tpu.memory_space<hbm>>
          %dma_start3A_680 = tpu.memref_squeeze %dma_start3A_679 : memref<1x64xf32, #tpu.memory_space<hbm>> -> memref<64xf32, #tpu.memory_space<hbm>>
          %dma_start3A_681 = arith.constant 0 : i32
          %dma_start3A_682 = tpu.memref_slice %arg10[%add3A_674, %dma_start3A_681] : memref<256x64xf32, #tpu.memory_space<vmem>> -> memref<1x64xf32, #tpu.memory_space<vmem>>
          %dma_start3A_683 = tpu.memref_squeeze %dma_start3A_682 : memref<1x64xf32, #tpu.memory_space<vmem>> -> memref<64xf32, #tpu.memory_space<vmem>>
          %dma_start3A_684 = arith.constant 0 : i32
          %dma_start3A_685 = tpu.memref_slice %arg5[%squeeze3A_669, %dma_start3A_684] : memref<1000000x64xf32, #tpu.memory_space<hbm>> -> memref<1x64xf32, #tpu.memory_space<hbm>>
          %dma_start3A_686 = tpu.memref_squeeze %dma_start3A_685 : memref<1x64xf32, #tpu.memory_space<hbm>> -> memref<64xf32, #tpu.memory_space<hbm>>
          tpu.enqueue_dma source(%dma_start3A_686 : memref<64xf32, #tpu.memory_space<hbm>>) target(%dma_start3A_683 : memref<64xf32, #tpu.memory_space<vmem>>) target_semaphore(%arg12 : memref<!tpu.dma_semaphore, #tpu.memory_space<semaphore_mem>>)
        }
        %scan3A_67 = arith.constant 8 : i32
      } else {
      }
      %dma_wait3A = arith.constant 0 : i32
      %dma_wait3A_23 = arith.constant 0 : i32
      %dma_wait3A_24 = tpu.memref_slice %arg9[%dma_wait3A, %dma_wait3A_23] : memref<256x64xf32, #tpu.memory_space<vmem>> -> memref<128x64xf32, #tpu.memory_space<vmem>>
      %dma_wait3A_25 = arith.constant 0 : i32
      %dma_wait3A_26 = arith.constant 0 : i32
      %dma_wait3A_27 = tpu.memref_slice %arg4[%dma_wait3A_25, %dma_wait3A_26] : memref<1000000x64xf32, #tpu.memory_space<hbm>> -> memref<128x64xf32, #tpu.memory_space<hbm>>
      %dma_wait3A_28 = arith.constant 0 : i32
      %dma_wait3A_29 = arith.constant 0 : i32
      %dma_wait3A_30 = tpu.memref_slice %arg9[%dma_wait3A_28, %dma_wait3A_29] : memref<256x64xf32, #tpu.memory_space<vmem>> -> memref<128x64xf32, #tpu.memory_space<vmem>>
      %dma_wait3A_31 = arith.constant 0 : i32
      %dma_wait3A_32 = arith.constant 0 : i32
      %dma_wait3A_33 = tpu.memref_slice %arg4[%dma_wait3A_31, %dma_wait3A_32] : memref<1000000x64xf32, #tpu.memory_space<hbm>> -> memref<128x64xf32, #tpu.memory_space<hbm>>
      tpu.wait_dma2 semaphore(%arg12 : memref<!tpu.dma_semaphore, #tpu.memory_space<semaphore_mem>>) src(%dma_wait3A_33 : memref<128x64xf32, #tpu.memory_space<hbm>>) dst(%dma_wait3A_30 : memref<128x64xf32, #tpu.memory_space<vmem>>)
      %dma_wait3A_34 = arith.constant 0 : i32
      %dma_wait3A_35 = arith.constant 0 : i32
      %dma_wait3A_36 = tpu.memref_slice %arg10[%dma_wait3A_34, %dma_wait3A_35] : memref<256x64xf32, #tpu.memory_space<vmem>> -> memref<128x64xf32, #tpu.memory_space<vmem>>
      %dma_wait3A_37 = arith.constant 0 : i32
      %dma_wait3A_38 = arith.constant 0 : i32
      %dma_wait3A_39 = tpu.memref_slice %arg5[%dma_wait3A_37, %dma_wait3A_38] : memref<1000000x64xf32, #tpu.memory_space<hbm>> -> memref<128x64xf32, #tpu.memory_space<hbm>>
      %dma_wait3A_40 = arith.constant 0 : i32
      %dma_wait3A_41 = arith.constant 0 : i32
      %dma_wait3A_42 = tpu.memref_slice %arg10[%dma_wait3A_40, %dma_wait3A_41] : memref<256x64xf32, #tpu.memory_space<vmem>> -> memref<128x64xf32, #tpu.memory_space<vmem>>
      %dma_wait3A_43 = arith.constant 0 : i32
      %dma_wait3A_44 = arith.constant 0 : i32
      %dma_wait3A_45 = tpu.memref_slice %arg5[%dma_wait3A_43, %dma_wait3A_44] : memref<1000000x64xf32, #tpu.memory_space<hbm>> -> memref<128x64xf32, #tpu.memory_space<hbm>>
      tpu.wait_dma2 semaphore(%arg12 : memref<!tpu.dma_semaphore, #tpu.memory_space<semaphore_mem>>) src(%dma_wait3A_45 : memref<128x64xf32, #tpu.memory_space<hbm>>) dst(%dma_wait3A_42 : memref<128x64xf32, #tpu.memory_space<vmem>>)
      %rem3A_46 = arith.constant 2 : i32
      %rem3A_47 = arith.remsi %scan3A_18, %rem3A_46 : i32
      %mul3A_48 = arith.constant 128 : i32
      %mul3A_49 = arith.muli %rem3A_47, %mul3A_48 : i32
      %scan3A_50 = arith.constant 0 : i32
      %scan3A_51 = arith.constant 0 : i32
      %scan3A_52 = arith.constant 8 : i32
      %scan3A_53 = arith.addi %scan3A_51, %scan3A_52 : i32
      %scan3A_54 = arith.constant 1 : i32
      scf.for %scan3A_56 = %scan3A_51 to %scan3A_53 step %scan3A_54  : i32 {
        %mul3A_57 = arith.constant 16 : i32
        %mul3A_58 = arith.muli %scan3A_56, %mul3A_57 : i32
        %add3A_59 = arith.addi %mul3A_49, %mul3A_58 : i32
        %iota3A = tpu.iota {dimensions = array<i32: 0>} : vector<16xi32>
        %add3A_60 = vector.broadcast %add3A_59 : i32 to vector<16xi32>
        %add3A_61 = arith.addi %add3A_60, %iota3A : vector<16xi32>
        %broadcast_in_dim3A = arith.constant 0.000000e+00 : f32
        %broadcast_in_dim3A_62 = vector.broadcast %broadcast_in_dim3A : f32 to vector<16xf32>
        %broadcast_in_dim3A_63 = arith.constant 0 : i32
        %broadcast_in_dim3A_64 = vector.broadcast %broadcast_in_dim3A_63 : i32 to vector<16xi32>
        %gather3A = tpu.vector_load_idx %arg9[%add3A_61, %broadcast_in_dim3A_64] : memref<256x64xf32, #tpu.memory_space<vmem>>[vector<16xi32>, vector<16xi32>], vector<16xf32>,
        %gather3A_65 = tpu.vector_load_idx %arg10[%add3A_61, %broadcast_in_dim3A_64] : memref<256x64xf32, #tpu.memory_space<vmem>>[vector<16xi32>, vector<16xi32>], vector<16xf32>,
        %mul3A_66 = arith.mulf %gather3A, %gather3A_65 : vector<16xf32>
        %add3A_67 = arith.addf %broadcast_in_dim3A_62, %mul3A_66 : vector<16xf32>
        %broadcast_in_dim3A_68 = arith.constant 1 : i32
        %broadcast_in_dim3A_69 = vector.broadcast %broadcast_in_dim3A_68 : i32 to vector<16xi32>
        %gather3A_70 = tpu.vector_load_idx %arg9[%add3A_61, %broadcast_in_dim3A_69] : memref<256x64xf32, #tpu.memory_space<vmem>>[vector<16xi32>, vector<16xi32>], vector<16xf32>,
        %gather3A_71 = tpu.vector_load_idx %arg10[%add3A_61, %broadcast_in_dim3A_69] : memref<256x64xf32, #tpu.memory_space<vmem>>[vector<16xi32>, vector<16xi32>], vector<16xf32>,
        %mul3A_72 = arith.mulf %gather3A_70, %gather3A_71 : vector<16xf32>
        %add3A_73 = arith.addf %add3A_67, %mul3A_72 : vector<16xf32>
        %broadcast_in_dim3A_74 = arith.constant 2 : i32
        %broadcast_in_dim3A_75 = vector.broadcast %broadcast_in_dim3A_74 : i32 to vector<16xi32>
        %gather3A_76 = tpu.vector_load_idx %arg9[%add3A_61, %broadcast_in_dim3A_75] : memref<256x64xf32, #tpu.memory_space<vmem>>[vector<16xi32>, vector<16xi32>], vector<16xf32>,
        %gather3A_77 = tpu.vector_load_idx %arg10[%add3A_61, %broadcast_in_dim3A_75] : memref<256x64xf32, #tpu.memory_space<vmem>>[vector<16xi32>, vector<16xi32>], vector<16xf32>,
        %mul3A_78 = arith.mulf %gather3A_76, %gather3A_77 : vector<16xf32>
        %add3A_79 = arith.addf %add3A_73, %mul3A_78 : vector<16xf32>
        %broadcast_in_dim3A_80 = arith.constant 3 : i32
        %broadcast_in_dim3A_81 = vector.broadcast %broadcast_in_dim3A_80 : i32 to vector<16xi32>
        %gather3A_82 = tpu.vector_load_idx %arg9[%add3A_61, %broadcast_in_dim3A_81] : memref<256x64xf32, #tpu.memory_space<vmem>>[vector<16xi32>, vector<16xi32>], vector<16xf32>,
        %gather3A_83 = tpu.vector_load_idx %arg10[%add3A_61, %broadcast_in_dim3A_81] : memref<256x64xf32, #tpu.memory_space<vmem>>[vector<16xi32>, vector<16xi32>], vector<16xf32>,
        %mul3A_84 = arith.mulf %gather3A_82, %gather3A_83 : vector<16xf32>
        %add3A_85 = arith.addf %add3A_79, %mul3A_84 : vector<16xf32>
        %broadcast_in_dim3A_86 = arith.constant 4 : i32
        %broadcast_in_dim3A_87 = vector.broadcast %broadcast_in_dim3A_86 : i32 to vector<16xi32>
        %gather3A_88 = tpu.vector_load_idx %arg9[%add3A_61, %broadcast_in_dim3A_87] : memref<256x64xf32, #tpu.memory_space<vmem>>[vector<16xi32>, vector<16xi32>], vector<16xf32>,
        %gather3A_89 = tpu.vector_load_idx %arg10[%add3A_61, %broadcast_in_dim3A_87] : memref<256x64xf32, #tpu.memory_space<vmem>>[vector<16xi32>, vector<16xi32>], vector<16xf32>,
        %mul3A_90 = arith.mulf %gather3A_88, %gather3A_89 : vector<16xf32>
        %add3A_91 = arith.addf %add3A_85, %mul3A_90 : vector<16xf32>
        %broadcast_in_dim3A_92 = arith.constant 5 : i32
        %broadcast_in_dim3A_93 = vector.broadcast %broadcast_in_dim3A_92 : i32 to vector<16xi32>
        %gather3A_94 = tpu.vector_load_idx %arg9[%add3A_61, %broadcast_in_dim3A_93] : memref<256x64xf32, #tpu.memory_space<vmem>>[vector<16xi32>, vector<16xi32>], vector<16xf32>,
        %gather3A_95 = tpu.vector_load_idx %arg10[%add3A_61, %broadcast_in_dim3A_93] : memref<256x64xf32, #tpu.memory_space<vmem>>[vector<16xi32>, vector<16xi32>], vector<16xf32>,
        %mul3A_96 = arith.mulf %gather3A_94, %gather3A_95 : vector<16xf32>
        %add3A_97 = arith.addf %add3A_91, %mul3A_96 : vector<16xf32>
        %broadcast_in_dim3A_98 = arith.constant 6 : i32
        %broadcast_in_dim3A_99 = vector.broadcast %broadcast_in_dim3A_98 : i32 to vector<16xi32>
        %gather3A_100 = tpu.vector_load_idx %arg9[%add3A_61, %broadcast_in_dim3A_99] : memref<256x64xf32, #tpu.memory_space<vmem>>[vector<16xi32>, vector<16xi32>], vector<16xf32>,
        %gather3A_101 = tpu.vector_load_idx %arg10[%add3A_61, %broadcast_in_dim3A_99] : memref<256x64xf32, #tpu.memory_space<vmem>>[vector<16xi32>, vector<16xi32>], vector<16xf32>,
        %mul3A_102 = arith.mulf %gather3A_100, %gather3A_101 : vector<16xf32>
        %add3A_103 = arith.addf %add3A_97, %mul3A_102 : vector<16xf32>
        %broadcast_in_dim3A_104 = arith.constant 7 : i32
        %broadcast_in_dim3A_105 = vector.broadcast %broadcast_in_dim3A_104 : i32 to vector<16xi32>
        %gather3A_106 = tpu.vector_load_idx %arg9[%add3A_61, %broadcast_in_dim3A_105] : memref<256x64xf32, #tpu.memory_space<vmem>>[vector<16xi32>, vector<16xi32>], vector<16xf32>,
        %gather3A_107 = tpu.vector_load_idx %arg10[%add3A_61, %broadcast_in_dim3A_105] : memref<256x64xf32, #tpu.memory_space<vmem>>[vector<16xi32>, vector<16xi32>], vector<16xf32>,
        %mul3A_108 = arith.mulf %gather3A_106, %gather3A_107 : vector<16xf32>
        %add3A_109 = arith.addf %add3A_103, %mul3A_108 : vector<16xf32>
        %broadcast_in_dim3A_110 = arith.constant 8 : i32
        %broadcast_in_dim3A_111 = vector.broadcast %broadcast_in_dim3A_110 : i32 to vector<16xi32>
        %gather3A_112 = tpu.vector_load_idx %arg9[%add3A_61, %broadcast_in_dim3A_111] : memref<256x64xf32, #tpu.memory_space<vmem>>[vector<16xi32>, vector<16xi32>], vector<16xf32>,
        %gather3A_113 = tpu.vector_load_idx %arg10[%add3A_61, %broadcast_in_dim3A_111] : memref<256x64xf32, #tpu.memory_space<vmem>>[vector<16xi32>, vector<16xi32>], vector<16xf32>,
        %mul3A_114 = arith.mulf %gather3A_112, %gather3A_113 : vector<16xf32>
        %add3A_115 = arith.addf %add3A_109, %mul3A_114 : vector<16xf32>
        %broadcast_in_dim3A_116 = arith.constant 9 : i32
        %broadcast_in_dim3A_117 = vector.broadcast %broadcast_in_dim3A_116 : i32 to vector<16xi32>
        %gather3A_118 = tpu.vector_load_idx %arg9[%add3A_61, %broadcast_in_dim3A_117] : memref<256x64xf32, #tpu.memory_space<vmem>>[vector<16xi32>, vector<16xi32>], vector<16xf32>,
        %gather3A_119 = tpu.vector_load_idx %arg10[%add3A_61, %broadcast_in_dim3A_117] : memref<256x64xf32, #tpu.memory_space<vmem>>[vector<16xi32>, vector<16xi32>], vector<16xf32>,
        %mul3A_120 = arith.mulf %gather3A_118, %gather3A_119 : vector<16xf32>
        %add3A_121 = arith.addf %add3A_115, %mul3A_120 : vector<16xf32>
        %broadcast_in_dim3A_122 = arith.constant 10 : i32
        %broadcast_in_dim3A_123 = vector.broadcast %broadcast_in_dim3A_122 : i32 to vector<16xi32>
        %gather3A_124 = tpu.vector_load_idx %arg9[%add3A_61, %broadcast_in_dim3A_123] : memref<256x64xf32, #tpu.memory_space<vmem>>[vector<16xi32>, vector<16xi32>], vector<16xf32>,
        %gather3A_125 = tpu.vector_load_idx %arg10[%add3A_61, %broadcast_in_dim3A_123] : memref<256x64xf32, #tpu.memory_space<vmem>>[vector<16xi32>, vector<16xi32>], vector<16xf32>,
        %mul3A_126 = arith.mulf %gather3A_124, %gather3A_125 : vector<16xf32>
        %add3A_127 = arith.addf %add3A_121, %mul3A_126 : vector<16xf32>
        %broadcast_in_dim3A_128 = arith.constant 11 : i32
        %broadcast_in_dim3A_129 = vector.broadcast %broadcast_in_dim3A_128 : i32 to vector<16xi32>
        %gather3A_130 = tpu.vector_load_idx %arg9[%add3A_61, %broadcast_in_dim3A_129] : memref<256x64xf32, #tpu.memory_space<vmem>>[vector<16xi32>, vector<16xi32>], vector<16xf32>,
        %gather3A_131 = tpu.vector_load_idx %arg10[%add3A_61, %broadcast_in_dim3A_129] : memref<256x64xf32, #tpu.memory_space<vmem>>[vector<16xi32>, vector<16xi32>], vector<16xf32>,
        %mul3A_132 = arith.mulf %gather3A_130, %gather3A_131 : vector<16xf32>
        %add3A_133 = arith.addf %add3A_127, %mul3A_132 : vector<16xf32>
        %broadcast_in_dim3A_134 = arith.constant 12 : i32
        %broadcast_in_dim3A_135 = vector.broadcast %broadcast_in_dim3A_134 : i32 to vector<16xi32>
        %gather3A_136 = tpu.vector_load_idx %arg9[%add3A_61, %broadcast_in_dim3A_135] : memref<256x64xf32, #tpu.memory_space<vmem>>[vector<16xi32>, vector<16xi32>], vector<16xf32>,
        %gather3A_137 = tpu.vector_load_idx %arg10[%add3A_61, %broadcast_in_dim3A_135] : memref<256x64xf32, #tpu.memory_space<vmem>>[vector<16xi32>, vector<16xi32>], vector<16xf32>,
        %mul3A_138 = arith.mulf %gather3A_136, %gather3A_137 : vector<16xf32>
        %add3A_139 = arith.addf %add3A_133, %mul3A_138 : vector<16xf32>
        %broadcast_in_dim3A_140 = arith.constant 13 : i32
        %broadcast_in_dim3A_141 = vector.broadcast %broadcast_in_dim3A_140 : i32 to vector<16xi32>
        %gather3A_142 = tpu.vector_load_idx %arg9[%add3A_61, %broadcast_in_dim3A_141] : memref<256x64xf32, #tpu.memory_space<vmem>>[vector<16xi32>, vector<16xi32>], vector<16xf32>,
        %gather3A_143 = tpu.vector_load_idx %arg10[%add3A_61, %broadcast_in_dim3A_141] : memref<256x64xf32, #tpu.memory_space<vmem>>[vector<16xi32>, vector<16xi32>], vector<16xf32>,
        %mul3A_144 = arith.mulf %gather3A_142, %gather3A_143 : vector<16xf32>
        %add3A_145 = arith.addf %add3A_139, %mul3A_144 : vector<16xf32>
        %broadcast_in_dim3A_146 = arith.constant 14 : i32
        %broadcast_in_dim3A_147 = vector.broadcast %broadcast_in_dim3A_146 : i32 to vector<16xi32>
        %gather3A_148 = tpu.vector_load_idx %arg9[%add3A_61, %broadcast_in_dim3A_147] : memref<256x64xf32, #tpu.memory_space<vmem>>[vector<16xi32>, vector<16xi32>], vector<16xf32>,
        %gather3A_149 = tpu.vector_load_idx %arg10[%add3A_61, %broadcast_in_dim3A_147] : memref<256x64xf32, #tpu.memory_space<vmem>>[vector<16xi32>, vector<16xi32>], vector<16xf32>,
        %mul3A_150 = arith.mulf %gather3A_148, %gather3A_149 : vector<16xf32>
        %add3A_151 = arith.addf %add3A_145, %mul3A_150 : vector<16xf32>
        %broadcast_in_dim3A_152 = arith.constant 15 : i32
        %broadcast_in_dim3A_153 = vector.broadcast %broadcast_in_dim3A_152 : i32 to vector<16xi32>
        %gather3A_154 = tpu.vector_load_idx %arg9[%add3A_61, %broadcast_in_dim3A_153] : memref<256x64xf32, #tpu.memory_space<vmem>>[vector<16xi32>, vector<16xi32>], vector<16xf32>,
        %gather3A_155 = tpu.vector_load_idx %arg10[%add3A_61, %broadcast_in_dim3A_153] : memref<256x64xf32, #tpu.memory_space<vmem>>[vector<16xi32>, vector<16xi32>], vector<16xf32>,
        %mul3A_156 = arith.mulf %gather3A_154, %gather3A_155 : vector<16xf32>
        %add3A_157 = arith.addf %add3A_151, %mul3A_156 : vector<16xf32>
        %broadcast_in_dim3A_158 = arith.constant 16 : i32
        %broadcast_in_dim3A_159 = vector.broadcast %broadcast_in_dim3A_158 : i32 to vector<16xi32>
        %gather3A_160 = tpu.vector_load_idx %arg9[%add3A_61, %broadcast_in_dim3A_159] : memref<256x64xf32, #tpu.memory_space<vmem>>[vector<16xi32>, vector<16xi32>], vector<16xf32>,
        %gather3A_161 = tpu.vector_load_idx %arg10[%add3A_61, %broadcast_in_dim3A_159] : memref<256x64xf32, #tpu.memory_space<vmem>>[vector<16xi32>, vector<16xi32>], vector<16xf32>,
        %mul3A_162 = arith.mulf %gather3A_160, %gather3A_161 : vector<16xf32>
        %add3A_163 = arith.addf %add3A_157, %mul3A_162 : vector<16xf32>
        %broadcast_in_dim3A_164 = arith.constant 17 : i32
        %broadcast_in_dim3A_165 = vector.broadcast %broadcast_in_dim3A_164 : i32 to vector<16xi32>
        %gather3A_166 = tpu.vector_load_idx %arg9[%add3A_61, %broadcast_in_dim3A_165] : memref<256x64xf32, #tpu.memory_space<vmem>>[vector<16xi32>, vector<16xi32>], vector<16xf32>,
        %gather3A_167 = tpu.vector_load_idx %arg10[%add3A_61, %broadcast_in_dim3A_165] : memref<256x64xf32, #tpu.memory_space<vmem>>[vector<16xi32>, vector<16xi32>], vector<16xf32>,
        %mul3A_168 = arith.mulf %gather3A_166, %gather3A_167 : vector<16xf32>
        %add3A_169 = arith.addf %add3A_163, %mul3A_168 : vector<16xf32>
        %broadcast_in_dim3A_170 = arith.constant 18 : i32
        %broadcast_in_dim3A_171 = vector.broadcast %broadcast_in_dim3A_170 : i32 to vector<16xi32>
        %gather3A_172 = tpu.vector_load_idx %arg9[%add3A_61, %broadcast_in_dim3A_171] : memref<256x64xf32, #tpu.memory_space<vmem>>[vector<16xi32>, vector<16xi32>], vector<16xf32>,
        %gather3A_173 = tpu.vector_load_idx %arg10[%add3A_61, %broadcast_in_dim3A_171] : memref<256x64xf32, #tpu.memory_space<vmem>>[vector<16xi32>, vector<16xi32>], vector<16xf32>,
        %mul3A_174 = arith.mulf %gather3A_172, %gather3A_173 : vector<16xf32>
        %add3A_175 = arith.addf %add3A_169, %mul3A_174 : vector<16xf32>
        %broadcast_in_dim3A_176 = arith.constant 19 : i32
        %broadcast_in_dim3A_177 = vector.broadcast %broadcast_in_dim3A_176 : i32 to vector<16xi32>
        %gather3A_178 = tpu.vector_load_idx %arg9[%add3A_61, %broadcast_in_dim3A_177] : memref<256x64xf32, #tpu.memory_space<vmem>>[vector<16xi32>, vector<16xi32>], vector<16xf32>,
        %gather3A_179 = tpu.vector_load_idx %arg10[%add3A_61, %broadcast_in_dim3A_177] : memref<256x64xf32, #tpu.memory_space<vmem>>[vector<16xi32>, vector<16xi32>], vector<16xf32>,
        %mul3A_180 = arith.mulf %gather3A_178, %gather3A_179 : vector<16xf32>
        %add3A_181 = arith.addf %add3A_175, %mul3A_180 : vector<16xf32>
        %broadcast_in_dim3A_182 = arith.constant 20 : i32
        %broadcast_in_dim3A_183 = vector.broadcast %broadcast_in_dim3A_182 : i32 to vector<16xi32>
        %gather3A_184 = tpu.vector_load_idx %arg9[%add3A_61, %broadcast_in_dim3A_183] : memref<256x64xf32, #tpu.memory_space<vmem>>[vector<16xi32>, vector<16xi32>], vector<16xf32>,
        %gather3A_185 = tpu.vector_load_idx %arg10[%add3A_61, %broadcast_in_dim3A_183] : memref<256x64xf32, #tpu.memory_space<vmem>>[vector<16xi32>, vector<16xi32>], vector<16xf32>,
        %mul3A_186 = arith.mulf %gather3A_184, %gather3A_185 : vector<16xf32>
        %add3A_187 = arith.addf %add3A_181, %mul3A_186 : vector<16xf32>
        %broadcast_in_dim3A_188 = arith.constant 21 : i32
        %broadcast_in_dim3A_189 = vector.broadcast %broadcast_in_dim3A_188 : i32 to vector<16xi32>
        %gather3A_190 = tpu.vector_load_idx %arg9[%add3A_61, %broadcast_in_dim3A_189] : memref<256x64xf32, #tpu.memory_space<vmem>>[vector<16xi32>, vector<16xi32>], vector<16xf32>,
        %gather3A_191 = tpu.vector_load_idx %arg10[%add3A_61, %broadcast_in_dim3A_189] : memref<256x64xf32, #tpu.memory_space<vmem>>[vector<16xi32>, vector<16xi32>], vector<16xf32>,
        %mul3A_192 = arith.mulf %gather3A_190, %gather3A_191 : vector<16xf32>
        %add3A_193 = arith.addf %add3A_187, %mul3A_192 : vector<16xf32>
        %broadcast_in_dim3A_194 = arith.constant 22 : i32
        %broadcast_in_dim3A_195 = vector.broadcast %broadcast_in_dim3A_194 : i32 to vector<16xi32>
        %gather3A_196 = tpu.vector_load_idx %arg9[%add3A_61, %broadcast_in_dim3A_195] : memref<256x64xf32, #tpu.memory_space<vmem>>[vector<16xi32>, vector<16xi32>], vector<16xf32>,
        %gather3A_197 = tpu.vector_load_idx %arg10[%add3A_61, %broadcast_in_dim3A_195] : memref<256x64xf32, #tpu.memory_space<vmem>>[vector<16xi32>, vector<16xi32>], vector<16xf32>,
        %mul3A_198 = arith.mulf %gather3A_196, %gather3A_197 : vector<16xf32>
        %add3A_199 = arith.addf %add3A_193, %mul3A_198 : vector<16xf32>
        %broadcast_in_dim3A_200 = arith.constant 23 : i32
        %broadcast_in_dim3A_201 = vector.broadcast %broadcast_in_dim3A_200 : i32 to vector<16xi32>
        %gather3A_202 = tpu.vector_load_idx %arg9[%add3A_61, %broadcast_in_dim3A_201] : memref<256x64xf32, #tpu.memory_space<vmem>>[vector<16xi32>, vector<16xi32>], vector<16xf32>,
        %gather3A_203 = tpu.vector_load_idx %arg10[%add3A_61, %broadcast_in_dim3A_201] : memref<256x64xf32, #tpu.memory_space<vmem>>[vector<16xi32>, vector<16xi32>], vector<16xf32>,
        %mul3A_204 = arith.mulf %gather3A_202, %gather3A_203 : vector<16xf32>
        %add3A_205 = arith.addf %add3A_199, %mul3A_204 : vector<16xf32>
        %broadcast_in_dim3A_206 = arith.constant 24 : i32
        %broadcast_in_dim3A_207 = vector.broadcast %broadcast_in_dim3A_206 : i32 to vector<16xi32>
        %gather3A_208 = tpu.vector_load_idx %arg9[%add3A_61, %broadcast_in_dim3A_207] : memref<256x64xf32, #tpu.memory_space<vmem>>[vector<16xi32>, vector<16xi32>], vector<16xf32>,
        %gather3A_209 = tpu.vector_load_idx %arg10[%add3A_61, %broadcast_in_dim3A_207] : memref<256x64xf32, #tpu.memory_space<vmem>>[vector<16xi32>, vector<16xi32>], vector<16xf32>,
        %mul3A_210 = arith.mulf %gather3A_208, %gather3A_209 : vector<16xf32>
        %add3A_211 = arith.addf %add3A_205, %mul3A_210 : vector<16xf32>
        %broadcast_in_dim3A_212 = arith.constant 25 : i32
        %broadcast_in_dim3A_213 = vector.broadcast %broadcast_in_dim3A_212 : i32 to vector<16xi32>
        %gather3A_214 = tpu.vector_load_idx %arg9[%add3A_61, %broadcast_in_dim3A_213] : memref<256x64xf32, #tpu.memory_space<vmem>>[vector<16xi32>, vector<16xi32>], vector<16xf32>,
        %gather3A_215 = tpu.vector_load_idx %arg10[%add3A_61, %broadcast_in_dim3A_213] : memref<256x64xf32, #tpu.memory_space<vmem>>[vector<16xi32>, vector<16xi32>], vector<16xf32>,
        %mul3A_216 = arith.mulf %gather3A_214, %gather3A_215 : vector<16xf32>
        %add3A_217 = arith.addf %add3A_211, %mul3A_216 : vector<16xf32>
        %broadcast_in_dim3A_218 = arith.constant 26 : i32
        %broadcast_in_dim3A_219 = vector.broadcast %broadcast_in_dim3A_218 : i32 to vector<16xi32>
        %gather3A_220 = tpu.vector_load_idx %arg9[%add3A_61, %broadcast_in_dim3A_219] : memref<256x64xf32, #tpu.memory_space<vmem>>[vector<16xi32>, vector<16xi32>], vector<16xf32>,
        %gather3A_221 = tpu.vector_load_idx %arg10[%add3A_61, %broadcast_in_dim3A_219] : memref<256x64xf32, #tpu.memory_space<vmem>>[vector<16xi32>, vector<16xi32>], vector<16xf32>,
        %mul3A_222 = arith.mulf %gather3A_220, %gather3A_221 : vector<16xf32>
        %add3A_223 = arith.addf %add3A_217, %mul3A_222 : vector<16xf32>
        %broadcast_in_dim3A_224 = arith.constant 27 : i32
        %broadcast_in_dim3A_225 = vector.broadcast %broadcast_in_dim3A_224 : i32 to vector<16xi32>
        %gather3A_226 = tpu.vector_load_idx %arg9[%add3A_61, %broadcast_in_dim3A_225] : memref<256x64xf32, #tpu.memory_space<vmem>>[vector<16xi32>, vector<16xi32>], vector<16xf32>,
        %gather3A_227 = tpu.vector_load_idx %arg10[%add3A_61, %broadcast_in_dim3A_225] : memref<256x64xf32, #tpu.memory_space<vmem>>[vector<16xi32>, vector<16xi32>], vector<16xf32>,
        %mul3A_228 = arith.mulf %gather3A_226, %gather3A_227 : vector<16xf32>
        %add3A_229 = arith.addf %add3A_223, %mul3A_228 : vector<16xf32>
        %broadcast_in_dim3A_230 = arith.constant 28 : i32
        %broadcast_in_dim3A_231 = vector.broadcast %broadcast_in_dim3A_230 : i32 to vector<16xi32>
        %gather3A_232 = tpu.vector_load_idx %arg9[%add3A_61, %broadcast_in_dim3A_231] : memref<256x64xf32, #tpu.memory_space<vmem>>[vector<16xi32>, vector<16xi32>], vector<16xf32>,
        %gather3A_233 = tpu.vector_load_idx %arg10[%add3A_61, %broadcast_in_dim3A_231] : memref<256x64xf32, #tpu.memory_space<vmem>>[vector<16xi32>, vector<16xi32>], vector<16xf32>,
        %mul3A_234 = arith.mulf %gather3A_232, %gather3A_233 : vector<16xf32>
        %add3A_235 = arith.addf %add3A_229, %mul3A_234 : vector<16xf32>
        %broadcast_in_dim3A_236 = arith.constant 29 : i32
        %broadcast_in_dim3A_237 = vector.broadcast %broadcast_in_dim3A_236 : i32 to vector<16xi32>
        %gather3A_238 = tpu.vector_load_idx %arg9[%add3A_61, %broadcast_in_dim3A_237] : memref<256x64xf32, #tpu.memory_space<vmem>>[vector<16xi32>, vector<16xi32>], vector<16xf32>,
        %gather3A_239 = tpu.vector_load_idx %arg10[%add3A_61, %broadcast_in_dim3A_237] : memref<256x64xf32, #tpu.memory_space<vmem>>[vector<16xi32>, vector<16xi32>], vector<16xf32>,
        %mul3A_240 = arith.mulf %gather3A_238, %gather3A_239 : vector<16xf32>
        %add3A_241 = arith.addf %add3A_235, %mul3A_240 : vector<16xf32>
        %broadcast_in_dim3A_242 = arith.constant 30 : i32
        %broadcast_in_dim3A_243 = vector.broadcast %broadcast_in_dim3A_242 : i32 to vector<16xi32>
        %gather3A_244 = tpu.vector_load_idx %arg9[%add3A_61, %broadcast_in_dim3A_243] : memref<256x64xf32, #tpu.memory_space<vmem>>[vector<16xi32>, vector<16xi32>], vector<16xf32>,
        %gather3A_245 = tpu.vector_load_idx %arg10[%add3A_61, %broadcast_in_dim3A_243] : memref<256x64xf32, #tpu.memory_space<vmem>>[vector<16xi32>, vector<16xi32>], vector<16xf32>,
        %mul3A_246 = arith.mulf %gather3A_244, %gather3A_245 : vector<16xf32>
        %add3A_247 = arith.addf %add3A_241, %mul3A_246 : vector<16xf32>
        %broadcast_in_dim3A_248 = arith.constant 31 : i32
        %broadcast_in_dim3A_249 = vector.broadcast %broadcast_in_dim3A_248 : i32 to vector<16xi32>
        %gather3A_250 = tpu.vector_load_idx %arg9[%add3A_61, %broadcast_in_dim3A_249] : memref<256x64xf32, #tpu.memory_space<vmem>>[vector<16xi32>, vector<16xi32>], vector<16xf32>,
        %gather3A_251 = tpu.vector_load_idx %arg10[%add3A_61, %broadcast_in_dim3A_249] : memref<256x64xf32, #tpu.memory_space<vmem>>[vector<16xi32>, vector<16xi32>], vector<16xf32>,
        %mul3A_252 = arith.mulf %gather3A_250, %gather3A_251 : vector<16xf32>
        %add3A_253 = arith.addf %add3A_247, %mul3A_252 : vector<16xf32>
        %broadcast_in_dim3A_254 = arith.constant 32 : i32
        %broadcast_in_dim3A_255 = vector.broadcast %broadcast_in_dim3A_254 : i32 to vector<16xi32>
        %gather3A_256 = tpu.vector_load_idx %arg9[%add3A_61, %broadcast_in_dim3A_255] : memref<256x64xf32, #tpu.memory_space<vmem>>[vector<16xi32>, vector<16xi32>], vector<16xf32>,
        %gather3A_257 = tpu.vector_load_idx %arg10[%add3A_61, %broadcast_in_dim3A_255] : memref<256x64xf32, #tpu.memory_space<vmem>>[vector<16xi32>, vector<16xi32>], vector<16xf32>,
        %mul3A_258 = arith.mulf %gather3A_256, %gather3A_257 : vector<16xf32>
        %add3A_259 = arith.addf %add3A_253, %mul3A_258 : vector<16xf32>
        %broadcast_in_dim3A_260 = arith.constant 33 : i32
        %broadcast_in_dim3A_261 = vector.broadcast %broadcast_in_dim3A_260 : i32 to vector<16xi32>
        %gather3A_262 = tpu.vector_load_idx %arg9[%add3A_61, %broadcast_in_dim3A_261] : memref<256x64xf32, #tpu.memory_space<vmem>>[vector<16xi32>, vector<16xi32>], vector<16xf32>,
        %gather3A_263 = tpu.vector_load_idx %arg10[%add3A_61, %broadcast_in_dim3A_261] : memref<256x64xf32, #tpu.memory_space<vmem>>[vector<16xi32>, vector<16xi32>], vector<16xf32>,
        %mul3A_264 = arith.mulf %gather3A_262, %gather3A_263 : vector<16xf32>
        %add3A_265 = arith.addf %add3A_259, %mul3A_264 : vector<16xf32>
        %broadcast_in_dim3A_266 = arith.constant 34 : i32
        %broadcast_in_dim3A_267 = vector.broadcast %broadcast_in_dim3A_266 : i32 to vector<16xi32>
        %gather3A_268 = tpu.vector_load_idx %arg9[%add3A_61, %broadcast_in_dim3A_267] : memref<256x64xf32, #tpu.memory_space<vmem>>[vector<16xi32>, vector<16xi32>], vector<16xf32>,
        %gather3A_269 = tpu.vector_load_idx %arg10[%add3A_61, %broadcast_in_dim3A_267] : memref<256x64xf32, #tpu.memory_space<vmem>>[vector<16xi32>, vector<16xi32>], vector<16xf32>,
        %mul3A_270 = arith.mulf %gather3A_268, %gather3A_269 : vector<16xf32>
        %add3A_271 = arith.addf %add3A_265, %mul3A_270 : vector<16xf32>
        %broadcast_in_dim3A_272 = arith.constant 35 : i32
        %broadcast_in_dim3A_273 = vector.broadcast %broadcast_in_dim3A_272 : i32 to vector<16xi32>
        %gather3A_274 = tpu.vector_load_idx %arg9[%add3A_61, %broadcast_in_dim3A_273] : memref<256x64xf32, #tpu.memory_space<vmem>>[vector<16xi32>, vector<16xi32>], vector<16xf32>,
        %gather3A_275 = tpu.vector_load_idx %arg10[%add3A_61, %broadcast_in_dim3A_273] : memref<256x64xf32, #tpu.memory_space<vmem>>[vector<16xi32>, vector<16xi32>], vector<16xf32>,
        %mul3A_276 = arith.mulf %gather3A_274, %gather3A_275 : vector<16xf32>
        %add3A_277 = arith.addf %add3A_271, %mul3A_276 : vector<16xf32>
        %broadcast_in_dim3A_278 = arith.constant 36 : i32
        %broadcast_in_dim3A_279 = vector.broadcast %broadcast_in_dim3A_278 : i32 to vector<16xi32>
        %gather3A_280 = tpu.vector_load_idx %arg9[%add3A_61, %broadcast_in_dim3A_279] : memref<256x64xf32, #tpu.memory_space<vmem>>[vector<16xi32>, vector<16xi32>], vector<16xf32>,
        %gather3A_281 = tpu.vector_load_idx %arg10[%add3A_61, %broadcast_in_dim3A_279] : memref<256x64xf32, #tpu.memory_space<vmem>>[vector<16xi32>, vector<16xi32>], vector<16xf32>,
        %mul3A_282 = arith.mulf %gather3A_280, %gather3A_281 : vector<16xf32>
        %add3A_283 = arith.addf %add3A_277, %mul3A_282 : vector<16xf32>
        %broadcast_in_dim3A_284 = arith.constant 37 : i32
        %broadcast_in_dim3A_285 = vector.broadcast %broadcast_in_dim3A_284 : i32 to vector<16xi32>
        %gather3A_286 = tpu.vector_load_idx %arg9[%add3A_61, %broadcast_in_dim3A_285] : memref<256x64xf32, #tpu.memory_space<vmem>>[vector<16xi32>, vector<16xi32>], vector<16xf32>,
        %gather3A_287 = tpu.vector_load_idx %arg10[%add3A_61, %broadcast_in_dim3A_285] : memref<256x64xf32, #tpu.memory_space<vmem>>[vector<16xi32>, vector<16xi32>], vector<16xf32>,
        %mul3A_288 = arith.mulf %gather3A_286, %gather3A_287 : vector<16xf32>
        %add3A_289 = arith.addf %add3A_283, %mul3A_288 : vector<16xf32>
        %broadcast_in_dim3A_290 = arith.constant 38 : i32
        %broadcast_in_dim3A_291 = vector.broadcast %broadcast_in_dim3A_290 : i32 to vector<16xi32>
        %gather3A_292 = tpu.vector_load_idx %arg9[%add3A_61, %broadcast_in_dim3A_291] : memref<256x64xf32, #tpu.memory_space<vmem>>[vector<16xi32>, vector<16xi32>], vector<16xf32>,
        %gather3A_293 = tpu.vector_load_idx %arg10[%add3A_61, %broadcast_in_dim3A_291] : memref<256x64xf32, #tpu.memory_space<vmem>>[vector<16xi32>, vector<16xi32>], vector<16xf32>,
        %mul3A_294 = arith.mulf %gather3A_292, %gather3A_293 : vector<16xf32>
        %add3A_295 = arith.addf %add3A_289, %mul3A_294 : vector<16xf32>
        %broadcast_in_dim3A_296 = arith.constant 39 : i32
        %broadcast_in_dim3A_297 = vector.broadcast %broadcast_in_dim3A_296 : i32 to vector<16xi32>
        %gather3A_298 = tpu.vector_load_idx %arg9[%add3A_61, %broadcast_in_dim3A_297] : memref<256x64xf32, #tpu.memory_space<vmem>>[vector<16xi32>, vector<16xi32>], vector<16xf32>,
        %gather3A_299 = tpu.vector_load_idx %arg10[%add3A_61, %broadcast_in_dim3A_297] : memref<256x64xf32, #tpu.memory_space<vmem>>[vector<16xi32>, vector<16xi32>], vector<16xf32>,
        %mul3A_300 = arith.mulf %gather3A_298, %gather3A_299 : vector<16xf32>
        %add3A_301 = arith.addf %add3A_295, %mul3A_300 : vector<16xf32>
        %broadcast_in_dim3A_302 = arith.constant 40 : i32
        %broadcast_in_dim3A_303 = vector.broadcast %broadcast_in_dim3A_302 : i32 to vector<16xi32>
        %gather3A_304 = tpu.vector_load_idx %arg9[%add3A_61, %broadcast_in_dim3A_303] : memref<256x64xf32, #tpu.memory_space<vmem>>[vector<16xi32>, vector<16xi32>], vector<16xf32>,
        %gather3A_305 = tpu.vector_load_idx %arg10[%add3A_61, %broadcast_in_dim3A_303] : memref<256x64xf32, #tpu.memory_space<vmem>>[vector<16xi32>, vector<16xi32>], vector<16xf32>,
        %mul3A_306 = arith.mulf %gather3A_304, %gather3A_305 : vector<16xf32>
        %add3A_307 = arith.addf %add3A_301, %mul3A_306 : vector<16xf32>
        %broadcast_in_dim3A_308 = arith.constant 41 : i32
        %broadcast_in_dim3A_309 = vector.broadcast %broadcast_in_dim3A_308 : i32 to vector<16xi32>
        %gather3A_310 = tpu.vector_load_idx %arg9[%add3A_61, %broadcast_in_dim3A_309] : memref<256x64xf32, #tpu.memory_space<vmem>>[vector<16xi32>, vector<16xi32>], vector<16xf32>,
        %gather3A_311 = tpu.vector_load_idx %arg10[%add3A_61, %broadcast_in_dim3A_309] : memref<256x64xf32, #tpu.memory_space<vmem>>[vector<16xi32>, vector<16xi32>], vector<16xf32>,
        %mul3A_312 = arith.mulf %gather3A_310, %gather3A_311 : vector<16xf32>
        %add3A_313 = arith.addf %add3A_307, %mul3A_312 : vector<16xf32>
        %broadcast_in_dim3A_314 = arith.constant 42 : i32
        %broadcast_in_dim3A_315 = vector.broadcast %broadcast_in_dim3A_314 : i32 to vector<16xi32>
        %gather3A_316 = tpu.vector_load_idx %arg9[%add3A_61, %broadcast_in_dim3A_315] : memref<256x64xf32, #tpu.memory_space<vmem>>[vector<16xi32>, vector<16xi32>], vector<16xf32>,
        %gather3A_317 = tpu.vector_load_idx %arg10[%add3A_61, %broadcast_in_dim3A_315] : memref<256x64xf32, #tpu.memory_space<vmem>>[vector<16xi32>, vector<16xi32>], vector<16xf32>,
        %mul3A_318 = arith.mulf %gather3A_316, %gather3A_317 : vector<16xf32>
        %add3A_319 = arith.addf %add3A_313, %mul3A_318 : vector<16xf32>
        %broadcast_in_dim3A_320 = arith.constant 43 : i32
        %broadcast_in_dim3A_321 = vector.broadcast %broadcast_in_dim3A_320 : i32 to vector<16xi32>
        %gather3A_322 = tpu.vector_load_idx %arg9[%add3A_61, %broadcast_in_dim3A_321] : memref<256x64xf32, #tpu.memory_space<vmem>>[vector<16xi32>, vector<16xi32>], vector<16xf32>,
        %gather3A_323 = tpu.vector_load_idx %arg10[%add3A_61, %broadcast_in_dim3A_321] : memref<256x64xf32, #tpu.memory_space<vmem>>[vector<16xi32>, vector<16xi32>], vector<16xf32>,
        %mul3A_324 = arith.mulf %gather3A_322, %gather3A_323 : vector<16xf32>
        %add3A_325 = arith.addf %add3A_319, %mul3A_324 : vector<16xf32>
        %broadcast_in_dim3A_326 = arith.constant 44 : i32
        %broadcast_in_dim3A_327 = vector.broadcast %broadcast_in_dim3A_326 : i32 to vector<16xi32>
        %gather3A_328 = tpu.vector_load_idx %arg9[%add3A_61, %broadcast_in_dim3A_327] : memref<256x64xf32, #tpu.memory_space<vmem>>[vector<16xi32>, vector<16xi32>], vector<16xf32>,
        %gather3A_329 = tpu.vector_load_idx %arg10[%add3A_61, %broadcast_in_dim3A_327] : memref<256x64xf32, #tpu.memory_space<vmem>>[vector<16xi32>, vector<16xi32>], vector<16xf32>,
        %mul3A_330 = arith.mulf %gather3A_328, %gather3A_329 : vector<16xf32>
        %add3A_331 = arith.addf %add3A_325, %mul3A_330 : vector<16xf32>
        %broadcast_in_dim3A_332 = arith.constant 45 : i32
        %broadcast_in_dim3A_333 = vector.broadcast %broadcast_in_dim3A_332 : i32 to vector<16xi32>
        %gather3A_334 = tpu.vector_load_idx %arg9[%add3A_61, %broadcast_in_dim3A_333] : memref<256x64xf32, #tpu.memory_space<vmem>>[vector<16xi32>, vector<16xi32>], vector<16xf32>,
        %gather3A_335 = tpu.vector_load_idx %arg10[%add3A_61, %broadcast_in_dim3A_333] : memref<256x64xf32, #tpu.memory_space<vmem>>[vector<16xi32>, vector<16xi32>], vector<16xf32>,
        %mul3A_336 = arith.mulf %gather3A_334, %gather3A_335 : vector<16xf32>
        %add3A_337 = arith.addf %add3A_331, %mul3A_336 : vector<16xf32>
        %broadcast_in_dim3A_338 = arith.constant 46 : i32
        %broadcast_in_dim3A_339 = vector.broadcast %broadcast_in_dim3A_338 : i32 to vector<16xi32>
        %gather3A_340 = tpu.vector_load_idx %arg9[%add3A_61, %broadcast_in_dim3A_339] : memref<256x64xf32, #tpu.memory_space<vmem>>[vector<16xi32>, vector<16xi32>], vector<16xf32>,
        %gather3A_341 = tpu.vector_load_idx %arg10[%add3A_61, %broadcast_in_dim3A_339] : memref<256x64xf32, #tpu.memory_space<vmem>>[vector<16xi32>, vector<16xi32>], vector<16xf32>,
        %mul3A_342 = arith.mulf %gather3A_340, %gather3A_341 : vector<16xf32>
        %add3A_343 = arith.addf %add3A_337, %mul3A_342 : vector<16xf32>
        %broadcast_in_dim3A_344 = arith.constant 47 : i32
        %broadcast_in_dim3A_345 = vector.broadcast %broadcast_in_dim3A_344 : i32 to vector<16xi32>
        %gather3A_346 = tpu.vector_load_idx %arg9[%add3A_61, %broadcast_in_dim3A_345] : memref<256x64xf32, #tpu.memory_space<vmem>>[vector<16xi32>, vector<16xi32>], vector<16xf32>,
        %gather3A_347 = tpu.vector_load_idx %arg10[%add3A_61, %broadcast_in_dim3A_345] : memref<256x64xf32, #tpu.memory_space<vmem>>[vector<16xi32>, vector<16xi32>], vector<16xf32>,
        %mul3A_348 = arith.mulf %gather3A_346, %gather3A_347 : vector<16xf32>
        %add3A_349 = arith.addf %add3A_343, %mul3A_348 : vector<16xf32>
        %broadcast_in_dim3A_350 = arith.constant 48 : i32
        %broadcast_in_dim3A_351 = vector.broadcast %broadcast_in_dim3A_350 : i32 to vector<16xi32>
        %gather3A_352 = tpu.vector_load_idx %arg9[%add3A_61, %broadcast_in_dim3A_351] : memref<256x64xf32, #tpu.memory_space<vmem>>[vector<16xi32>, vector<16xi32>], vector<16xf32>,
        %gather3A_353 = tpu.vector_load_idx %arg10[%add3A_61, %broadcast_in_dim3A_351] : memref<256x64xf32, #tpu.memory_space<vmem>>[vector<16xi32>, vector<16xi32>], vector<16xf32>,
        %mul3A_354 = arith.mulf %gather3A_352, %gather3A_353 : vector<16xf32>
        %add3A_355 = arith.addf %add3A_349, %mul3A_354 : vector<16xf32>
        %broadcast_in_dim3A_356 = arith.constant 49 : i32
        %broadcast_in_dim3A_357 = vector.broadcast %broadcast_in_dim3A_356 : i32 to vector<16xi32>
        %gather3A_358 = tpu.vector_load_idx %arg9[%add3A_61, %broadcast_in_dim3A_357] : memref<256x64xf32, #tpu.memory_space<vmem>>[vector<16xi32>, vector<16xi32>], vector<16xf32>,
        %gather3A_359 = tpu.vector_load_idx %arg10[%add3A_61, %broadcast_in_dim3A_357] : memref<256x64xf32, #tpu.memory_space<vmem>>[vector<16xi32>, vector<16xi32>], vector<16xf32>,
        %mul3A_360 = arith.mulf %gather3A_358, %gather3A_359 : vector<16xf32>
        %add3A_361 = arith.addf %add3A_355, %mul3A_360 : vector<16xf32>
        %broadcast_in_dim3A_362 = arith.constant 50 : i32
        %broadcast_in_dim3A_363 = vector.broadcast %broadcast_in_dim3A_362 : i32 to vector<16xi32>
        %gather3A_364 = tpu.vector_load_idx %arg9[%add3A_61, %broadcast_in_dim3A_363] : memref<256x64xf32, #tpu.memory_space<vmem>>[vector<16xi32>, vector<16xi32>], vector<16xf32>,
        %gather3A_365 = tpu.vector_load_idx %arg10[%add3A_61, %broadcast_in_dim3A_363] : memref<256x64xf32, #tpu.memory_space<vmem>>[vector<16xi32>, vector<16xi32>], vector<16xf32>,
        %mul3A_366 = arith.mulf %gather3A_364, %gather3A_365 : vector<16xf32>
        %add3A_367 = arith.addf %add3A_361, %mul3A_366 : vector<16xf32>
        %broadcast_in_dim3A_368 = arith.constant 51 : i32
        %broadcast_in_dim3A_369 = vector.broadcast %broadcast_in_dim3A_368 : i32 to vector<16xi32>
        %gather3A_370 = tpu.vector_load_idx %arg9[%add3A_61, %broadcast_in_dim3A_369] : memref<256x64xf32, #tpu.memory_space<vmem>>[vector<16xi32>, vector<16xi32>], vector<16xf32>,
        %gather3A_371 = tpu.vector_load_idx %arg10[%add3A_61, %broadcast_in_dim3A_369] : memref<256x64xf32, #tpu.memory_space<vmem>>[vector<16xi32>, vector<16xi32>], vector<16xf32>,
        %mul3A_372 = arith.mulf %gather3A_370, %gather3A_371 : vector<16xf32>
        %add3A_373 = arith.addf %add3A_367, %mul3A_372 : vector<16xf32>
        %broadcast_in_dim3A_374 = arith.constant 52 : i32
        %broadcast_in_dim3A_375 = vector.broadcast %broadcast_in_dim3A_374 : i32 to vector<16xi32>
        %gather3A_376 = tpu.vector_load_idx %arg9[%add3A_61, %broadcast_in_dim3A_375] : memref<256x64xf32, #tpu.memory_space<vmem>>[vector<16xi32>, vector<16xi32>], vector<16xf32>,
        %gather3A_377 = tpu.vector_load_idx %arg10[%add3A_61, %broadcast_in_dim3A_375] : memref<256x64xf32, #tpu.memory_space<vmem>>[vector<16xi32>, vector<16xi32>], vector<16xf32>,
        %mul3A_378 = arith.mulf %gather3A_376, %gather3A_377 : vector<16xf32>
        %add3A_379 = arith.addf %add3A_373, %mul3A_378 : vector<16xf32>
        %broadcast_in_dim3A_380 = arith.constant 53 : i32
        %broadcast_in_dim3A_381 = vector.broadcast %broadcast_in_dim3A_380 : i32 to vector<16xi32>
        %gather3A_382 = tpu.vector_load_idx %arg9[%add3A_61, %broadcast_in_dim3A_381] : memref<256x64xf32, #tpu.memory_space<vmem>>[vector<16xi32>, vector<16xi32>], vector<16xf32>,
        %gather3A_383 = tpu.vector_load_idx %arg10[%add3A_61, %broadcast_in_dim3A_381] : memref<256x64xf32, #tpu.memory_space<vmem>>[vector<16xi32>, vector<16xi32>], vector<16xf32>,
        %mul3A_384 = arith.mulf %gather3A_382, %gather3A_383 : vector<16xf32>
        %add3A_385 = arith.addf %add3A_379, %mul3A_384 : vector<16xf32>
        %broadcast_in_dim3A_386 = arith.constant 54 : i32
        %broadcast_in_dim3A_387 = vector.broadcast %broadcast_in_dim3A_386 : i32 to vector<16xi32>
        %gather3A_388 = tpu.vector_load_idx %arg9[%add3A_61, %broadcast_in_dim3A_387] : memref<256x64xf32, #tpu.memory_space<vmem>>[vector<16xi32>, vector<16xi32>], vector<16xf32>,
        %gather3A_389 = tpu.vector_load_idx %arg10[%add3A_61, %broadcast_in_dim3A_387] : memref<256x64xf32, #tpu.memory_space<vmem>>[vector<16xi32>, vector<16xi32>], vector<16xf32>,
        %mul3A_390 = arith.mulf %gather3A_388, %gather3A_389 : vector<16xf32>
        %add3A_391 = arith.addf %add3A_385, %mul3A_390 : vector<16xf32>
        %broadcast_in_dim3A_392 = arith.constant 55 : i32
        %broadcast_in_dim3A_393 = vector.broadcast %broadcast_in_dim3A_392 : i32 to vector<16xi32>
        %gather3A_394 = tpu.vector_load_idx %arg9[%add3A_61, %broadcast_in_dim3A_393] : memref<256x64xf32, #tpu.memory_space<vmem>>[vector<16xi32>, vector<16xi32>], vector<16xf32>,
        %gather3A_395 = tpu.vector_load_idx %arg10[%add3A_61, %broadcast_in_dim3A_393] : memref<256x64xf32, #tpu.memory_space<vmem>>[vector<16xi32>, vector<16xi32>], vector<16xf32>,
        %mul3A_396 = arith.mulf %gather3A_394, %gather3A_395 : vector<16xf32>
        %add3A_397 = arith.addf %add3A_391, %mul3A_396 : vector<16xf32>
        %broadcast_in_dim3A_398 = arith.constant 56 : i32
        %broadcast_in_dim3A_399 = vector.broadcast %broadcast_in_dim3A_398 : i32 to vector<16xi32>
        %gather3A_400 = tpu.vector_load_idx %arg9[%add3A_61, %broadcast_in_dim3A_399] : memref<256x64xf32, #tpu.memory_space<vmem>>[vector<16xi32>, vector<16xi32>], vector<16xf32>,
        %gather3A_401 = tpu.vector_load_idx %arg10[%add3A_61, %broadcast_in_dim3A_399] : memref<256x64xf32, #tpu.memory_space<vmem>>[vector<16xi32>, vector<16xi32>], vector<16xf32>,
        %mul3A_402 = arith.mulf %gather3A_400, %gather3A_401 : vector<16xf32>
        %add3A_403 = arith.addf %add3A_397, %mul3A_402 : vector<16xf32>
        %broadcast_in_dim3A_404 = arith.constant 57 : i32
        %broadcast_in_dim3A_405 = vector.broadcast %broadcast_in_dim3A_404 : i32 to vector<16xi32>
        %gather3A_406 = tpu.vector_load_idx %arg9[%add3A_61, %broadcast_in_dim3A_405] : memref<256x64xf32, #tpu.memory_space<vmem>>[vector<16xi32>, vector<16xi32>], vector<16xf32>,
        %gather3A_407 = tpu.vector_load_idx %arg10[%add3A_61, %broadcast_in_dim3A_405] : memref<256x64xf32, #tpu.memory_space<vmem>>[vector<16xi32>, vector<16xi32>], vector<16xf32>,
        %mul3A_408 = arith.mulf %gather3A_406, %gather3A_407 : vector<16xf32>
        %add3A_409 = arith.addf %add3A_403, %mul3A_408 : vector<16xf32>
        %broadcast_in_dim3A_410 = arith.constant 58 : i32
        %broadcast_in_dim3A_411 = vector.broadcast %broadcast_in_dim3A_410 : i32 to vector<16xi32>
        %gather3A_412 = tpu.vector_load_idx %arg9[%add3A_61, %broadcast_in_dim3A_411] : memref<256x64xf32, #tpu.memory_space<vmem>>[vector<16xi32>, vector<16xi32>], vector<16xf32>,
        %gather3A_413 = tpu.vector_load_idx %arg10[%add3A_61, %broadcast_in_dim3A_411] : memref<256x64xf32, #tpu.memory_space<vmem>>[vector<16xi32>, vector<16xi32>], vector<16xf32>,
        %mul3A_414 = arith.mulf %gather3A_412, %gather3A_413 : vector<16xf32>
        %add3A_415 = arith.addf %add3A_409, %mul3A_414 : vector<16xf32>
        %broadcast_in_dim3A_416 = arith.constant 59 : i32
        %broadcast_in_dim3A_417 = vector.broadcast %broadcast_in_dim3A_416 : i32 to vector<16xi32>
        %gather3A_418 = tpu.vector_load_idx %arg9[%add3A_61, %broadcast_in_dim3A_417] : memref<256x64xf32, #tpu.memory_space<vmem>>[vector<16xi32>, vector<16xi32>], vector<16xf32>,
        %gather3A_419 = tpu.vector_load_idx %arg10[%add3A_61, %broadcast_in_dim3A_417] : memref<256x64xf32, #tpu.memory_space<vmem>>[vector<16xi32>, vector<16xi32>], vector<16xf32>,
        %mul3A_420 = arith.mulf %gather3A_418, %gather3A_419 : vector<16xf32>
        %add3A_421 = arith.addf %add3A_415, %mul3A_420 : vector<16xf32>
        %broadcast_in_dim3A_422 = arith.constant 60 : i32
        %broadcast_in_dim3A_423 = vector.broadcast %broadcast_in_dim3A_422 : i32 to vector<16xi32>
        %gather3A_424 = tpu.vector_load_idx %arg9[%add3A_61, %broadcast_in_dim3A_423] : memref<256x64xf32, #tpu.memory_space<vmem>>[vector<16xi32>, vector<16xi32>], vector<16xf32>,
        %gather3A_425 = tpu.vector_load_idx %arg10[%add3A_61, %broadcast_in_dim3A_423] : memref<256x64xf32, #tpu.memory_space<vmem>>[vector<16xi32>, vector<16xi32>], vector<16xf32>,
        %mul3A_426 = arith.mulf %gather3A_424, %gather3A_425 : vector<16xf32>
        %add3A_427 = arith.addf %add3A_421, %mul3A_426 : vector<16xf32>
        %broadcast_in_dim3A_428 = arith.constant 61 : i32
        %broadcast_in_dim3A_429 = vector.broadcast %broadcast_in_dim3A_428 : i32 to vector<16xi32>
        %gather3A_430 = tpu.vector_load_idx %arg9[%add3A_61, %broadcast_in_dim3A_429] : memref<256x64xf32, #tpu.memory_space<vmem>>[vector<16xi32>, vector<16xi32>], vector<16xf32>,
        %gather3A_431 = tpu.vector_load_idx %arg10[%add3A_61, %broadcast_in_dim3A_429] : memref<256x64xf32, #tpu.memory_space<vmem>>[vector<16xi32>, vector<16xi32>], vector<16xf32>,
        %mul3A_432 = arith.mulf %gather3A_430, %gather3A_431 : vector<16xf32>
        %add3A_433 = arith.addf %add3A_427, %mul3A_432 : vector<16xf32>
        %broadcast_in_dim3A_434 = arith.constant 62 : i32
        %broadcast_in_dim3A_435 = vector.broadcast %broadcast_in_dim3A_434 : i32 to vector<16xi32>
        %gather3A_436 = tpu.vector_load_idx %arg9[%add3A_61, %broadcast_in_dim3A_435] : memref<256x64xf32, #tpu.memory_space<vmem>>[vector<16xi32>, vector<16xi32>], vector<16xf32>,
        %gather3A_437 = tpu.vector_load_idx %arg10[%add3A_61, %broadcast_in_dim3A_435] : memref<256x64xf32, #tpu.memory_space<vmem>>[vector<16xi32>, vector<16xi32>], vector<16xf32>,
        %mul3A_438 = arith.mulf %gather3A_436, %gather3A_437 : vector<16xf32>
        %add3A_439 = arith.addf %add3A_433, %mul3A_438 : vector<16xf32>
        %broadcast_in_dim3A_440 = arith.constant 63 : i32
        %broadcast_in_dim3A_441 = vector.broadcast %broadcast_in_dim3A_440 : i32 to vector<16xi32>
        %gather3A_442 = tpu.vector_load_idx %arg9[%add3A_61, %broadcast_in_dim3A_441] : memref<256x64xf32, #tpu.memory_space<vmem>>[vector<16xi32>, vector<16xi32>], vector<16xf32>,
        %gather3A_443 = tpu.vector_load_idx %arg10[%add3A_61, %broadcast_in_dim3A_441] : memref<256x64xf32, #tpu.memory_space<vmem>>[vector<16xi32>, vector<16xi32>], vector<16xf32>,
        %mul3A_444 = arith.mulf %gather3A_442, %gather3A_443 : vector<16xf32>
        %add3A_445 = arith.addf %add3A_439, %mul3A_444 : vector<16xf32>
        %mul3A_446 = arith.constant 128 : i32
        %mul3A_447 = arith.muli %scan3A_18, %mul3A_446 : i32
        %mul3A_448 = arith.constant 16 : i32
        %mul3A_449 = arith.muli %scan3A_56, %mul3A_448 : i32
        %add3A_450 = arith.addi %mul3A_447, %mul3A_449 : i32
        %swap3A = arith.index_cast %add3A_450 : i32 to index
        %swap3A_451 = tpu.vector_load %arg11[%swap3A] {strides = array<i32>} : memref<512xf32, #tpu.memory_space<vmem>>, vector<16xf32>,
        tpu.vector_store %arg11[%swap3A], %add3A_445 {strides = array<i32>} : memref<512xf32, #tpu.memory_space<vmem>>, vector<16xf32>,
      }
      %scan3A_55 = arith.constant 8 : i32
    }
    %scan3A_17 = arith.constant 4 : i32
    "tpu.region"() ({
      %run_scoped3A = tpu.sem_alloc : memref<!tpu.dma_semaphore, #tpu.memory_space<semaphore_mem>>
      %dma_start3A = tpu.memref_slice %arg6[%mul3A_2] : memref<16384xf32, #tpu.memory_space<hbm>> -> memref<512xf32, #tpu.memory_space<hbm>>
      %dma_start3A_18 = tpu.memref_slice %arg6[%mul3A_2] : memref<16384xf32, #tpu.memory_space<hbm>> -> memref<512xf32, #tpu.memory_space<hbm>>
      tpu.enqueue_dma source(%arg11 : memref<512xf32, #tpu.memory_space<vmem>>) target(%dma_start3A_18 : memref<512xf32, #tpu.memory_space<hbm>>) target_semaphore(%run_scoped3A : memref<!tpu.dma_semaphore, #tpu.memory_space<semaphore_mem>>)
      %dma_wait3A = tpu.memref_slice %arg6[%mul3A_2] : memref<16384xf32, #tpu.memory_space<hbm>> -> memref<512xf32, #tpu.memory_space<hbm>>
      %dma_wait3A_19 = tpu.memref_slice %arg6[%mul3A_2] : memref<16384xf32, #tpu.memory_space<hbm>> -> memref<512xf32, #tpu.memory_space<hbm>>
      tpu.wait_dma2 semaphore(%run_scoped3A : memref<!tpu.dma_semaphore, #tpu.memory_space<semaphore_mem>>) src(%arg11 : memref<512xf32, #tpu.memory_space<vmem>>) dst(%dma_wait3A_19 : memref<512xf32, #tpu.memory_space<hbm>>)
      tpu.yield
    }) : () -> ()
    return
  }
}

</mosaic_0001>

<sc_bundles>
// kernel: kernel.3.cloned.1.call-start
scs
__scs_entry_jumppad:
0x0: {  	(pc) =	sbr.rel $0x88, $3  }
0x1: {  	(tag) =	ssettag $0x0;
	lr =	simm.s32 $0x1  }
0x2: {  	[smem:$0x3F9D] =	sst lr;
	_ =	strace $0xD0000000  }
0x3: {  	_ = 	snop  }
0x4: {  	_ = 	snop  }
0x5: {  	_ = 	snop  }
0x6: {  	_ = 	snop  }
0x7: {  	_ = 	snop  }
__scs_overlays_trampoline_lowered:
0x8: {  	[smem:$0x3FAC] =	sst s0  }
0x9: {  	[smem:$0x3FAD] =	sst s1  }
0xa: {  	[smem:$0x3FAE] =	sst s2  }
0xb: {  	[smem:$0x3FAF] =	sst s3  }
0xc: {  	[smem:$0x3FB0] =	sst s4  }
0xd: {  	[smem:$0x3FB1] =	sst s5  }
0xe: {  	[smem:$0x3FB2] =	sst s6  }
0xf: {  	[smem:$0x3FB3] =	sst s7  }
0x10: {  	[smem:$0x3FB4] =	sst s8  }
0x11: {  	[smem:$0x3FB5] =	sst s9;
	s0 =	simm.s32 @!p0 $0x0  }
0x12: {  	s1 =	sld [smem:$0x3F9B];
	s0 =	simm.s32 @p0 $0x1  }
0x13: {  	[smem:$0x3FB6] =	sst s0;
	s0 =	simm.s32 @!p1 $0x0  }
0x14: {  	s2 =	sld [smem:$0x3F9A];
	s0 =	simm.s32 @p1 $0x1  }
0x15: {  	[smem:$0x3FB7] =	sst s0;
	s0 =	simm.s32 @!p2 $0x0  }
0x16: {  	s3 =	sld [smem:$0x3FDB];
	s0 =	simm.s32 @p2 $0x1  }
0x17: {  	s4 =	simm.s32 $0x1BF5;
	[smem:$0x3FB9] =	sst s0  }
0x18: {  	s0 =	sld [smem:$0x3F9C];
	_ =	swait.ge [sflag:s4], $0x0  }
0x19: {  	s7 =	sld [smem:$0x3F9D]  }
0x1a: {  	s8 =	sadd.s32 $0xFFFFE003, lr  }
0x1b: {  	s9 =	sadd.s32 $0xFFFFFEF7, lr;
	s5 =	simm.s32 $0xFFFFFFFF;
	p2 =	slt.u32 s8, $0xFFFFF086  }
0x1c: {  	p1 =	slt.u32 s9, $0xF7A;
	s5 =	simm.s32 @!p2 $0x0  }
0x1d: {  	s5 =	simm.s32 @p1 $0x1;
	p0 =	seq.s32 s7, s2  }
0x1e: {  	s7 =	smul.u32 @!p0 $0xF7A, s2;
	p2 =	seq.s32 @!p0 s5, $0x0  }
0x1f: {  	s9 =	smul.u32 $0xF7A, s1;
	s8 =	simm.s32 @!p0 $0x1BF5;
	p2 =	por !p2, p0  }
0x20: {  	[sflag:s8] =	ssyncset.s32 @!p0 $0xFFFFF086;
	s6 =	sadd.s32 @!p0 s3, s7;
	s7 =	simm.s32 @!p0 $0x108  }
0x21: {  	s3 =	sadd.s32 s3, s9;
	s6 =	sadd.s32 @!p0 $0x88, s6;
	s7 =	simm.s32 @p2 $0x1082  }
0x22: {  	[simem:s7], [sflag:s8] =	dma.local @!p0 [hbm:s6], $0xF7A  }
0x23: {  	s9 =	sor.u32 $0xD0000000, s2;
	s6 =	simm.s32 $0x108;
	_ =	swait.ge @!p0 [sflag:s8], $0x0  }
0x24: {  	s3 =	sadd.s32 $0x88, s3;
	s6 =	simm.s32 @!p1 $0x1082;
	[sflag:s4] =	ssyncset.s32 $0xFFFFF086  }
0x25: {  	[simem:s6], [sflag:s4] =	dma.local [hbm:s3], $0xF7A  }
0x26: {  	[smem:$0x3F9D] =	sst s1;
	(tag) =	ssettag s2;
	_ =	strace s9  }
0x27: {  	s1 =	sld [smem:$0x3FAD]  }
0x28: {  	s2 =	sld [smem:$0x3FAE]  }
0x29: {  	s4 =	sld [smem:$0x3FB0]  }
0x2a: {  	p0 =	seq.s32 s5, $0x0;
	s5 =	sld [smem:$0x3FB1]  }
0x2b: {  	s6 =	sld [smem:$0x3FB2]  }
0x2c: {  	s7 =	sld [smem:$0x3FB3]  }
0x2d: {  	s3 =	simm.s32 $0x108;
	s8 =	sld [smem:$0x3FB4]  }
0x2e: {  	s3 =	simm.s32 @!p0 $0x1082;
	s9 =	sld [smem:$0x3FB5]  }
0x2f: {  	lr =	sadd.s32 s0, s3;
	s0 =	sld [smem:$0x3FAC]  }
0x30: {  	s3 =	sld [smem:$0x3FAF]  }
0x31: {  	[smem:$0x3FB8] =	sst s10  }
0x32: {  	s10 =	sld [smem:$0x3FB6];
	_ =	sdelay $0x3  }
0x33: {  	p0 =	seq.s32 s10, $0x1;
	s10 =	sld [smem:$0x3FB8];
	_ =	sdelay $0x3  }
0x34: {  	[smem:$0x3FB8] =	sst s10  }
0x35: {  	s10 =	sld [smem:$0x3FB7];
	_ =	sdelay $0x3  }
0x36: {  	p1 =	seq.s32 s10, $0x1;
	s10 =	sld [smem:$0x3FB8];
	_ =	sdelay $0x3  }
0x37: {  	[smem:$0x3FB8] =	sst s10  }
0x38: {  	s10 =	sld [smem:$0x3FB9]  }
0x39: {  	_ = 	snop;
	(pc) =	sbr.ind lr, $3  }
0x3a: {  	_ = 	snop  }
0x3b: {  	_ = 	snop  }
0x3c: {  	p2 =	seq.s32 s10, $0x1;
	s10 =	sld [smem:$0x3FB8]  }
0x3d: {  	_ =	shalt  }
0x3e: {  	_ =	shalt  }
0x3f: {  	_ =	shalt  }
0x40: {  	_ =	shalt  }
0x41: {  	_ =	shalt  }
0x42: {  	_ =	shalt  }
0x43: {  	_ =	shalt  }
0x44: {  	_ =	shalt  }
0x45: {  	_ =	shalt  }
0x46: {  	_ =	shalt  }
0x47: {  	_ =	shalt  }
0x48: {  	_ =	shalt  }
0x49: {  	_ =	shalt  }
0x4a: {  	_ =	shalt  }
0x4b: {  	_ =	shalt  }
0x4c: {  	_ =	shalt  }
0x4d: {  	_ =	shalt  }
0x4e: {  	_ =	shalt  }
0x4f: {  	_ =	shalt  }
0x50: {  	_ =	shalt  }
0x51: {  	_ =	shalt  }
0x52: {  	_ =	shalt  }
0x53: {  	_ =	shalt  }
0x54: {  	_ =	shalt  }
0x55: {  	_ =	shalt  }
0x56: {  	_ =	shalt  }
0x57: {  	_ =	shalt  }
0x58: {  	_ =	shalt  }
0x59: {  	_ =	shalt  }
0x5a: {  	_ =	shalt  }
0x5b: {  	_ =	shalt  }
0x5c: {  	_ =	shalt  }
0x5d: {  	_ =	shalt  }
0x5e: {  	_ =	shalt  }
0x5f: {  	_ =	shalt  }
0x60: {  	_ =	shalt  }
0x61: {  	_ =	shalt  }
0x62: {  	_ =	shalt  }
0x63: {  	_ =	shalt  }
0x64: {  	_ =	shalt  }
0x65: {  	_ =	shalt  }
0x66: {  	_ =	shalt  }
0x67: {  	_ =	shalt  }
0x68: {  	_ =	shalt  }
0x69: {  	_ =	shalt  }
0x6a: {  	_ =	shalt  }
0x6b: {  	_ =	shalt  }
0x6c: {  	_ =	shalt  }
0x6d: {  	_ =	shalt  }
0x6e: {  	_ =	shalt  }
0x6f: {  	_ =	shalt  }
0x70: {  	_ =	shalt  }
0x71: {  	_ =	shalt  }
0x72: {  	_ =	shalt  }
0x73: {  	_ =	shalt  }
0x74: {  	_ =	shalt  }
0x75: {  	_ =	shalt  }
0x76: {  	_ =	shalt  }
0x77: {  	_ =	shalt  }
0x78: {  	_ =	shalt  }
0x79: {  	_ =	shalt  }
0x7a: {  	_ =	shalt  }
0x7b: {  	_ =	shalt  }
0x7c: {  	_ =	shalt  }
0x7d: {  	_ =	shalt  }
0x7e: {  	_ =	shalt  }
0x7f: {  	_ =	shalt  }
0x80: {  	_ =	shalt  }
0x81: {  	_ =	shalt  }
0x82: {  	_ =	shalt  }
0x83: {  	_ =	shalt  }
0x84: {  	_ =	shalt  }
0x85: {  	_ =	shalt  }
0x86: {  	_ =	shalt  }
0x87: {  	_ =	shalt  }
.Lfunc_end0:
.L_simem_size_0:
called_computation_lowered:
.L_overlay_start_0:
0x88: {  	s2 =	sld [smem:$0x3FD9]  }
0x89: {  	s3 =	sld [smem:$0x3FFE];
	_ =	sdelay $0x1  }
0x8a: {  	s1 =	srdreg.scid  }
0x8b: {  	s0 =	sand.u32 $0x1, s1  }
0x8c: {  	s17 =	sshll.u32 s0, $0xA;
	s2 =	sadd.s32 s3, s2  }
0x8d: {  	s2 =	sadd.s32 s2, s17  }
0x8e: {  	[smem:$0x3FC4] =	sst s2  }
0x8f: {  	_ = 	snop  }
0x90: {  	s2 =	sld [smem:$0x3FC9]  }
0x91: {  	s18 =	sld [smem:$0x3FC8]  }
0x92: {  	s4 =	sld [smem:$0x3FD0];
	(tm) =	ssettm $0x1  }
0x93: {  	s5 =	sld [smem:$0x3FFB];
	_ =	sdelay $0x3  }
0x94: {  	_ =	strace s5  }
0x95: {  	s5 =	sld [smem:$0x3FFC];
	_ =	sdelay $0x3  }
0x96: {  	_ =	strace s5  }
0x97: {  	s5 =	sld [smem:$0x3FFD];
	_ =	sdelay $0x3  }
0x98: {  	_ =	strace s5  }
0x99: {  	_ =	strace $0x8FFFFFFF  }
0x9a: {  	s19 =	sld [smem:$0x3FDB];
	_ =	sdelay $0x1  }
0x9b: {  	s6 =	simm.s32 $_scs_section_size  }
0x9c: {  	s7 =	simm.s32 $_size__tile_overlayer_lowered;
	s8 =	simm.s32 $_tile_overlayer_lowered  }
0x9d: {  	s22 =	simm.s32 $0x1BFF;
	s21 =	sshll.u32 s8, $0x1;
	s5 =	sadd.s32 s6, s19  }
0x9e: {  	s9 =	simm.s32 $0x0;
	s20 =	sshll.u32 s7, $0x1;
	s7 =	sadd.s32 s21, s5  }
0x9f: {  	[timem:s9], [sflag:s22] =	dma.local [hbm:s7], s20  }
0xa0: {  	_ =	swait.ge [sflag:s22], s20  }
0xa1: {  	s6 =	ssub.s32 $0x0, s20;
	[sflag:s22] =	ssyncset.done $0x0  }
0xa2: {  	[sflag:s22] =	ssyncadd.s32 s6;
	_ =	sdelay $0x1  }
0xa3: {  	s23 =	simm.s32 $0x1B8B  }
0xa4: {  	_ =	swait.ge [sflag:s23], $0x1  }
0xa5: {  	[sflag:s23] =	ssyncset.done $0x0  }
0xa6: {  	s25 =	simm.s32 $0x1B8E;
	s24 =	sld [smem:$0x3FFE];
	[sflag:s23] =	ssyncadd.s32 $0xFFFFFFFF  }
0xa7: {  	s26 =	simm.s32 $execute0_lowered;
	[smem:$0x3FD2] =	sst s25  }
0xa8: {  	s7 =	sshll.u32 s26, $0x1;
	_ =	strace $0x80000046;
	[dreg:$0x1] =	wrdreg $0xFFFFFFFF  }
0xa9: {  	s28 =	simm.s32 $_size_execute0_lowered;
	s5 =	sadd.s32 s5, s7;
	[dreg:$0x0] =	wrdreg $0x0  }
0xaa: {  	s7 =	sshll.u32 s28, $0x1;
	[dreg:$0x2] =	wrdreg s5  }
0xab: {  	[dreg:$0x3] =	wrdreg s7  }
0xac: {  	[dreg:$0x4] =	wrdreg $0xC0  }
0xad: {  	_ =	task [dreg:s9], $0x5FFFF  }
0xae: {  	[dreg:$0x1] =	wrdreg $0xFFFFFFFF  }
0xaf: {  	[dreg:$0x0] =	wrdreg $0x60  }
0xb0: {  	[dreg:$0x2] =	wrdreg s2  }
0xb1: {  	[dreg:$0x3] =	wrdreg s18  }
0xb2: {  	[dreg:$0x4] =	wrdreg s24  }
0xb3: {  	[dreg:$0x5] =	wrdreg s4  }
0xb4: {  	[dreg:$0x6] =	wrdreg $0x9  }
0xb5: {  	_ =	task.clear_ibuf [dreg:s9], $0x7FFFF;
	_ =	strace $0x90000046  }
0xb6: {  	s29 =	simm.s32 $0x9;
	_ =	strace $0x80000048  }
0xb7: {  	_ =	swait.ge [sflag:s29], $0x1  }
0xb8: {  	[sflag:s29] =	ssyncadd.s32 $0xFFFFFFFF  }
0xb9: {  	_ =	strace $0x90000048  }
0xba: {  	_ =	sfence  }
0xbb: {  	s30 =	sld [smem:$0x0];
	_ =	sdelay $0x2  }
0xbc: {  	s31 =	sshll.u32 s1, $0xD;
	s1 =	sshrl.u32 s1, $0x2  }
0xbd: {  	s3 =	sand.u32 $0x4000, s31;
	s1 =	sadd.s32 s1, s30  }
0xbe: {  	s0 =	sor.u32 s3, s0;
	s1 =	sshll.u32 s1, $0x11  }
0xbf: {  	s0 =	sor.u32 s1, s0  }
0xc0: {  	s0 =	sadd.s32 $0x8F2B, s0  }
0xc1: {  	[sflag:s0] =	ssyncadd.remote.s32 $0x1  }
0xc2: {  	_ =	sfence.sel $0xFFFF  }
0xc3: {  	[dreg:$0x0] =	wrdreg $0xFFFFFFFF;
	(pc) =	sbr.abs _section_cstart, $3  }
0xc4: {  	[dreg:$0x1] =	wrdreg $0xFFFFFFFF  }
0xc5: {  	_ =	task.clear_ibuf [dreg:s9], $0x2FFFF;
	_ =	strace $0x9FFFFFFF  }
0xc6: {  	(tm) =	ssettm $0x7FFFFFFF  }
0xc7: {  	_ =	shalt  }
tec
execute0_lowered:
.L_overlay_start_1:
0x0: {  	(tag) =	ssettag $0x1  }
0x1: {  	s0 =	rddreg [dreg:$0x0]  }
0x2: {  	s1 =	rddreg [dreg:$0x1]  }
0x3: {  	s2 =	rddreg [dreg:$0x2]  }
0x4: {  	s3 =	rddreg [dreg:$0x3];
	s13 =	simm.s32 $0x0;
	s4 =	srdreg.scid  }
0x5: {  	s6 =	stileid.u32;
	[smem:$0x7FF] =	sst s13  }
0x6: {  	s4 =	sand.u32 $0x1, s4;
	s6 =	sshll.u32 s6, $0x7;
	s14 =	sadd.s32 $0x400, s2  }
0x7: {  	s15 =	sadd.s32 $0xF42800, s2;
	s5 =	ssub.s32 $0x2, s4;
	s4 =	sshll.u32 s4, $0x6  }
0x8: {  	_ =	strace $0x80000047;
	[dreg:$0x7] =	wrdreg s14;
	s4 =	sor.u32 s4, s6  }
0x9: {  	s11 =	simm.s32 $0x400;
	[dreg:$0x8] =	wrdreg s15;
	s0 =	sadd.s32 s0, s4  }
0xa: {  	s7 =	sshrl.u32 s5, $0x1;
	s29 =	sadd.s32 s1, s4;
	[dreg:$0x19] =	wrdreg s0  }
0xb: {  	v0 =	vlaneseq.u32;
	s28 =	ssub.s32 s5, s7;
	s30 =	sadd.s32 s3, s4;
	[dreg:$0x1a] =	wrdreg s29  }
0xc: {  	s12 =	simm.s32 $0x8400;
	v0 =	vmul.u32 $0x80, v0;
	[dreg:$0x1b] =	wrdreg s30;
	s31 =	smax.u32 s28, $0x1  }
0xd: {  	s2 =	simm.s32 $0x2;
	s1 =	simm.s32 $0x0;
	[dreg:$0x1c] =	wrdreg s31  }
.LBB2_1:
0xe: {  	[dreg:$0x1d] =	wrdreg s1  }
0xf: {  	s0 =	rddreg [dreg:$0x19]  }
0x10: {  	[tilespmem:s13], [sflag:$0x2] =	stream.linear.gather [hbm4b:s0+s13], $0x200, $0x38;
	[tilespmem:$0x10600] =	vst v63  }
0x11: {  	_ =	swait.ge [sflag:s2], $0x200  }
0x12: {  	[sflag:s2] =	ssyncset.done $0x0  }
0x13: {  	s26 =	simm.s32 $0x200;
	s28 =	rddreg [dreg:$0x1a];
	[sflag:s2] =	ssyncadd.s32 $0xFFFFFE00  }
0x14: {  	[tilespmem:s26], [sflag:$0x2] =	stream.linear.gather [hbm4b:s28+s13], $0x200, $0x38;
	[tilespmem:$0x10600] =	vst v63  }
0x15: {  	_ =	swait.ge [sflag:s2], $0x200  }
0x16: {  	[sflag:s2] =	ssyncset.done $0x0  }
0x17: {  	[sflag:s2] =	ssyncadd.s32 $0xFFFFFE00  }
0x18: {  	v1 =	vld [tilespmem:s13+$0x0]  }
0x19: {  	v2 =	vld [tilespmem:s26+$0x0];
	_ =	sdelay $0x3  }
0x1a: {  	v1 =	vshll.u32 v1, $0x4  }
0x1b: {  	v2 =	vshll.u32 v2, $0x4;
	(v2sf) =	vpush v1, $0x0  }
0x1c: {  	(v2sf) =	vpush v2, $0x0  }
0x1d: {  	(v2sf) =	vpush v1, $0x1;
	_ =	sdelay $0x1  }
0x1e: {  	(v2sf) =	vpush v2, $0x1;
	_ =	sdelay $0x2  }
0x1f: {  	(v2sf) =	vpush v1, $0x2;
	_ =	sdelay $0x1  }
0x20: {  	(v2sf) =	vpush v2, $0x2  }
0x21: {  	p0 =	por $0x0, $0x0  }
0x22: {  	s17 =	simm.s32 $0x2000;
	s16 =	simm.s32 $0x0;
	s29 =	simm.s32 $0x8400;
	(v2sf) =	vpush v1, $0x3  }
0x23: {  	s3 =	simm.s32 $0x680;
	s1 =	simm.s32 $0x880;
	s4 =	simm.s32 $0x400  }
0x24: {  	s10 =	simm.s32 $0x600;
	s7 =	simm.s32 $0x580;
	s8 =	simm.s32 $0x8580  }
0x25: {  	s18 =	simm.s32 $0x8A00;
	s19 =	simm.s32 $0x480;
	s22 =	simm.s32 $0x8480  }
0x26: {  	s24 =	simm.s32 $0x500;
	s0 =	simm.s32 $0x8900;
	s6 =	spop (v2sf);
	(v2sf) =	vpush v2, $0x3  }
0x27: {  	s28 =	simm.s32 $0x8500;
	s6 =	sand.u32 $0x1FFFFFF0, s6;
	s9 =	spop (v2sf)  }
0x28: {  	(v2sf) =	vpush v1, $0x4;
	s6 =	sadd.s32 s14, s6;
	s30 =	sand.u32 $0x1FFFFFF0, s9;
	s31 =	spop (v2sf)  }
0x29: {  	(v2sf) =	vpush v2, $0x4;
	[tilespmem:s4], [sflag:$0x1] =	stream.linear.gather [hbm4b:s6+s13], $0x80, $0x38;
	[tilespmem:$0x10600] =	vst v63  }
0x2a: {  	s2 =	simm.s32 $0x8980;
	s4 =	sadd.s32 s15, s30;
	s5 =	spop (v2sf)  }
0x2b: {  	s6 =	sand.u32 $0x1FFFFFF0, s31;
	(v2sf) =	vpush v1, $0x5;
	s31 =	simm.s32 $0x8600;
	s21 =	sand.u32 $0x1FFFFFF0, s5  }
0x2c: {  	(v2sf) =	vpush v2, $0x5;
	[tilespmem:s29], [sflag:$0x1] =	stream.linear.gather [hbm4b:s4+s13], $0x80, $0x38;
	[tilespmem:$0x10600] =	vst v63  }
0x2d: {  	s20 =	sadd.s32 s14, s6;
	s23 =	spop (v2sf);
	s6 =	sadd.s32 s15, s21  }
0x2e: {  	[tilespmem:s19], [sflag:$0x1] =	stream.linear.gather [hbm4b:s20+s13], $0x80, $0x38;
	[tilespmem:$0x10600] =	vst v63  }
0x2f: {  	s4 =	sand.u32 $0x1FFFFFF0, s23;
	s25 =	spop (v2sf);
	s23 =	simm.s32 $0xA80  }
0x30: {  	(v2sf) =	vpush v1, $0x6;
	[tilespmem:s22], [sflag:$0x1] =	stream.linear.gather [hbm4b:s6+s13], $0x80, $0x38;
	[tilespmem:$0x10600] =	vst v63  }
0x31: {  	s4 =	sadd.s32 s14, s4;
	s26 =	spop (v2sf);
	s6 =	sand.u32 $0x1FFFFFF0, s25  }
0x32: {  	(v2sf) =	vpush v2, $0x6;
	[tilespmem:s24], [sflag:$0x1] =	stream.linear.gather [hbm4b:s4+s13], $0x80, $0x38;
	[tilespmem:$0x10600] =	vst v63  }
0x33: {  	s30 =	sand.u32 $0x1FFFFFF0, s26;
	s19 =	simm.s32 $0x8680;
	s29 =	sadd.s32 s15, s6  }
0x34: {  	[tilespmem:s28], [sflag:$0x1] =	stream.linear.gather [hbm4b:s29+s13], $0x80, $0x38;
	[tilespmem:$0x10600] =	vst v63  }
0x35: {  	s20 =	simm.s32 $0x700;
	s6 =	sadd.s32 s14, s30;
	s5 =	spop (v2sf)  }
0x36: {  	(v2sf) =	vpush v1, $0x7;
	[tilespmem:s7], [sflag:$0x1] =	stream.linear.gather [hbm4b:s6+s13], $0x80, $0x38;
	[tilespmem:$0x10600] =	vst v63  }
0x37: {  	s28 =	simm.s32 $0x8700;
	s4 =	sand.u32 $0x1FFFFFF0, s5;
	s7 =	spop (v2sf)  }
0x38: {  	(v2sf) =	vpush v2, $0x7;
	s4 =	sadd.s32 s15, s4;
	s6 =	sand.u32 $0x1FFFFFF0, s7;
	s9 =	spop (v2sf)  }
0x39: {  	(v2sf) =	vpush v1, $0x8;
	[tilespmem:s8], [sflag:$0x1] =	stream.linear.gather [hbm4b:s4+s13], $0x80, $0x38;
	[tilespmem:$0x10600] =	vst v63  }
0x3a: {  	s6 =	sadd.s32 s14, s6;
	s7 =	sand.u32 $0x1FFFFFF0, s9;
	s21 =	spop (v2sf)  }
0x3b: {  	(v2sf) =	vpush v2, $0x8;
	s8 =	simm.s32 $0x8880;
	s9 =	simm.s32 $0x780;
	s22 =	spop (v2sf)  }
0x3c: {  	[tilespmem:s10], [sflag:$0x1] =	stream.linear.gather [hbm4b:s6+s13], $0x80, $0x38;
	[tilespmem:$0x10600] =	vst v63  }
0x3d: {  	s7 =	sadd.s32 s15, s7;
	(v2sf) =	vpush v1, $0x9;
	s6 =	sand.u32 $0x1FFFFFF0, s21;
	s5 =	sand.u32 $0x1FFFFFF0, s22  }
0x3e: {  	[tilespmem:s31], [sflag:$0x1] =	stream.linear.gather [hbm4b:s7+s13], $0x80, $0x38;
	[tilespmem:$0x10600] =	vst v63  }
0x3f: {  	s24 =	spop (v2sf);
	s22 =	simm.s32 $0x800;
	s6 =	sadd.s32 s14, s6  }
0x40: {  	[tilespmem:s3], [sflag:$0x1] =	stream.linear.gather [hbm4b:s6+s13], $0x80, $0x38;
	[tilespmem:$0x10600] =	vst v63  }
0x41: {  	(v2sf) =	vpush v2, $0x9;
	s25 =	sadd.s32 s15, s5;
	s26 =	sand.u32 $0x1FFFFFF0, s24;
	s29 =	spop (v2sf)  }
0x42: {  	[tilespmem:s19], [sflag:$0x1] =	stream.linear.gather [hbm4b:s25+s13], $0x80, $0x38;
	[tilespmem:$0x10600] =	vst v63  }
0x43: {  	(v2sf) =	vpush v1, $0xA;
	s7 =	simm.s32 $0x8A80;
	s4 =	sand.u32 $0x1FFFFFF0, s29;
	s6 =	sadd.s32 s14, s26  }
0x44: {  	(v2sf) =	vpush v2, $0xA;
	[tilespmem:s20], [sflag:$0x1] =	stream.linear.gather [hbm4b:s6+s13], $0x80, $0x38;
	[tilespmem:$0x10600] =	vst v63  }
0x45: {  	s4 =	sadd.s32 s15, s4;
	s26 =	simm.s32 $0x8800;
	s30 =	spop (v2sf)  }
0x46: {  	(v2sf) =	vpush v1, $0xB;
	[tilespmem:s28], [sflag:$0x1] =	stream.linear.gather [hbm4b:s4+s13], $0x80, $0x38;
	[tilespmem:$0x10600] =	vst v63  }
0x47: {  	s20 =	simm.s32 $0x8780;
	s6 =	sand.u32 $0x1FFFFFF0, s30;
	s31 =	spop (v2sf)  }
0x48: {  	s10 =	sadd.s32 s14, s6;
	s19 =	sand.u32 $0x1FFFFFF0, s31;
	s21 =	spop (v2sf)  }
0x49: {  	[tilespmem:s9], [sflag:$0x1] =	stream.linear.gather [hbm4b:s10+s13], $0x80, $0x38;
	[tilespmem:$0x10600] =	vst v63  }
0x4a: {  	(v2sf) =	vpush v2, $0xB;
	s6 =	sadd.s32 s15, s19;
	s4 =	sand.u32 $0x1FFFFFF0, s21;
	s24 =	spop (v2sf)  }
0x4b: {  	[tilespmem:s20], [sflag:$0x1] =	stream.linear.gather [hbm4b:s6+s13], $0x80, $0x38;
	[tilespmem:$0x10600] =	vst v63  }
0x4c: {  	(v2sf) =	vpush v1, $0xC;
	s4 =	sadd.s32 s14, s4;
	s25 =	spop (v2sf);
	s6 =	sand.u32 $0x1FFFFFF0, s24  }
0x4d: {  	[tilespmem:s22], [sflag:$0x1] =	stream.linear.gather [hbm4b:s4+s13], $0x80, $0x38;
	[tilespmem:$0x10600] =	vst v63  }
0x4e: {  	s3 =	simm.s32 $0x0;
	(v2sf) =	vpush v2, $0xC;
	s29 =	sand.u32 $0x1FFFFFF0, s25;
	s28 =	sadd.s32 s15, s6  }
0x4f: {  	[tilespmem:s26], [sflag:$0x1] =	stream.linear.gather [hbm4b:s28+s13], $0x80, $0x38;
	[tilespmem:$0x10600] =	vst v63  }
0x50: {  	s30 =	simm.s32 $0x900;
	s31 =	spop (v2sf);
	s6 =	sadd.s32 s14, s29  }
0x51: {  	[tilespmem:s1], [sflag:$0x1] =	stream.linear.gather [hbm4b:s6+s13], $0x80, $0x38;
	[tilespmem:$0x10600] =	vst v63  }
0x52: {  	s24 =	simm.s32 $0xA00;
	s5 =	sand.u32 $0x1FFFFFF0, s31;
	s6 =	spop (v2sf)  }
0x53: {  	s1 =	sadd.s32 s15, s5;
	s4 =	sand.u32 $0x1FFFFFF0, s6;
	s9 =	spop (v2sf)  }
0x54: {  	[tilespmem:s8], [sflag:$0x1] =	stream.linear.gather [hbm4b:s1+s13], $0x80, $0x38;
	[tilespmem:$0x10600] =	vst v63  }
0x55: {  	s10 =	sadd.s32 s14, s4;
	s19 =	sand.u32 $0x1FFFFFF0, s9;
	s20 =	spop (v2sf)  }
0x56: {  	[tilespmem:s30], [sflag:$0x1] =	stream.linear.gather [hbm4b:s10+s13], $0x80, $0x38;
	[tilespmem:$0x10600] =	vst v63  }
0x57: {  	s26 =	simm.s32 $0x980;
	s21 =	sadd.s32 s15, s19;
	s22 =	sand.u32 $0x1FFFFFF0, s20  }
0x58: {  	[tilespmem:s0], [sflag:$0x1] =	stream.linear.gather [hbm4b:s21+s13], $0x80, $0x38;
	[tilespmem:$0x10600] =	vst v63  }
0x59: {  	(v2sf) =	vpush v1, $0xD;
	s10 =	simm.s32 $0x8B00;
	s25 =	spop (v2sf);
	s28 =	sadd.s32 s14, s22  }
.Ltmp0:
0x5a: {  	(v2sf) =	vpush v2, $0xD;
	s29 =	sand.u32 $0x1FFFFFF0, s25;
	s21 =	simm.s32 $0x10;
	(pc) =	sbr.rel @p0 .LBB2_3-.Ltmp0, $4  }
0x5b: {  	s22 =	simm.s32 $0x210;
	(v2sf) =	vpush v1, $0xE;
	s25 =	simm.s32 $0xB00;
	s31 =	spop (v2sf)  }
0x5c: {  	(v2sf) =	vpush v2, $0xE;
	[tilespmem:s26], [sflag:$0x1] =	stream.linear.gather [hbm4b:s28+s13], $0x80, $0x38;
	[tilespmem:$0x10600] =	vst v63  }
0x5d: {  	s30 =	sadd.s32 s15, s29;
	(v2sf) =	vpush v1, $0xF;
	s0 =	sand.u32 $0x1FFFFFF0, s31;
	s1 =	spop (v2sf)  }
0x5e: {  	(v2sf) =	vpush v2, $0xF;
	[tilespmem:s2], [sflag:$0x1] =	stream.linear.gather [hbm4b:s30+s13], $0x80, $0x38;
	[tilespmem:$0x10600] =	vst v63  }
.LBB2_2:
0x5f: {  	_ =	sdelay $0x4  }
0x60: {  	s0 =	sadd.s32 s14, s0;
	s1 =	sand.u32 $0x1FFFFFF0, s1  }
0x61: {  	[tilespmem:s24], [sflag:$0x1] =	stream.linear.gather [hbm4b:s0+s3], $0x80, $0x38;
	[tilespmem:$0x10600] =	vst v63  }
0x62: {  	s4 =	sadd.s32 s15, s1  }
0x63: {  	[tilespmem:s18], [sflag:$0x1] =	stream.linear.gather [hbm4b:s4+s3], $0x80, $0x38;
	[tilespmem:$0x10600] =	vst v63  }
0x64: {  	s2 =	spop (v2sf)  }
0x65: {  	s5 =	sand.u32 $0x1FFFFFF0, s2;
	s6 =	spop (v2sf)  }
0x66: {  	s8 =	sadd.s32 s14, s5;
	s9 =	sand.u32 $0x1FFFFFF0, s6;
	s13 =	spop (v2sf)  }
0x67: {  	[tilespmem:s23], [sflag:$0x1] =	stream.linear.gather [hbm4b:s8+s3], $0x80, $0x38;
	[tilespmem:$0x10600] =	vst v63  }
0x68: {  	s18 =	sadd.s32 s15, s9;
	s19 =	sand.u32 $0x1FFFFFF0, s13;
	s20 =	spop (v2sf)  }
0x69: {  	[tilespmem:s7], [sflag:$0x1] =	stream.linear.gather [hbm4b:s18+s3], $0x80, $0x38;
	[tilespmem:$0x10600] =	vst v63  }
0x6a: {  	s23 =	sadd.s32 s14, s19;
	s24 =	sand.u32 $0x1FFFFFF0, s20;
	s26 =	spop (v2sf)  }
0x6b: {  	[tilespmem:s25], [sflag:$0x1] =	stream.linear.gather [hbm4b:s23+s3], $0x80, $0x38;
	[tilespmem:$0x10600] =	vst v63  }
0x6c: {  	s28 =	sadd.s32 s15, s24;
	s29 =	sand.u32 $0x1FFFFFF0, s26;
	s30 =	spop (v2sf)  }
0x6d: {  	[tilespmem:s10], [sflag:$0x1] =	stream.linear.gather [hbm4b:s28+s3], $0x80, $0x38;
	[tilespmem:$0x10600] =	vst v63  }
0x6e: {  	s31 =	sadd.s32 $0xB80, s16;
	s1 =	sadd.s32 s14, s29;
	s2 =	sand.u32 $0x1FFFFFF0, s30  }
0x6f: {  	[tilespmem:s31], [sflag:$0x1] =	stream.linear.gather [hbm4b:s1+s3], $0x80, $0x38;
	[tilespmem:$0x10600] =	vst v63  }
0x70: {  	s4 =	sadd.s32 $0x8B80, s16;
	s5 =	sadd.s32 s15, s2  }
0x71: {  	[tilespmem:s4], [sflag:$0x1] =	stream.linear.gather [hbm4b:s5+s3], $0x80, $0x38;
	[tilespmem:$0x10600] =	vst v63  }
0x72: {  	v1 =	vld [tilespmem:s21+$0x0];
	_ =	sdelay $0x1  }
0x73: {  	v3 =	vld [tilespmem:s22+$0x0];
	_ =	sdelay $0x2  }
0x74: {  	v2 =	vshll.u32 v1, $0x4  }
0x75: {  	(v2sf) =	vpush v2, $0x0  }
0x76: {  	v1 =	vshll.u32 v3, $0x4  }
0x77: {  	(v2sf) =	vpush v1, $0x0  }
0x78: {  	s6 =	smov.u32 s17  }
0x79: {  	p0 =	seq.s32 s17, $0xE000;
	s17 =	sadd.s32 $0x2000, s17;
	s16 =	sshra.s32 s6, $0x2  }
0x7a: {  	s8 =	simm.s32 $0x0;
	s0 =	sadd.s32 $0x680, s16;
	s9 =	sadd.s32 $0x8900, s16;
	(v2sf) =	vpush v2, $0x1  }
0x7b: {  	s13 =	sadd.s32 $0x900, s16;
	s19 =	sadd.s32 $0x8800, s16;
	[dreg:$0x17] =	wrdreg s0  }
0x7c: {  	s20 =	sadd.s32 $0x8780, s16;
	s7 =	sadd.s32 $0x880, s16;
	[dreg:$0xa] =	wrdreg s9  }
0x7d: {  	s26 =	sadd.s32 $0x400, s16;
	s0 =	sadd.s32 $0x8580, s16;
	[dreg:$0x11] =	wrdreg s13;
	(v2sf) =	vpush v1, $0x1  }
0x7e: {  	s18 =	sadd.s32 $0x8A00, s16;
	s9 =	sadd.s32 $0x8A80, s16;
	[dreg:$0x15] =	wrdreg s19  }
0x7f: {  	s13 =	sadd.s32 $0x780, s16;
	s24 =	sadd.s32 $0xA00, s16;
	[dreg:$0x18] =	wrdreg s20  }
0x80: {  	s19 =	sadd.s32 $0x480, s16;
	[dreg:$0xd] =	wrdreg s7;
	s30 =	sadd.s32 $0x8680, s16;
	(v2sf) =	vpush v2, $0x2  }
0x81: {  	s29 =	sadd.s32 $0x700, s16;
	s14 =	sadd.s32 $0x8700, s16;
	s7 =	rddreg [dreg:$0x7]  }
0x82: {  	s15 =	sadd.s32 $0x580, s16;
	s23 =	sadd.s32 $0xA80, s16;
	s25 =	sadd.s32 $0x800, s16;
	(v2sf) =	vpush v1, $0x2  }
0x83: {  	s2 =	sadd.s32 $0x8500, s16;
	[dreg:$0x16] =	wrdreg s25;
	s25 =	sadd.s32 $0xB00, s16  }
0x84: {  	s28 =	sadd.s32 $0x8480, s16;
	s5 =	sadd.s32 $0x8980, s16;
	s6 =	spop (v2sf)  }
0x85: {  	s10 =	sadd.s32 $0x8880, s16;
	[dreg:$0xb] =	wrdreg s5;
	(v2sf) =	vpush v2, $0x3;
	s5 =	sand.u32 $0x1FFFFFF0, s6  }
0x86: {  	[dreg:$0x13] =	wrdreg s10;
	s20 =	spop (v2sf);
	s5 =	sadd.s32 s7, s5  }
0x87: {  	[tilespmem:s26], [sflag:$0x1] =	stream.linear.gather [hbm4b:s5+s8], $0x80, $0x38;
	[tilespmem:$0x10600] =	vst v63  }
0x88: {  	s10 =	sadd.s32 $0x8B00, s16;
	(v2sf) =	vpush v1, $0x3;
	s20 =	sand.u32 $0x1FFFFFF0, s20;
	s26 =	rddreg [dreg:$0x8]  }
0x89: {  	s4 =	sadd.s32 $0x8400, s16;
	s7 =	spop (v2sf);
	s5 =	sadd.s32 s26, s20  }
0x8a: {  	(v2sf) =	vpush v2, $0x4;
	[tilespmem:s4], [sflag:$0x1] =	stream.linear.gather [hbm4b:s5+s8], $0x80, $0x38;
	[tilespmem:$0x10600] =	vst v63  }
0x8b: {  	s31 =	sadd.s32 $0x600, s16;
	(v2sf) =	vpush v1, $0x4;
	s7 =	sand.u32 $0x1FFFFFF0, s7;
	s5 =	rddreg [dreg:$0x7]  }
0x8c: {  	s1 =	sadd.s32 $0x8600, s16;
	s26 =	spop (v2sf);
	s4 =	sadd.s32 s5, s7  }
0x8d: {  	[tilespmem:s19], [sflag:$0x1] =	stream.linear.gather [hbm4b:s4+s8], $0x80, $0x38;
	[tilespmem:$0x10600] =	vst v63  }
0x8e: {  	s3 =	sadd.s32 $0x500, s16;
	(v2sf) =	vpush v2, $0x5;
	s20 =	sand.u32 $0x1FFFFFF0, s26;
	s19 =	rddreg [dreg:$0x8]  }
0x8f: {  	s21 =	sadd.s32 $0x10, s21;
	s26 =	spop (v2sf);
	s4 =	sadd.s32 s19, s20  }
0x90: {  	(v2sf) =	vpush v1, $0x5;
	[tilespmem:s28], [sflag:$0x1] =	stream.linear.gather [hbm4b:s4+s8], $0x80, $0x38;
	[tilespmem:$0x10600] =	vst v63  }
0x91: {  	s20 =	sand.u32 $0x1FFFFFF0, s26;
	s26 =	spop (v2sf);
	s28 =	rddreg [dreg:$0x7]  }
0x92: {  	(v2sf) =	vpush v2, $0x6;
	s7 =	sand.u32 $0x1FFFFFF0, s26;
	s4 =	sadd.s32 s28, s20;
	s20 =	rddreg [dreg:$0x8]  }
0x93: {  	[tilespmem:s3], [sflag:$0x1] =	stream.linear.gather [hbm4b:s4+s8], $0x80, $0x38;
	[tilespmem:$0x10600] =	vst v63  }
0x94: {  	s22 =	sadd.s32 $0x10, s22;
	(v2sf) =	vpush v1, $0x6;
	s19 =	spop (v2sf);
	s3 =	sadd.s32 s20, s7  }
0x95: {  	[tilespmem:s2], [sflag:$0x1] =	stream.linear.gather [hbm4b:s3+s8], $0x80, $0x38;
	[tilespmem:$0x10600] =	vst v63  }
0x96: {  	s6 =	sadd.s32 $0x980, s16;
	s26 =	sand.u32 $0x1FFFFFF0, s19;
	s3 =	rddreg [dreg:$0x7]  }
0x97: {  	(v2sf) =	vpush v2, $0x7;
	s28 =	spop (v2sf);
	s7 =	smov.u32 s9;
	s2 =	sadd.s32 s3, s26  }
0x98: {  	[tilespmem:s15], [sflag:$0x1] =	stream.linear.gather [hbm4b:s2+s8], $0x80, $0x38;
	[tilespmem:$0x10600] =	vst v63  }
0x99: {  	(v2sf) =	vpush v1, $0x7;
	s9 =	sand.u32 $0x1FFFFFF0, s28;
	s19 =	spop (v2sf);
	s15 =	rddreg [dreg:$0x8]  }
0x9a: {  	s26 =	sand.u32 $0x1FFFFFF0, s19;
	s20 =	sadd.s32 s15, s9;
	s28 =	spop (v2sf)  }
0x9b: {  	(v2sf) =	vpush v2, $0x8;
	[tilespmem:s0], [sflag:$0x1] =	stream.linear.gather [hbm4b:s20+s8], $0x80, $0x38;
	[tilespmem:$0x10600] =	vst v63  }
0x9c: {  	s3 =	simm.s32 $0x0;
	s0 =	rddreg [dreg:$0x7];
	s4 =	sand.u32 $0x1FFFFFF0, s28  }
0x9d: {  	s5 =	spop (v2sf);
	s2 =	sadd.s32 s0, s26;
	s9 =	sadd.s32 s15, s4  }
0x9e: {  	(v2sf) =	vpush v1, $0x8;
	[tilespmem:s31], [sflag:$0x1] =	stream.linear.gather [hbm4b:s2+s8], $0x80, $0x38;
	[tilespmem:$0x10600] =	vst v63  }
0x9f: {  	(v2sf) =	vpush v2, $0x9;
	s19 =	sand.u32 $0x1FFFFFF0, s5;
	s26 =	rddreg [dreg:$0x7];
	s20 =	spop (v2sf)  }
0xa0: {  	[tilespmem:s1], [sflag:$0x1] =	stream.linear.gather [hbm4b:s9+s8], $0x80, $0x38;
	[tilespmem:$0x10600] =	vst v63  }
0xa1: {  	s4 =	rddreg [dreg:$0x17];
	s0 =	sadd.s32 s26, s19;
	s31 =	spop (v2sf)  }
0xa2: {  	[tilespmem:s4], [sflag:$0x1] =	stream.linear.gather [hbm4b:s0+s8], $0x80, $0x38;
	[tilespmem:$0x10600] =	vst v63  }
0xa3: {  	(v2sf) =	vpush v1, $0x9;
	s28 =	sand.u32 $0x1FFFFFF0, s20;
	s20 =	rddreg [dreg:$0x7];
	s19 =	spop (v2sf)  }
0xa4: {  	s5 =	sadd.s32 s15, s28;
	s9 =	sand.u32 $0x1FFFFFF0, s31;
	s26 =	sand.u32 $0x1FFFFFF0, s19  }
0xa5: {  	(v2sf) =	vpush v2, $0xA;
	[tilespmem:s30], [sflag:$0x1] =	stream.linear.gather [hbm4b:s5+s8], $0x80, $0x38;
	[tilespmem:$0x10600] =	vst v63  }
0xa6: {  	s0 =	sadd.s32 s20, s9;
	s28 =	spop (v2sf);
	s30 =	sadd.s32 s15, s26  }
0xa7: {  	(v2sf) =	vpush v1, $0xA;
	[tilespmem:s29], [sflag:$0x1] =	stream.linear.gather [hbm4b:s0+s8], $0x80, $0x38;
	[tilespmem:$0x10600] =	vst v63  }
0xa8: {  	s31 =	sand.u32 $0x1FFFFFF0, s28;
	s1 =	spop (v2sf);
	s26 =	rddreg [dreg:$0x18]  }
0xa9: {  	(v2sf) =	vpush v2, $0xB;
	[tilespmem:s14], [sflag:$0x1] =	stream.linear.gather [hbm4b:s30+s8], $0x80, $0x38;
	[tilespmem:$0x10600] =	vst v63  }
0xaa: {  	s5 =	sand.u32 $0x1FFFFFF0, s1;
	s9 =	spop (v2sf);
	s14 =	rddreg [dreg:$0x7]  }
0xab: {  	s19 =	sand.u32 $0x1FFFFFF0, s9;
	s9 =	rddreg [dreg:$0x15];
	s4 =	sadd.s32 s14, s31  }
0xac: {  	[tilespmem:s13], [sflag:$0x1] =	stream.linear.gather [hbm4b:s4+s8], $0x80, $0x38;
	[tilespmem:$0x10600] =	vst v63  }
0xad: {  	(v2sf) =	vpush v1, $0xB;
	s28 =	sadd.s32 s14, s19;
	s31 =	rddreg [dreg:$0x16];
	s20 =	spop (v2sf)  }
0xae: {  	(v2sf) =	vpush v2, $0xC;
	s13 =	sadd.s32 s15, s5;
	s29 =	sand.u32 $0x1FFFFFF0, s20;
	s30 =	spop (v2sf)  }
0xaf: {  	[tilespmem:s26], [sflag:$0x1] =	stream.linear.gather [hbm4b:s13+s8], $0x80, $0x38;
	[tilespmem:$0x10600] =	vst v63  }
0xb0: {  	(v2sf) =	vpush v1, $0xC;
	s2 =	sadd.s32 s15, s29;
	s4 =	sand.u32 $0x1FFFFFF0, s30;
	s26 =	rddreg [dreg:$0xd]  }
0xb1: {  	[tilespmem:s31], [sflag:$0x1] =	stream.linear.gather [hbm4b:s28+s8], $0x80, $0x38;
	[tilespmem:$0x10600] =	vst v63  }
0xb2: {  	s5 =	spop (v2sf);
	s13 =	sadd.s32 s14, s4;
	s31 =	rddreg [dreg:$0x13]  }
0xb3: {  	[tilespmem:s9], [sflag:$0x1] =	stream.linear.gather [hbm4b:s2+s8], $0x80, $0x38;
	[tilespmem:$0x10600] =	vst v63  }
0xb4: {  	s19 =	sand.u32 $0x1FFFFFF0, s5;
	s20 =	spop (v2sf);
	s5 =	rddreg [dreg:$0x11]  }
0xb5: {  	[tilespmem:s26], [sflag:$0x1] =	stream.linear.gather [hbm4b:s13+s8], $0x80, $0x38;
	[tilespmem:$0x10600] =	vst v63  }
0xb6: {  	s28 =	sadd.s32 s15, s19;
	s29 =	sand.u32 $0x1FFFFFF0, s20;
	s30 =	spop (v2sf)  }
0xb7: {  	[tilespmem:s31], [sflag:$0x1] =	stream.linear.gather [hbm4b:s28+s8], $0x80, $0x38;
	[tilespmem:$0x10600] =	vst v63  }
0xb8: {  	s1 =	sadd.s32 s14, s29;
	s2 =	sand.u32 $0x1FFFFFF0, s30;
	s4 =	spop (v2sf)  }
0xb9: {  	[tilespmem:s5], [sflag:$0x1] =	stream.linear.gather [hbm4b:s1+s8], $0x80, $0x38;
	[tilespmem:$0x10600] =	vst v63  }
0xba: {  	s20 =	rddreg [dreg:$0xa];
	s9 =	sadd.s32 s15, s2;
	s13 =	sand.u32 $0x1FFFFFF0, s4  }
0xbb: {  	(v2sf) =	vpush v2, $0xD;
	[tilespmem:s20], [sflag:$0x1] =	stream.linear.gather [hbm4b:s9+s8], $0x80, $0x38;
	[tilespmem:$0x10600] =	vst v63  }
.Ltmp1:
0xbc: {  	(v2sf) =	vpush v1, $0xD;
	s19 =	spop (v2sf);
	s26 =	sadd.s32 s14, s13;
	(pc) =	sbr.rel @!p0 .LBB2_2-.Ltmp1, $4  }
0xbd: {  	(v2sf) =	vpush v2, $0xE;
	s28 =	sand.u32 $0x1FFFFFF0, s19;
	s29 =	spop (v2sf);
	s31 =	rddreg [dreg:$0xb]  }
0xbe: {  	(v2sf) =	vpush v1, $0xE;
	[tilespmem:s6], [sflag:$0x1] =	stream.linear.gather [hbm4b:s26+s8], $0x80, $0x38;
	[tilespmem:$0x10600] =	vst v63  }
0xbf: {  	(v2sf) =	vpush v2, $0xF;
	s30 =	sadd.s32 s15, s28;
	s0 =	sand.u32 $0x1FFFFFF0, s29;
	s1 =	spop (v2sf)  }
0xc0: {  	(v2sf) =	vpush v1, $0xF;
	[tilespmem:s31], [sflag:$0x1] =	stream.linear.gather [hbm4b:s30+s8], $0x80, $0x38;
	[tilespmem:$0x10600] =	vst v63  }
.LBB2_3:
0xc1: {  	_ =	sdelay $0x4  }
0xc2: {  	s0 =	sadd.s32 s14, s0;
	s1 =	sand.u32 $0x1FFFFFF0, s1  }
0xc3: {  	[tilespmem:s24], [sflag:$0x1] =	stream.linear.gather [hbm4b:s0+s3], $0x80, $0x38;
	[tilespmem:$0x10600] =	vst v63  }
0xc4: {  	s29 =	sadd.s32 $0xB80, s16;
	s6 =	sadd.s32 s15, s1  }
0xc5: {  	[tilespmem:s18], [sflag:$0x1] =	stream.linear.gather [hbm4b:s6+s3], $0x80, $0x38;
	[tilespmem:$0x10600] =	vst v63  }
0xc6: {  	s30 =	sadd.s32 $0x8B80, s16;
	p0 =	por $0x1, $0x1;
	s2 =	spop (v2sf)  }
0xc7: {  	s4 =	simm.s32 $0x280;
	p1 =	por $0x0, $0x0;
	s8 =	sand.u32 $0x1FFFFFF0, s2  }
0xc8: {  	[dreg:$0x1e] =	wrdreg s3;
	s9 =	spop (v2sf);
	s13 =	sadd.s32 s14, s8  }
0xc9: {  	s17 =	sand.u32 $0x1FFFFFF0, s9;
	s18 =	spop (v2sf);
	s8 =	simm.s32 $0x80  }
0xca: {  	[tilespmem:s23], [sflag:$0x1] =	stream.linear.gather [hbm4b:s13+s3], $0x80, $0x38;
	[tilespmem:$0x10600] =	vst v63  }
0xcb: {  	s19 =	sadd.s32 s15, s17;
	s20 =	sand.u32 $0x1FFFFFF0, s18;
	s21 =	spop (v2sf)  }
0xcc: {  	[tilespmem:s7], [sflag:$0x1] =	stream.linear.gather [hbm4b:s19+s3], $0x80, $0x38;
	[tilespmem:$0x10600] =	vst v63  }
0xcd: {  	s22 =	sadd.s32 s14, s20;
	s23 =	sand.u32 $0x1FFFFFF0, s21;
	s24 =	spop (v2sf)  }
0xce: {  	[tilespmem:s25], [sflag:$0x1] =	stream.linear.gather [hbm4b:s22+s3], $0x80, $0x38;
	[tilespmem:$0x10600] =	vst v63  }
0xcf: {  	s26 =	sand.u32 $0x1FFFFFF0, s24;
	s28 =	spop (v2sf);
	s25 =	sadd.s32 s15, s23  }
0xd0: {  	[tilespmem:s10], [sflag:$0x1] =	stream.linear.gather [hbm4b:s25+s3], $0x80, $0x38;
	[tilespmem:$0x10600] =	vst v63  }
0xd1: {  	s13 =	simm.s32 $0x0;
	s1 =	sadd.s32 s14, s26;
	s2 =	sand.u32 $0x1FFFFFF0, s28  }
0xd2: {  	[tilespmem:s29], [sflag:$0x1] =	stream.linear.gather [hbm4b:s1+s3], $0x80, $0x38;
	[tilespmem:$0x10600] =	vst v63  }
0xd3: {  	s31 =	sadd.s32 s15, s2;
	s2 =	smov.u32 s3;
	s1 =	simm.s32 $0x10400  }
0xd4: {  	[tilespmem:s30], [sflag:$0x1] =	stream.linear.gather [hbm4b:s31+s3], $0x80, $0x38;
	[tilespmem:$0x10600] =	vst v63  }
.LBB2_5:
0xd5: {  	p2 =	seq.s32 s2, $0x3  }
.Ltmp2:
0xd6: {  	_ = 	snop;
	(pc) =	sbr.rel @p2 .LBB2_9-.Ltmp2, $1  }
0xd7: {  	_ =	sdelay $0x3  }
0xd8: {  	v1 =	vld [tilespmem:s8+$0x0]  }
0xd9: {  	v3 =	vld [tilespmem:s4+$0x0];
	_ =	sdelay $0x3  }
0xda: {  	v2 =	vshll.u32 v1, $0x4  }
0xdb: {  	v1 =	vshll.u32 v3, $0x4;
	(v2sf) =	vpush v2, $0x0  }
0xdc: {  	(v2sf) =	vpush v1, $0x0  }
0xdd: {  	(v2sf) =	vpush v2, $0x1;
	_ =	sdelay $0x1  }
0xde: {  	s0 =	simm.s32 $0x1  }
0xdf: {  	[smem:$0x7FB] =	sst s2;
	s0 =	simm.s32 @!p0 $0x0;
	(v2sf) =	vpush v1, $0x1  }
0xe0: {  	[smem:$0x7FC] =	sst s1;
	s0 =	sshll.u32 s0, $0xE  }
0xe1: {  	[smem:$0x7FD] =	sst s4;
	s22 =	sor.u32 $0x400, s0;
	(v2sf) =	vpush v2, $0x2  }
0xe2: {  	s0 =	sor.u32 $0x8400, s0;
	[dreg:$0x5] =	wrdreg s22  }
0xe3: {  	[dreg:$0x6] =	wrdreg s0;
	(v2sf) =	vpush v1, $0x2  }
0xe4: {  	p2 =	sne.s32 s3, $0xE000;
	s20 =	sadd.s32 $0x2000, s3;
	s1 =	rddreg [dreg:$0x5]  }
0xe5: {  	s23 =	sshra.s32 s3, $0x2;
	s21 =	sadd.s32 $0x10, s4;
	s24 =	rddreg [dreg:$0x6];
	(v2sf) =	vpush v2, $0x3  }
0xe6: {  	[dreg:$0x1f] =	wrdreg s8;
	s22 =	sadd.s32 s23, s1;
	s23 =	sadd.s32 s23, s24  }
0xe7: {  	s3 =	sadd.s32 $0x180, s22;
	s0 =	sadd.s32 $0x580, s22;
	s9 =	sadd.s32 $0x680, s22;
	(v2sf) =	vpush v1, $0x3  }
0xe8: {  	s16 =	sadd.s32 $0x80, s23;
	s17 =	sadd.s32 $0x200, s22;
	s19 =	sadd.s32 $0x100, s23  }
0xe9: {  	s1 =	sadd.s32 $0x480, s22;
	s28 =	sadd.s32 $0x700, s23;
	s25 =	spop (v2sf)  }
0xea: {  	s31 =	sadd.s32 $0x600, s23;
	s4 =	sand.u32 $0x1FFFFFF0, s25;
	s5 =	spop (v2sf)  }
0xeb: {  	(v2sf) =	vpush v2, $0x4;
	s4 =	sadd.s32 s14, s4;
	s5 =	sand.u32 $0x1FFFFFF0, s5;
	s6 =	spop (v2sf)  }
0xec: {  	[tilespmem:s22], [sflag:$0x1] =	stream.linear.gather [hbm4b:s4+s13], $0x80, $0x38;
	[tilespmem:$0x10600] =	vst v63  }
0xed: {  	s29 =	sadd.s32 $0x700, s22;
	(v2sf) =	vpush v1, $0x4;
	s26 =	sadd.s32 s15, s5;
	s30 =	sand.u32 $0x1FFFFFF0, s6  }
0xee: {  	s4 =	sadd.s32 $0x80, s22;
	(v2sf) =	vpush v2, $0x5;
	s5 =	spop (v2sf);
	s6 =	sadd.s32 $0x100, s22  }
0xef: {  	[tilespmem:s23], [sflag:$0x1] =	stream.linear.gather [hbm4b:s26+s13], $0x80, $0x38;
	[tilespmem:$0x10600] =	vst v63  }
0xf0: {  	s2 =	sadd.s32 s14, s30;
	s7 =	sand.u32 $0x1FFFFFF0, s5;
	s10 =	spop (v2sf);
	(v2sf) =	vpush v1, $0x5  }
0xf1: {  	(v2sf) =	vpush v2, $0x6;
	[tilespmem:s4], [sflag:$0x1] =	stream.linear.gather [hbm4b:s2+s13], $0x80, $0x38;
	[tilespmem:$0x10600] =	vst v63  }
0xf2: {  	s18 =	spop (v2sf);
	s2 =	sadd.s32 s15, s7;
	s4 =	sand.u32 $0x1FFFFFF0, s10  }
0xf3: {  	(v2sf) =	vpush v1, $0x6;
	[tilespmem:s16], [sflag:$0x1] =	stream.linear.gather [hbm4b:s2+s13], $0x80, $0x38;
	[tilespmem:$0x10600] =	vst v63  }
0xf4: {  	s24 =	spop (v2sf);
	(v2sf) =	vpush v2, $0x7;
	s4 =	sadd.s32 s14, s4;
	s2 =	sand.u32 $0x1FFFFFF0, s18  }
0xf5: {  	[tilespmem:s6], [sflag:$0x1] =	stream.linear.gather [hbm4b:s4+s13], $0x80, $0x38;
	[tilespmem:$0x10600] =	vst v63  }
0xf6: {  	s25 =	spop (v2sf);
	(v2sf) =	vpush v1, $0x7;
	s2 =	sadd.s32 s15, s2;
	s4 =	sand.u32 $0x1FFFFFF0, s24  }
0xf7: {  	(v2sf) =	vpush v2, $0x8;
	[tilespmem:s19], [sflag:$0x1] =	stream.linear.gather [hbm4b:s2+s13], $0x80, $0x38;
	[tilespmem:$0x10600] =	vst v63  }
0xf8: {  	s30 =	sand.u32 $0x1FFFFFF0, s25;
	s25 =	sadd.s32 $0x280, s23;
	s26 =	sadd.s32 s14, s4  }
0xf9: {  	[tilespmem:s3], [sflag:$0x1] =	stream.linear.gather [hbm4b:s26+s13], $0x80, $0x38;
	[tilespmem:$0x10600] =	vst v63  }
0xfa: {  	s6 =	sadd.s32 $0x180, s23;
	s4 =	sadd.s32 s15, s30;
	s7 =	spop (v2sf)  }
0xfb: {  	[tilespmem:s6], [sflag:$0x1] =	stream.linear.gather [hbm4b:s4+s13], $0x80, $0x38;
	[tilespmem:$0x10600] =	vst v63  }
0xfc: {  	s2 =	sadd.s32 $0x400, s22;
	s3 =	sand.u32 $0x1FFFFFF0, s7;
	s10 =	spop (v2sf)  }
0xfd: {  	s19 =	sadd.s32 $0x280, s22;
	s3 =	sadd.s32 s14, s3;
	s16 =	spop (v2sf)  }
0xfe: {  	[tilespmem:s17], [sflag:$0x1] =	stream.linear.gather [hbm4b:s3+s13], $0x80, $0x38;
	[tilespmem:$0x10600] =	vst v63  }
0xff: {  	(v2sf) =	vpush v1, $0x8;
	s7 =	sadd.s32 $0x300, s23;
	s4 =	sand.u32 $0x1FFFFFF0, s10;
	s24 =	spop (v2sf)  }
0x100: {  	s17 =	sadd.s32 $0x200, s23;
	s4 =	sadd.s32 s15, s4;
	s26 =	spop (v2sf)  }
0x101: {  	(v2sf) =	vpush v2, $0x9;
	[tilespmem:s17], [sflag:$0x1] =	stream.linear.gather [hbm4b:s4+s13], $0x80, $0x38;
	[tilespmem:$0x10600] =	vst v63  }
0x102: {  	s18 =	sand.u32 $0x1FFFFFF0, s16;
	(v2sf) =	vpush v1, $0x9;
	s16 =	sadd.s32 $0x380, s22;
	s30 =	spop (v2sf)  }
0x103: {  	s5 =	sadd.s32 s14, s18;
	s4 =	sand.u32 $0x1FFFFFF0, s24;
	s10 =	spop (v2sf)  }
0x104: {  	[tilespmem:s19], [sflag:$0x1] =	stream.linear.gather [hbm4b:s5+s13], $0x80, $0x38;
	[tilespmem:$0x10600] =	vst v63  }
0x105: {  	s4 =	sadd.s32 s15, s4;
	s6 =	sand.u32 $0x1FFFFFF0, s30;
	s17 =	spop (v2sf)  }
0x106: {  	(v2sf) =	vpush v2, $0xA;
	s5 =	sand.u32 $0x1FFFFFF0, s26;
	s19 =	sadd.s32 $0x380, s23;
	s18 =	spop (v2sf)  }
0x107: {  	[tilespmem:s25], [sflag:$0x1] =	stream.linear.gather [hbm4b:s4+s13], $0x80, $0x38;
	[tilespmem:$0x10600] =	vst v63  }
0x108: {  	(v2sf) =	vpush v1, $0xA;
	s5 =	sadd.s32 s14, s5;
	s4 =	sadd.s32 $0x300, s22;
	s25 =	sand.u32 $0x1FFFFFF0, s18  }
0x109: {  	[tilespmem:s4], [sflag:$0x1] =	stream.linear.gather [hbm4b:s5+s13], $0x80, $0x38;
	[tilespmem:$0x10600] =	vst v63  }
0x10a: {  	(v2sf) =	vpush v2, $0xB;
	s30 =	sadd.s32 s14, s25;
	s5 =	sadd.s32 s15, s6;
	s4 =	sand.u32 $0x1FFFFFF0, s10  }
0x10b: {  	[tilespmem:s7], [sflag:$0x1] =	stream.linear.gather [hbm4b:s5+s13], $0x80, $0x38;
	[tilespmem:$0x10600] =	vst v63  }
0x10c: {  	(v2sf) =	vpush v1, $0xB;
	s25 =	sadd.s32 $0x500, s23;
	s4 =	sadd.s32 s14, s4;
	s5 =	sand.u32 $0x1FFFFFF0, s17  }
0x10d: {  	[tilespmem:s16], [sflag:$0x1] =	stream.linear.gather [hbm4b:s4+s13], $0x80, $0x38;
	[tilespmem:$0x10600] =	vst v63  }
0x10e: {  	(v2sf) =	vpush v2, $0xC;
	s7 =	sadd.s32 $0x680, s23;
	s24 =	sadd.s32 s15, s5;
	s26 =	spop (v2sf)  }
0x10f: {  	[tilespmem:s19], [sflag:$0x1] =	stream.linear.gather [hbm4b:s24+s13], $0x80, $0x38;
	[tilespmem:$0x10600] =	vst v63  }
0x110: {  	s5 =	sadd.s32 $0x400, s23;
	s16 =	sadd.s32 $0x500, s22;
	s6 =	spop (v2sf)  }
0x111: {  	s3 =	sand.u32 $0x1FFFFFF0, s26;
	s19 =	sadd.s32 $0x480, s23;
	s10 =	spop (v2sf)  }
0x112: {  	(v2sf) =	vpush v1, $0xC;
	[tilespmem:s2], [sflag:$0x1] =	stream.linear.gather [hbm4b:s30+s13], $0x80, $0x38;
	[tilespmem:$0x10600] =	vst v63  }
0x113: {  	s3 =	sadd.s32 s15, s3;
	s4 =	sand.u32 $0x1FFFFFF0, s6;
	s18 =	sand.u32 $0x1FFFFFF0, s10  }
0x114: {  	(v2sf) =	vpush v2, $0xD;
	[tilespmem:s5], [sflag:$0x1] =	stream.linear.gather [hbm4b:s3+s13], $0x80, $0x38;
	[tilespmem:$0x10600] =	vst v63  }
0x115: {  	s17 =	sadd.s32 s14, s4;
	s24 =	spop (v2sf);
	s4 =	sadd.s32 s15, s18  }
0x116: {  	[tilespmem:s1], [sflag:$0x1] =	stream.linear.gather [hbm4b:s17+s13], $0x80, $0x38;
	[tilespmem:$0x10600] =	vst v63  }
0x117: {  	s26 =	spop (v2sf);
	s18 =	sadd.s32 $0x580, s23;
	s3 =	sand.u32 $0x1FFFFFF0, s24  }
0x118: {  	[tilespmem:s19], [sflag:$0x1] =	stream.linear.gather [hbm4b:s4+s13], $0x80, $0x38;
	[tilespmem:$0x10600] =	vst v63  }
0x119: {  	s30 =	spop (v2sf);
	s3 =	sadd.s32 s14, s3;
	s4 =	sand.u32 $0x1FFFFFF0, s26  }
0x11a: {  	[tilespmem:s16], [sflag:$0x1] =	stream.linear.gather [hbm4b:s3+s13], $0x80, $0x38;
	[tilespmem:$0x10600] =	vst v63  }
0x11b: {  	s5 =	sand.u32 $0x1FFFFFF0, s30;
	s6 =	spop (v2sf);
	s4 =	sadd.s32 s15, s4  }
0x11c: {  	[tilespmem:s25], [sflag:$0x1] =	stream.linear.gather [hbm4b:s4+s13], $0x80, $0x38;
	[tilespmem:$0x10600] =	vst v63  }
0x11d: {  	s10 =	sadd.s32 s14, s5;
	s17 =	spop (v2sf);
	s16 =	sand.u32 $0x1FFFFFF0, s6  }
0x11e: {  	[tilespmem:s0], [sflag:$0x1] =	stream.linear.gather [hbm4b:s10+s13], $0x80, $0x38;
	[tilespmem:$0x10600] =	vst v63  }
.Ltmp3:
0x11f: {  	(v2sf) =	vpush v1, $0xD;
	s24 =	sand.u32 $0x1FFFFFF0, s17;
	s19 =	sadd.s32 s15, s16;
	(pc) =	sbr.rel @!p2 .LBB2_8-.Ltmp3, $4  }
0x120: {  	(v2sf) =	vpush v2, $0xE;
	[tilespmem:s18], [sflag:$0x1] =	stream.linear.gather [hbm4b:s19+s13], $0x80, $0x38;
	[tilespmem:$0x10600] =	vst v63  }
0x121: {  	(v2sf) =	vpush v1, $0xE;
	s26 =	sadd.s32 s14, s24;
	s25 =	sadd.s32 $0x600, s22;
	s30 =	spop (v2sf)  }
0x122: {  	(v2sf) =	vpush v2, $0xF;
	[tilespmem:s25], [sflag:$0x1] =	stream.linear.gather [hbm4b:s26+s13], $0x80, $0x38;
	[tilespmem:$0x10600] =	vst v63  }
0x123: {  	(v2sf) =	vpush v1, $0xF;
	s0 =	sand.u32 $0x1FFFFFF0, s30;
	s1 =	spop (v2sf);
	s25 =	sadd.s32 $0x10, s8  }
.LBB2_7:
0x124: {  	_ =	sdelay $0x5  }
0x125: {  	s0 =	sadd.s32 s15, s0;
	s1 =	sand.u32 $0x1FFFFFF0, s1  }
0x126: {  	[tilespmem:s31], [sflag:$0x1] =	stream.linear.gather [hbm4b:s0+s13], $0x80, $0x38;
	[tilespmem:$0x10600] =	vst v63  }
0x127: {  	s24 =	sadd.s32 s14, s1  }
0x128: {  	[tilespmem:s9], [sflag:$0x1] =	stream.linear.gather [hbm4b:s24+s13], $0x80, $0x38;
	[tilespmem:$0x10600] =	vst v63  }
0x129: {  	s2 =	spop (v2sf)  }
0x12a: {  	s26 =	sand.u32 $0x1FFFFFF0, s2;
	s30 =	spop (v2sf)  }
0x12b: {  	s1 =	sadd.s32 s15, s26;
	s2 =	sand.u32 $0x1FFFFFF0, s30;
	s3 =	spop (v2sf)  }
0x12c: {  	[tilespmem:s7], [sflag:$0x1] =	stream.linear.gather [hbm4b:s1+s13], $0x80, $0x38;
	[tilespmem:$0x10600] =	vst v63  }
0x12d: {  	s4 =	sadd.s32 s14, s2;
	s5 =	sand.u32 $0x1FFFFFF0, s3;
	s6 =	spop (v2sf)  }
0x12e: {  	[tilespmem:s29], [sflag:$0x1] =	stream.linear.gather [hbm4b:s4+s13], $0x80, $0x38;
	[tilespmem:$0x10600] =	vst v63  }
0x12f: {  	s7 =	sadd.s32 s15, s5;
	s8 =	sand.u32 $0x1FFFFFF0, s6;
	s9 =	spop (v2sf)  }
0x130: {  	[tilespmem:s28], [sflag:$0x1] =	stream.linear.gather [hbm4b:s7+s13], $0x80, $0x38;
	[tilespmem:$0x10600] =	vst v63  }
0x131: {  	s10 =	sadd.s32 $0x780, s22;
	s1 =	sadd.s32 s14, s8;
	s2 =	sand.u32 $0x1FFFFFF0, s9  }
0x132: {  	[tilespmem:s10], [sflag:$0x1] =	stream.linear.gather [hbm4b:s1+s13], $0x80, $0x38;
	[tilespmem:$0x10600] =	vst v63  }
0x133: {  	s14 =	sadd.s32 $0x780, s23;
	s15 =	sadd.s32 s15, s2  }
0x134: {  	[tilespmem:s14], [sflag:$0x1] =	stream.linear.gather [hbm4b:s15+s13], $0x80, $0x38;
	[tilespmem:$0x10600] =	vst v63  }
0x135: {  	v1 =	vld [tilespmem:s25+$0x0];
	_ =	sdelay $0x1  }
0x136: {  	v3 =	vld [tilespmem:s21+$0x0];
	_ =	sdelay $0x2  }
0x137: {  	v2 =	vshll.u32 v1, $0x4  }
0x138: {  	(v2sf) =	vpush v2, $0x0  }
0x139: {  	v1 =	vshll.u32 v3, $0x4  }
0x13a: {  	(v2sf) =	vpush v1, $0x0;
	_ =	sdelay $0x1  }
0x13b: {  	s16 =	smov.u32 s20  }
0x13c: {  	s17 =	rddreg [dreg:$0x5];
	s0 =	sshra.s32 s16, $0x2;
	(v2sf) =	vpush v2, $0x1  }
0x13d: {  	p2 =	sne.s32 s20, $0xE000;
	s22 =	sadd.s32 s0, s17  }
0x13e: {  	s20 =	sadd.s32 $0x2000, s20;
	s18 =	rddreg [dreg:$0x6];
	s19 =	sadd.s32 $0x580, s22;
	(v2sf) =	vpush v1, $0x1  }
0x13f: {  	s17 =	sadd.s32 $0x200, s22;
	s24 =	sadd.s32 $0x400, s22;
	[dreg:$0x9] =	wrdreg s19  }
0x140: {  	s16 =	sadd.s32 $0x300, s22;
	[dreg:$0x14] =	wrdreg s24;
	s30 =	sadd.s32 $0x600, s22  }
0x141: {  	s24 =	sadd.s32 $0x80, s22;
	s3 =	sadd.s32 $0x500, s22;
	[dreg:$0xc] =	wrdreg s30;
	(v2sf) =	vpush v2, $0x2  }
0x142: {  	[dreg:$0x10] =	wrdreg s3;
	s23 =	sadd.s32 $0x680, s22;
	s4 =	sadd.s32 $0x100, s22  }
0x143: {  	s8 =	sadd.s32 $0x380, s22;
	[dreg:$0xe] =	wrdreg s23;
	s23 =	sadd.s32 s0, s18  }
0x144: {  	s18 =	sadd.s32 $0x280, s22;
	s2 =	sadd.s32 $0x180, s23;
	s7 =	sadd.s32 $0x680, s23;
	(v2sf) =	vpush v1, $0x2  }
0x145: {  	s0 =	sadd.s32 $0x100, s23;
	s19 =	sadd.s32 $0x300, s23;
	s5 =	sadd.s32 $0x580, s23  }
0x146: {  	s28 =	sadd.s32 $0x700, s23;
	[dreg:$0xf] =	wrdreg s5;
	s6 =	spop (v2sf)  }
0x147: {  	s26 =	sadd.s32 $0x500, s23;
	s5 =	rddreg [dreg:$0x7];
	(v2sf) =	vpush v2, $0x3;
	s9 =	sand.u32 $0x1FFFFFF0, s6  }
0x148: {  	[dreg:$0x12] =	wrdreg s26;
	s29 =	spop (v2sf);
	s9 =	sadd.s32 s5, s9  }
0x149: {  	[tilespmem:s22], [sflag:$0x1] =	stream.linear.gather [hbm4b:s9+s13], $0x80, $0x38;
	[tilespmem:$0x10600] =	vst v63  }
0x14a: {  	s30 =	sadd.s32 $0x80, s23;
	(v2sf) =	vpush v1, $0x3;
	s29 =	sand.u32 $0x1FFFFFF0, s29;
	s9 =	rddreg [dreg:$0x8]  }
0x14b: {  	s6 =	simm.s32 $0x0;
	s26 =	spop (v2sf);
	s29 =	sadd.s32 s9, s29  }
0x14c: {  	[tilespmem:s23], [sflag:$0x1] =	stream.linear.gather [hbm4b:s29+s13], $0x80, $0x38;
	[tilespmem:$0x10600] =	vst v63  }
0x14d: {  	(v2sf) =	vpush v2, $0x4;
	s26 =	sand.u32 $0x1FFFFFF0, s26;
	s5 =	spop (v2sf);
	s13 =	rddreg [dreg:$0x7]  }
0x14e: {  	s26 =	sadd.s32 s13, s26;
	s13 =	sand.u32 $0x1FFFFFF0, s5;
	s5 =	rddreg [dreg:$0x8]  }
0x14f: {  	(v2sf) =	vpush v1, $0x4;
	[tilespmem:s24], [sflag:$0x1] =	stream.linear.gather [hbm4b:s26+s6], $0x80, $0x38;
	[tilespmem:$0x10600] =	vst v63  }
0x150: {  	s3 =	sadd.s32 $0x200, s23;
	s26 =	spop (v2sf);
	s13 =	sadd.s32 s5, s13  }
0x151: {  	[tilespmem:s30], [sflag:$0x1] =	stream.linear.gather [hbm4b:s13+s6], $0x80, $0x38;
	[tilespmem:$0x10600] =	vst v63  }
0x152: {  	s31 =	sadd.s32 $0x600, s23;
	(v2sf) =	vpush v2, $0x5;
	s26 =	sand.u32 $0x1FFFFFF0, s26;
	s30 =	rddreg [dreg:$0x7]  }
0x153: {  	s1 =	sadd.s32 $0x480, s22;
	(v2sf) =	vpush v1, $0x5;
	s5 =	spop (v2sf);
	s13 =	sadd.s32 s30, s26  }
0x154: {  	[tilespmem:s4], [sflag:$0x1] =	stream.linear.gather [hbm4b:s13+s6], $0x80, $0x38;
	[tilespmem:$0x10600] =	vst v63  }
0x155: {  	s10 =	sadd.s32 $0x400, s23;
	(v2sf) =	vpush v2, $0x6;
	s5 =	sand.u32 $0x1FFFFFF0, s5;
	s13 =	rddreg [dreg:$0x8]  }
0x156: {  	s15 =	sadd.s32 $0x180, s22;
	s30 =	spop (v2sf);
	s4 =	sadd.s32 s13, s5  }
0x157: {  	[tilespmem:s0], [sflag:$0x1] =	stream.linear.gather [hbm4b:s4+s6], $0x80, $0x38;
	[tilespmem:$0x10600] =	vst v63  }
0x158: {  	s14 =	sadd.s32 $0x380, s23;
	(v2sf) =	vpush v1, $0x6;
	s26 =	sand.u32 $0x1FFFFFF0, s30;
	s6 =	rddreg [dreg:$0x7]  }
0x159: {  	s30 =	spop (v2sf);
	s13 =	simm.s32 $0x0;
	s0 =	sadd.s32 s6, s26  }
0x15a: {  	(v2sf) =	vpush v2, $0x7;
	[tilespmem:s15], [sflag:$0x1] =	stream.linear.gather [hbm4b:s0+s13], $0x80, $0x38;
	[tilespmem:$0x10600] =	vst v63  }
0x15b: {  	s21 =	sadd.s32 $0x10, s21;
	s26 =	sand.u32 $0x1FFFFFF0, s30;
	s15 =	rddreg [dreg:$0x8]  }
0x15c: {  	s25 =	sadd.s32 $0x10, s25;
	(v2sf) =	vpush v1, $0x7;
	s30 =	spop (v2sf);
	s6 =	sadd.s32 s15, s26  }
0x15d: {  	[tilespmem:s2], [sflag:$0x1] =	stream.linear.gather [hbm4b:s6+s13], $0x80, $0x38;
	[tilespmem:$0x10600] =	vst v63  }
0x15e: {  	(v2sf) =	vpush v2, $0x8;
	s26 =	sand.u32 $0x1FFFFFF0, s30;
	s30 =	spop (v2sf);
	s6 =	rddreg [dreg:$0x7]  }
0x15f: {  	s9 =	sadd.s32 $0x480, s23;
	s0 =	sadd.s32 s6, s26;
	s26 =	sand.u32 $0x1FFFFFF0, s30  }
0x160: {  	(v2sf) =	vpush v1, $0x8;
	[tilespmem:s17], [sflag:$0x1] =	stream.linear.gather [hbm4b:s0+s13], $0x80, $0x38;
	[tilespmem:$0x10600] =	vst v63  }
0x161: {  	s29 =	sadd.s32 $0x700, s22;
	s30 =	spop (v2sf);
	s2 =	sadd.s32 s15, s26  }
0x162: {  	(v2sf) =	vpush v2, $0x9;
	s5 =	sand.u32 $0x1FFFFFF0, s30;
	s6 =	spop (v2sf);
	s17 =	rddreg [dreg:$0x7]  }
0x163: {  	[tilespmem:s3], [sflag:$0x1] =	stream.linear.gather [hbm4b:s2+s13], $0x80, $0x38;
	[tilespmem:$0x10600] =	vst v63  }
0x164: {  	s24 =	sadd.s32 $0x280, s23;
	s0 =	sadd.s32 s17, s5;
	s30 =	spop (v2sf)  }
0x165: {  	(v2sf) =	vpush v1, $0x9;
	[tilespmem:s18], [sflag:$0x1] =	stream.linear.gather [hbm4b:s0+s13], $0x80, $0x38;
	[tilespmem:$0x10600] =	vst v63  }
0x166: {  	s26 =	sand.u32 $0x1FFFFFF0, s6;
	s6 =	rddreg [dreg:$0x7];
	s4 =	sand.u32 $0x1FFFFFF0, s30  }
0x167: {  	s2 =	sadd.s32 s15, s26;
	(v2sf) =	vpush v2, $0xA;
	s5 =	spop (v2sf);
	s0 =	sadd.s32 s6, s4  }
0x168: {  	(v2sf) =	vpush v1, $0xA;
	[tilespmem:s24], [sflag:$0x1] =	stream.linear.gather [hbm4b:s2+s13], $0x80, $0x38;
	[tilespmem:$0x10600] =	vst v63  }
0x169: {  	s17 =	sand.u32 $0x1FFFFFF0, s5;
	s4 =	rddreg [dreg:$0x7];
	s18 =	spop (v2sf)  }
0x16a: {  	[tilespmem:s16], [sflag:$0x1] =	stream.linear.gather [hbm4b:s0+s13], $0x80, $0x38;
	[tilespmem:$0x10600] =	vst v63  }
0x16b: {  	s24 =	sadd.s32 s15, s17;
	s26 =	sand.u32 $0x1FFFFFF0, s18;
	s30 =	spop (v2sf)  }
0x16c: {  	(v2sf) =	vpush v2, $0xB;
	[tilespmem:s19], [sflag:$0x1] =	stream.linear.gather [hbm4b:s24+s13], $0x80, $0x38;
	[tilespmem:$0x10600] =	vst v63  }
0x16d: {  	s0 =	sadd.s32 s4, s26;
	s5 =	sand.u32 $0x1FFFFFF0, s30;
	s6 =	spop (v2sf)  }
0x16e: {  	(v2sf) =	vpush v1, $0xB;
	[tilespmem:s8], [sflag:$0x1] =	stream.linear.gather [hbm4b:s0+s13], $0x80, $0x38;
	[tilespmem:$0x10600] =	vst v63  }
0x16f: {  	s30 =	rddreg [dreg:$0x14];
	s16 =	sadd.s32 s15, s5;
	s18 =	spop (v2sf)  }
0x170: {  	[tilespmem:s14], [sflag:$0x1] =	stream.linear.gather [hbm4b:s16+s13], $0x80, $0x38;
	[tilespmem:$0x10600] =	vst v63  }
0x171: {  	s17 =	sand.u32 $0x1FFFFFF0, s6;
	s14 =	rddreg [dreg:$0x7];
	s26 =	spop (v2sf)  }
0x172: {  	(v2sf) =	vpush v2, $0xC;
	s24 =	sand.u32 $0x1FFFFFF0, s18;
	s19 =	sadd.s32 s14, s17;
	s4 =	sand.u32 $0x1FFFFFF0, s26  }
0x173: {  	(v2sf) =	vpush v1, $0xC;
	[tilespmem:s30], [sflag:$0x1] =	stream.linear.gather [hbm4b:s19+s13], $0x80, $0x38;
	[tilespmem:$0x10600] =	vst v63  }
0x174: {  	s2 =	sadd.s32 s15, s24;
	s5 =	spop (v2sf);
	s6 =	sadd.s32 s14, s4  }
0x175: {  	(v2sf) =	vpush v2, $0xD;
	[tilespmem:s10], [sflag:$0x1] =	stream.linear.gather [hbm4b:s2+s13], $0x80, $0x38;
	[tilespmem:$0x10600] =	vst v63  }
0x176: {  	s8 =	sand.u32 $0x1FFFFFF0, s5;
	s30 =	rddreg [dreg:$0x10];
	s10 =	spop (v2sf)  }
0x177: {  	s5 =	rddreg [dreg:$0x12];
	s17 =	sand.u32 $0x1FFFFFF0, s10;
	s18 =	spop (v2sf)  }
0x178: {  	[tilespmem:s1], [sflag:$0x1] =	stream.linear.gather [hbm4b:s6+s13], $0x80, $0x38;
	[tilespmem:$0x10600] =	vst v63  }
0x179: {  	s16 =	sadd.s32 s15, s8;
	s19 =	sadd.s32 s14, s17;
	s24 =	sand.u32 $0x1FFFFFF0, s18  }
0x17a: {  	[tilespmem:s9], [sflag:$0x1] =	stream.linear.gather [hbm4b:s16+s13], $0x80, $0x38;
	[tilespmem:$0x10600] =	vst v63  }
0x17b: {  	s26 =	spop (v2sf);
	s1 =	sadd.s32 s15, s24;
	s24 =	rddreg [dreg:$0xf]  }
0x17c: {  	[tilespmem:s30], [sflag:$0x1] =	stream.linear.gather [hbm4b:s19+s13], $0x80, $0x38;
	[tilespmem:$0x10600] =	vst v63  }
0x17d: {  	s9 =	rddreg [dreg:$0xe];
	s2 =	sand.u32 $0x1FFFFFF0, s26;
	s4 =	spop (v2sf)  }
0x17e: {  	[tilespmem:s5], [sflag:$0x1] =	stream.linear.gather [hbm4b:s1+s13], $0x80, $0x38;
	[tilespmem:$0x10600] =	vst v63  }
0x17f: {  	s16 =	rddreg [dreg:$0x9];
	s6 =	sadd.s32 s14, s2;
	s8 =	sand.u32 $0x1FFFFFF0, s4  }
0x180: {  	[tilespmem:s16], [sflag:$0x1] =	stream.linear.gather [hbm4b:s6+s13], $0x80, $0x38;
	[tilespmem:$0x10600] =	vst v63  }
.Ltmp4:
0x181: {  	(v2sf) =	vpush v1, $0xD;
	s17 =	sadd.s32 s15, s8;
	s10 =	spop (v2sf);
	(pc) =	sbr.rel @p2 .LBB2_7-.Ltmp4, $4  }
0x182: {  	(v2sf) =	vpush v2, $0xE;
	s30 =	rddreg [dreg:$0xc];
	s18 =	sand.u32 $0x1FFFFFF0, s10;
	s19 =	spop (v2sf)  }
0x183: {  	(v2sf) =	vpush v1, $0xE;
	[tilespmem:s24], [sflag:$0x1] =	stream.linear.gather [hbm4b:s17+s13], $0x80, $0x38;
	[tilespmem:$0x10600] =	vst v63  }
0x184: {  	(v2sf) =	vpush v2, $0xF;
	s26 =	sadd.s32 s14, s18;
	s0 =	sand.u32 $0x1FFFFFF0, s19;
	s1 =	spop (v2sf)  }
0x185: {  	(v2sf) =	vpush v1, $0xF;
	[tilespmem:s30], [sflag:$0x1] =	stream.linear.gather [hbm4b:s26+s13], $0x80, $0x38;
	[tilespmem:$0x10600] =	vst v63  }
.LBB2_8:
0x186: {  	_ =	sdelay $0x5  }
0x187: {  	s0 =	sadd.s32 s15, s0;
	s1 =	sand.u32 $0x1FFFFFF0, s1  }
0x188: {  	[tilespmem:s31], [sflag:$0x1] =	stream.linear.gather [hbm4b:s0+s13], $0x80, $0x38;
	[tilespmem:$0x10600] =	vst v63  }
0x189: {  	s6 =	sadd.s32 s14, s1  }
0x18a: {  	[tilespmem:s9], [sflag:$0x1] =	stream.linear.gather [hbm4b:s6+s13], $0x80, $0x38;
	[tilespmem:$0x10600] =	vst v63  }
0x18b: {  	s3 =	rddreg [dreg:$0x1e];
	s2 =	spop (v2sf)  }
0x18c: {  	s4 =	sld [smem:$0x7FD];
	s8 =	sand.u32 $0x1FFFFFF0, s2;
	s10 =	spop (v2sf)  }
0x18d: {  	s16 =	sadd.s32 s15, s8;
	s17 =	sand.u32 $0x1FFFFFF0, s10;
	s18 =	spop (v2sf)  }
0x18e: {  	[tilespmem:s7], [sflag:$0x1] =	stream.linear.gather [hbm4b:s16+s13], $0x80, $0x38;
	[tilespmem:$0x10600] =	vst v63  }
0x18f: {  	s8 =	rddreg [dreg:$0x1f];
	s20 =	sand.u32 $0x1FFFFFF0, s18;
	s21 =	spop (v2sf)  }
0x190: {  	s19 =	sadd.s32 s14, s17;
	s24 =	sadd.s32 s15, s20;
	s26 =	spop (v2sf)  }
0x191: {  	[tilespmem:s29], [sflag:$0x1] =	stream.linear.gather [hbm4b:s19+s13], $0x80, $0x38;
	[tilespmem:$0x10600] =	vst v63  }
0x192: {  	s25 =	sand.u32 $0x1FFFFFF0, s21;
	s29 =	sadd.s32 $0x780, s22;
	s2 =	sand.u32 $0x1FFFFFF0, s26  }
0x193: {  	[tilespmem:s28], [sflag:$0x1] =	stream.linear.gather [hbm4b:s24+s13], $0x80, $0x38;
	[tilespmem:$0x10600] =	vst v63  }
0x194: {  	s1 =	sadd.s32 s14, s25;
	s31 =	sadd.s32 s15, s2;
	s2 =	sld [smem:$0x7FB]  }
0x195: {  	[tilespmem:s29], [sflag:$0x1] =	stream.linear.gather [hbm4b:s1+s13], $0x80, $0x38;
	[tilespmem:$0x10600] =	vst v63  }
0x196: {  	s30 =	sadd.s32 $0x780, s23;
	s1 =	sld [smem:$0x7FC]  }
0x197: {  	[tilespmem:s30], [sflag:$0x1] =	stream.linear.gather [hbm4b:s31+s13], $0x80, $0x38;
	[tilespmem:$0x10600] =	vst v63  }
.LBB2_9:
0x198: {  	s0 =	simm.s32 $0x1  }
0x199: {  	s0 =	simm.s32 @!p1 $0x0  }
0x19a: {  	s20 =	sshll.u32 s0, $0x7  }
0x19b: {  	s31 =	simm.s32 $0x1;
	v1 =	vmov s20  }
0x19c: {  	_ =	swait.ge [sflag:s31], $0x4000;
	v1 =	vshll.u32 v1, $0x7  }
0x19d: {  	[sflag:s31] =	ssyncset.done $0x0;
	v1 =	vor.u32 v0, v1  }
0x19e: {  	[sflag:s31] =	ssyncadd.s32 $0xFFFFC000  }
0x19f: {  	_ =	swait.ge [sflag:s31], $0x4000;
	v2 =	vor.u32 $0x1, v1  }
0x1a0: {  	[sflag:s31] =	ssyncset.done $0x0  }
0x1a1: {  	[sflag:s31] =	ssyncadd.s32 $0xFFFFC000;
	v3 =	vor.u32 $0x2, v1  }
0x1a2: {  	v4 =	vld.idx.msk [tilespmem:v1+s12+$0x0], $0xffff  }
0x1a3: {  	v6 =	vor.u32 $0x3, v1;
	v5 =	vld.idx.msk [tilespmem:v1+s11+$0x0], $0xffff  }
0x1a4: {  	v7 =	vld.idx.msk [tilespmem:v2+s11+$0x0], $0xffff  }
0x1a5: {  	v8 =	vor.u32 $0x4, v1;
	v2 =	vld.idx.msk [tilespmem:v2+s12+$0x0], $0xffff  }
0x1a6: {  	v9 =	vld.idx.msk [tilespmem:v3+s11+$0x0], $0xffff  }
0x1a7: {  	v10 =	vor.u32 $0x5, v1;
	v3 =	vld.idx.msk [tilespmem:v3+s12+$0x0], $0xffff  }
0x1a8: {  	v11 =	vld.idx.msk [tilespmem:v6+s11+$0x0], $0xffff  }
0x1a9: {  	v4 =	vmul.f32 v4, v5;
	v5 =	vld.idx.msk [tilespmem:v6+s12+$0x0], $0xffff;
	v6 =	vor.u32 $0x6, v1  }
0x1aa: {  	v12 =	vld.idx.msk [tilespmem:v8+s11+$0x0], $0xffff  }
0x1ab: {  	v2 =	vmul.f32 v2, v7;
	v7 =	vld.idx.msk [tilespmem:v8+s12+$0x0], $0xffff;
	v8 =	vor.u32 $0x7, v1;
	v4 =	vadd.f32 $0.0e+00, v4  }
0x1ac: {  	v13 =	vld.idx.msk [tilespmem:v10+s11+$0x0], $0xffff  }
0x1ad: {  	v37 =	vor.u32 $0x8, v1;
	v3 =	vmul.f32 v3, v9;
	v2 =	vadd.f32 v2, v4;
	v4 =	vld.idx.msk [tilespmem:v10+s12+$0x0], $0xffff  }
0x1ae: {  	v38 =	vld.idx.msk [tilespmem:v6+s11+$0x0], $0xffff  }
0x1af: {  	v2 =	vadd.f32 v3, v2;
	v3 =	vmul.f32 v5, v11;
	v5 =	vld.idx.msk [tilespmem:v6+s12+$0x0], $0xffff;
	v6 =	vor.u32 $0x9, v1  }
0x1b0: {  	v39 =	vld.idx.msk [tilespmem:v8+s11+$0x0], $0xffff  }
0x1b1: {  	v2 =	vadd.f32 v3, v2;
	v3 =	vmul.f32 v7, v12;
	v7 =	vld.idx.msk [tilespmem:v8+s12+$0x0], $0xffff;
	v8 =	vor.u32 $0xA, v1  }
0x1b2: {  	v40 =	vld.idx.msk [tilespmem:v37+s11+$0x0], $0xffff  }
0x1b3: {  	v41 =	vor.u32 $0xB, v1;
	v2 =	vadd.f32 v3, v2;
	v3 =	vmul.f32 v4, v13;
	v4 =	vld.idx.msk [tilespmem:v37+s12+$0x0], $0xffff  }
0x1b4: {  	v42 =	vld.idx.msk [tilespmem:v6+s11+$0x0], $0xffff  }
0x1b5: {  	v2 =	vadd.f32 v3, v2;
	v3 =	vmul.f32 v5, v38;
	v5 =	vld.idx.msk [tilespmem:v6+s12+$0x0], $0xffff;
	v6 =	vor.u32 $0xC, v1  }
0x1b6: {  	v43 =	vld.idx.msk [tilespmem:v8+s11+$0x0], $0xffff  }
0x1b7: {  	v2 =	vadd.f32 v3, v2;
	v3 =	vmul.f32 v7, v39;
	v7 =	vld.idx.msk [tilespmem:v8+s12+$0x0], $0xffff;
	v8 =	vor.u32 $0xD, v1  }
0x1b8: {  	v44 =	vld.idx.msk [tilespmem:v41+s11+$0x0], $0xffff  }
0x1b9: {  	v45 =	vor.u32 $0xE, v1;
	v2 =	vadd.f32 v3, v2;
	v3 =	vmul.f32 v4, v40;
	v4 =	vld.idx.msk [tilespmem:v41+s12+$0x0], $0xffff  }
0x1ba: {  	v46 =	vld.idx.msk [tilespmem:v6+s11+$0x0], $0xffff  }
0x1bb: {  	v2 =	vadd.f32 v3, v2;
	v3 =	vmul.f32 v5, v42;
	v5 =	vld.idx.msk [tilespmem:v6+s12+$0x0], $0xffff;
	v6 =	vor.u32 $0xF, v1  }
0x1bc: {  	v47 =	vld.idx.msk [tilespmem:v8+s11+$0x0], $0xffff  }
0x1bd: {  	v2 =	vadd.f32 v3, v2;
	v3 =	vmul.f32 v7, v43;
	v7 =	vld.idx.msk [tilespmem:v8+s12+$0x0], $0xffff;
	v8 =	vor.u32 $0x10, v1  }
0x1be: {  	v48 =	vld.idx.msk [tilespmem:v45+s11+$0x0], $0xffff  }
0x1bf: {  	v49 =	vor.u32 $0x11, v1;
	v2 =	vadd.f32 v3, v2;
	v3 =	vmul.f32 v4, v44;
	v4 =	vld.idx.msk [tilespmem:v45+s12+$0x0], $0xffff  }
0x1c0: {  	v50 =	vld.idx.msk [tilespmem:v6+s11+$0x0], $0xffff  }
0x1c1: {  	v2 =	vadd.f32 v3, v2;
	v3 =	vmul.f32 v5, v46;
	v5 =	vld.idx.msk [tilespmem:v6+s12+$0x0], $0xffff;
	v6 =	vor.u32 $0x12, v1  }
0x1c2: {  	v51 =	vld.idx.msk [tilespmem:v8+s11+$0x0], $0xffff  }
0x1c3: {  	v2 =	vadd.f32 v3, v2;
	v3 =	vmul.f32 v7, v47;
	v7 =	vld.idx.msk [tilespmem:v8+s12+$0x0], $0xffff;
	v8 =	vor.u32 $0x13, v1  }
0x1c4: {  	v52 =	vld.idx.msk [tilespmem:v49+s11+$0x0], $0xffff  }
0x1c5: {  	v53 =	vor.u32 $0x14, v1;
	v2 =	vadd.f32 v3, v2;
	v3 =	vmul.f32 v4, v48;
	v4 =	vld.idx.msk [tilespmem:v49+s12+$0x0], $0xffff  }
0x1c6: {  	v54 =	vld.idx.msk [tilespmem:v6+s11+$0x0], $0xffff  }
0x1c7: {  	v2 =	vadd.f32 v3, v2;
	v3 =	vmul.f32 v5, v50;
	v5 =	vld.idx.msk [tilespmem:v6+s12+$0x0], $0xffff;
	v6 =	vor.u32 $0x15, v1  }
0x1c8: {  	v55 =	vld.idx.msk [tilespmem:v8+s11+$0x0], $0xffff  }
0x1c9: {  	v2 =	vadd.f32 v3, v2;
	v3 =	vmul.f32 v7, v51;
	v7 =	vld.idx.msk [tilespmem:v8+s12+$0x0], $0xffff;
	v8 =	vor.u32 $0x16, v1  }
0x1ca: {  	v56 =	vld.idx.msk [tilespmem:v53+s11+$0x0], $0xffff  }
0x1cb: {  	v57 =	vor.u32 $0x17, v1;
	v2 =	vadd.f32 v3, v2;
	v3 =	vmul.f32 v4, v52;
	v4 =	vld.idx.msk [tilespmem:v53+s12+$0x0], $0xffff  }
0x1cc: {  	v58 =	vld.idx.msk [tilespmem:v6+s11+$0x0], $0xffff  }
0x1cd: {  	v2 =	vadd.f32 v3, v2;
	v3 =	vmul.f32 v5, v54;
	v5 =	vld.idx.msk [tilespmem:v6+s12+$0x0], $0xffff;
	v6 =	vor.u32 $0x18, v1  }
0x1ce: {  	v59 =	vld.idx.msk [tilespmem:v8+s11+$0x0], $0xffff  }
0x1cf: {  	v2 =	vadd.f32 v3, v2;
	v3 =	vmul.f32 v7, v55;
	v7 =	vld.idx.msk [tilespmem:v8+s12+$0x0], $0xffff;
	v8 =	vor.u32 $0x19, v1  }
0x1d0: {  	v60 =	vld.idx.msk [tilespmem:v57+s11+$0x0], $0xffff  }
0x1d1: {  	v61 =	vor.u32 $0x1A, v1;
	v2 =	vadd.f32 v3, v2;
	v3 =	vmul.f32 v4, v56;
	v4 =	vld.idx.msk [tilespmem:v57+s12+$0x0], $0xffff  }
0x1d2: {  	v62 =	vld.idx.msk [tilespmem:v6+s11+$0x0], $0xffff  }
0x1d3: {  	v2 =	vadd.f32 v3, v2;
	v3 =	vmul.f32 v5, v58;
	v5 =	vld.idx.msk [tilespmem:v6+s12+$0x0], $0xffff;
	v6 =	vor.u32 $0x1B, v1  }
0x1d4: {  	v63 =	vld.idx.msk [tilespmem:v8+s11+$0x0], $0xffff  }
0x1d5: {  	v2 =	vadd.f32 v3, v2;
	v3 =	vmul.f32 v7, v59;
	v7 =	vld.idx.msk [tilespmem:v8+s12+$0x0], $0xffff;
	v8 =	vor.u32 $0x1C, v1  }
0x1d6: {  	v16 =	vld.idx.msk [tilespmem:v61+s11+$0x0], $0xffff  }
0x1d7: {  	v17 =	vor.u32 $0x1D, v1;
	v2 =	vadd.f32 v3, v2;
	v3 =	vmul.f32 v4, v60;
	v4 =	vld.idx.msk [tilespmem:v61+s12+$0x0], $0xffff  }
0x1d8: {  	v18 =	vld.idx.msk [tilespmem:v6+s11+$0x0], $0xffff  }
0x1d9: {  	v2 =	vadd.f32 v3, v2;
	v3 =	vmul.f32 v5, v62;
	v5 =	vld.idx.msk [tilespmem:v6+s12+$0x0], $0xffff;
	v6 =	vor.u32 $0x1E, v1  }
0x1da: {  	v19 =	vld.idx.msk [tilespmem:v8+s11+$0x0], $0xffff  }
0x1db: {  	v2 =	vadd.f32 v3, v2;
	v3 =	vmul.f32 v7, v63;
	v7 =	vld.idx.msk [tilespmem:v8+s12+$0x0], $0xffff;
	v8 =	vor.u32 $0x1F, v1  }
0x1dc: {  	v20 =	vld.idx.msk [tilespmem:v17+s11+$0x0], $0xffff  }
0x1dd: {  	v21 =	vor.u32 $0x20, v1;
	v2 =	vadd.f32 v3, v2;
	v3 =	vmul.f32 v4, v16;
	v4 =	vld.idx.msk [tilespmem:v17+s12+$0x0], $0xffff  }
0x1de: {  	v22 =	vld.idx.msk [tilespmem:v6+s11+$0x0], $0xffff  }
0x1df: {  	v2 =	vadd.f32 v3, v2;
	v3 =	vmul.f32 v5, v18;
	v5 =	vld.idx.msk [tilespmem:v6+s12+$0x0], $0xffff;
	v6 =	vor.u32 $0x21, v1  }
0x1e0: {  	v23 =	vld.idx.msk [tilespmem:v8+s11+$0x0], $0xffff  }
0x1e1: {  	v2 =	vadd.f32 v3, v2;
	v3 =	vmul.f32 v7, v19;
	v7 =	vld.idx.msk [tilespmem:v8+s12+$0x0], $0xffff;
	v8 =	vor.u32 $0x22, v1  }
0x1e2: {  	v24 =	vld.idx.msk [tilespmem:v21+s11+$0x0], $0xffff  }
0x1e3: {  	v25 =	vor.u32 $0x23, v1;
	v2 =	vadd.f32 v3, v2;
	v3 =	vmul.f32 v4, v20;
	v4 =	vld.idx.msk [tilespmem:v21+s12+$0x0], $0xffff  }
0x1e4: {  	v26 =	vld.idx.msk [tilespmem:v6+s11+$0x0], $0xffff  }
0x1e5: {  	v2 =	vadd.f32 v3, v2;
	v3 =	vmul.f32 v5, v22;
	v5 =	vld.idx.msk [tilespmem:v6+s12+$0x0], $0xffff;
	v6 =	vor.u32 $0x24, v1  }
0x1e6: {  	v27 =	vld.idx.msk [tilespmem:v8+s11+$0x0], $0xffff  }
0x1e7: {  	v2 =	vadd.f32 v3, v2;
	v3 =	vmul.f32 v7, v23;
	v7 =	vld.idx.msk [tilespmem:v8+s12+$0x0], $0xffff;
	v8 =	vor.u32 $0x25, v1  }
0x1e8: {  	v28 =	vld.idx.msk [tilespmem:v25+s11+$0x0], $0xffff  }
0x1e9: {  	v29 =	vor.u32 $0x26, v1;
	v2 =	vadd.f32 v3, v2;
	v3 =	vmul.f32 v4, v24;
	v4 =	vld.idx.msk [tilespmem:v25+s12+$0x0], $0xffff  }
0x1ea: {  	v30 =	vld.idx.msk [tilespmem:v6+s11+$0x0], $0xffff  }
0x1eb: {  	v2 =	vadd.f32 v3, v2;
	v3 =	vmul.f32 v5, v26;
	v5 =	vld.idx.msk [tilespmem:v6+s12+$0x0], $0xffff;
	v6 =	vor.u32 $0x27, v1  }
0x1ec: {  	v31 =	vld.idx.msk [tilespmem:v8+s11+$0x0], $0xffff  }
0x1ed: {  	v2 =	vadd.f32 v3, v2;
	v3 =	vmul.f32 v7, v27;
	v7 =	vld.idx.msk [tilespmem:v8+s12+$0x0], $0xffff;
	v8 =	vor.u32 $0x28, v1  }
0x1ee: {  	v32 =	vld.idx.msk [tilespmem:v29+s11+$0x0], $0xffff  }
0x1ef: {  	v33 =	vor.u32 $0x29, v1;
	v2 =	vadd.f32 v3, v2;
	v3 =	vmul.f32 v4, v28;
	v4 =	vld.idx.msk [tilespmem:v29+s12+$0x0], $0xffff  }
0x1f0: {  	v34 =	vld.idx.msk [tilespmem:v6+s11+$0x0], $0xffff  }
0x1f1: {  	v2 =	vadd.f32 v3, v2;
	v3 =	vmul.f32 v5, v30;
	v5 =	vld.idx.msk [tilespmem:v6+s12+$0x0], $0xffff;
	v6 =	vor.u32 $0x2A, v1  }
0x1f2: {  	v35 =	vld.idx.msk [tilespmem:v8+s11+$0x0], $0xffff  }
0x1f3: {  	v2 =	vadd.f32 v3, v2;
	v3 =	vmul.f32 v7, v31;
	v7 =	vld.idx.msk [tilespmem:v8+s12+$0x0], $0xffff;
	v8 =	vor.u32 $0x2B, v1  }
0x1f4: {  	v36 =	vld.idx.msk [tilespmem:v33+s11+$0x0], $0xffff  }
0x1f5: {  	v37 =	vor.u32 $0x2C, v1;
	v2 =	vadd.f32 v3, v2;
	v3 =	vmul.f32 v4, v32;
	v4 =	vld.idx.msk [tilespmem:v33+s12+$0x0], $0xffff  }
0x1f6: {  	v38 =	vld.idx.msk [tilespmem:v6+s11+$0x0], $0xffff  }
0x1f7: {  	v2 =	vadd.f32 v3, v2;
	v3 =	vmul.f32 v5, v34;
	v5 =	vld.idx.msk [tilespmem:v6+s12+$0x0], $0xffff;
	v6 =	vor.u32 $0x2D, v1  }
0x1f8: {  	v39 =	vld.idx.msk [tilespmem:v8+s11+$0x0], $0xffff  }
0x1f9: {  	v2 =	vadd.f32 v3, v2;
	v3 =	vmul.f32 v7, v35;
	v7 =	vld.idx.msk [tilespmem:v8+s12+$0x0], $0xffff;
	v8 =	vor.u32 $0x2E, v1  }
0x1fa: {  	v40 =	vld.idx.msk [tilespmem:v37+s11+$0x0], $0xffff  }
0x1fb: {  	v41 =	vor.u32 $0x2F, v1;
	v2 =	vadd.f32 v3, v2;
	v3 =	vmul.f32 v4, v36;
	v4 =	vld.idx.msk [tilespmem:v37+s12+$0x0], $0xffff  }
0x1fc: {  	v42 =	vld.idx.msk [tilespmem:v6+s11+$0x0], $0xffff  }
0x1fd: {  	v2 =	vadd.f32 v3, v2;
	v3 =	vmul.f32 v5, v38;
	v5 =	vld.idx.msk [tilespmem:v6+s12+$0x0], $0xffff;
	v6 =	vor.u32 $0x30, v1  }
0x1fe: {  	v43 =	vld.idx.msk [tilespmem:v8+s11+$0x0], $0xffff  }
0x1ff: {  	v2 =	vadd.f32 v3, v2;
	v3 =	vmul.f32 v7, v39;
	v7 =	vld.idx.msk [tilespmem:v8+s12+$0x0], $0xffff;
	v8 =	vor.u32 $0x31, v1  }
0x200: {  	v44 =	vld.idx.msk [tilespmem:v41+s11+$0x0], $0xffff  }
0x201: {  	v45 =	vor.u32 $0x32, v1;
	v2 =	vadd.f32 v3, v2;
	v3 =	vmul.f32 v4, v40;
	v4 =	vld.idx.msk [tilespmem:v41+s12+$0x0], $0xffff  }
0x202: {  	v46 =	vld.idx.msk [tilespmem:v6+s11+$0x0], $0xffff  }
0x203: {  	v2 =	vadd.f32 v3, v2;
	v3 =	vmul.f32 v5, v42;
	v5 =	vld.idx.msk [tilespmem:v6+s12+$0x0], $0xffff;
	v6 =	vor.u32 $0x33, v1  }
0x204: {  	v47 =	vld.idx.msk [tilespmem:v8+s11+$0x0], $0xffff  }
0x205: {  	v2 =	vadd.f32 v3, v2;
	v3 =	vmul.f32 v7, v43;
	v7 =	vld.idx.msk [tilespmem:v8+s12+$0x0], $0xffff;
	v8 =	vor.u32 $0x34, v1  }
0x206: {  	v48 =	vld.idx.msk [tilespmem:v45+s11+$0x0], $0xffff  }
0x207: {  	v49 =	vor.u32 $0x35, v1;
	v2 =	vadd.f32 v3, v2;
	v3 =	vmul.f32 v4, v44;
	v4 =	vld.idx.msk [tilespmem:v45+s12+$0x0], $0xffff  }
0x208: {  	v50 =	vld.idx.msk [tilespmem:v6+s11+$0x0], $0xffff  }
0x209: {  	v2 =	vadd.f32 v3, v2;
	v3 =	vmul.f32 v5, v46;
	v5 =	vld.idx.msk [tilespmem:v6+s12+$0x0], $0xffff;
	v6 =	vor.u32 $0x36, v1  }
0x20a: {  	v51 =	vld.idx.msk [tilespmem:v8+s11+$0x0], $0xffff  }
0x20b: {  	v2 =	vadd.f32 v3, v2;
	v3 =	vmul.f32 v7, v47;
	v7 =	vld.idx.msk [tilespmem:v8+s12+$0x0], $0xffff;
	v8 =	vor.u32 $0x37, v1  }
0x20c: {  	v52 =	vld.idx.msk [tilespmem:v49+s11+$0x0], $0xffff  }
0x20d: {  	v53 =	vor.u32 $0x38, v1;
	v2 =	vadd.f32 v3, v2;
	v3 =	vmul.f32 v4, v48;
	v4 =	vld.idx.msk [tilespmem:v49+s12+$0x0], $0xffff  }
0x20e: {  	v54 =	vld.idx.msk [tilespmem:v6+s11+$0x0], $0xffff  }
0x20f: {  	v2 =	vadd.f32 v3, v2;
	v3 =	vmul.f32 v5, v50;
	v5 =	vld.idx.msk [tilespmem:v6+s12+$0x0], $0xffff;
	v6 =	vor.u32 $0x39, v1  }
0x210: {  	v55 =	vld.idx.msk [tilespmem:v8+s11+$0x0], $0xffff  }
0x211: {  	v2 =	vadd.f32 v3, v2;
	v3 =	vmul.f32 v7, v51;
	v7 =	vld.idx.msk [tilespmem:v8+s12+$0x0], $0xffff;
	v8 =	vor.u32 $0x3A, v1  }
0x212: {  	v56 =	vld.idx.msk [tilespmem:v53+s11+$0x0], $0xffff  }
0x213: {  	v57 =	vor.u32 $0x3B, v1;
	v2 =	vadd.f32 v3, v2;
	v3 =	vmul.f32 v4, v52;
	v4 =	vld.idx.msk [tilespmem:v53+s12+$0x0], $0xffff  }
0x214: {  	v58 =	vld.idx.msk [tilespmem:v6+s11+$0x0], $0xffff  }
0x215: {  	v2 =	vadd.f32 v3, v2;
	v3 =	vmul.f32 v5, v54;
	v5 =	vld.idx.msk [tilespmem:v6+s12+$0x0], $0xffff;
	v6 =	vor.u32 $0x3C, v1  }
0x216: {  	v59 =	vld.idx.msk [tilespmem:v8+s11+$0x0], $0xffff  }
0x217: {  	v2 =	vadd.f32 v3, v2;
	v3 =	vmul.f32 v7, v55;
	v7 =	vld.idx.msk [tilespmem:v8+s12+$0x0], $0xffff;
	v8 =	vor.u32 $0x3D, v1  }
0x218: {  	v60 =	vld.idx.msk [tilespmem:v57+s11+$0x0], $0xffff  }
0x219: {  	v2 =	vadd.f32 v3, v2;
	v3 =	vmul.f32 v4, v56;
	v4 =	vld.idx.msk [tilespmem:v57+s12+$0x0], $0xffff  }
0x21a: {  	v62 =	vld.idx.msk [tilespmem:v6+s11+$0x0], $0xffff  }
0x21b: {  	v61 =	vor.u32 $0x3E, v1;
	v2 =	vadd.f32 v3, v2;
	v3 =	vmul.f32 v5, v58;
	v5 =	vld.idx.msk [tilespmem:v6+s12+$0x0], $0xffff  }
0x21c: {  	v6 =	vld.idx.msk [tilespmem:v8+s11+$0x0], $0xffff  }
0x21d: {  	v2 =	vadd.f32 v3, v2;
	v3 =	vmul.f32 v7, v59;
	v7 =	vld.idx.msk [tilespmem:v8+s12+$0x0], $0xffff;
	v8 =	vor.u32 $0x3F, v1;
	_ =	sdelay $0x2  }
0x21e: {  	v63 =	vld.idx.msk [tilespmem:v61+s11+$0x0], $0xffff;
	v1 =	vadd.f32 v3, v2;
	v2 =	vmul.f32 v4, v60  }
0x21f: {  	v9 =	vld.idx.msk [tilespmem:v61+s12+$0x0], $0xffff  }
0x220: {  	v1 =	vadd.f32 v2, v1;
	v2 =	vmul.f32 v5, v62;
	v3 =	vld.idx.msk [tilespmem:v8+s11+$0x0], $0xffff  }
0x221: {  	v4 =	vld.idx.msk [tilespmem:v8+s12+$0x0], $0xffff  }
0x222: {  	v5 =	vmul.f32 v7, v6;
	v2 =	vadd.f32 v2, v1  }
0x223: {  	s22 =	sadd.s32 $0x10, s20  }
0x224: {  	s2 =	sadd.s32 $0x1, s2;
	v7 =	vmov s22;
	v6 =	vmul.f32 v9, v63;
	v5 =	vadd.f32 v5, v2  }
0x225: {  	s21 =	simm.s32 $0x0;
	s23 =	simm.s32 $0x80;
	s20 =	simm.s32 $0x40;
	v1 =	vmov s1;
	v2 =	vshll.u32 v7, $0x7  }
.LBB2_10:
0x226: {  	p2 =	seq.s32 s23, $0x1C0;
	v2 =	vor.u32 v0, v2;
	v5 =	vadd.f32 v6, v5;
	v3 =	vmul.f32 v4, v3;
	_ =	sdelay $0x1  }
0x227: {  	v4 =	vor.u32 $0x1, v2;
	v3 =	vadd.f32 v3, v5  }
0x228: {  	s0 =	sshra.s32 s21, $0x2;
	s21 =	smov.u32 s20;
	s20 =	smov.u32 s23  }
0x229: {  	v5 =	vor.u32 $0x2, v2;
	[tilespmem:v1+s0+$0x0 ss:$0x1] =	vst.idx.msk $0xffff, v3  }
0x22a: {  	v3 =	vld.idx.msk [tilespmem:v2+s12+$0x0], $0xffff  }
0x22b: {  	v7 =	vor.u32 $0x3, v2;
	v6 =	vld.idx.msk [tilespmem:v2+s11+$0x0], $0xffff  }
0x22c: {  	v8 =	vld.idx.msk [tilespmem:v4+s11+$0x0], $0xffff  }
0x22d: {  	v9 =	vor.u32 $0x4, v2;
	v4 =	vld.idx.msk [tilespmem:v4+s12+$0x0], $0xffff  }
0x22e: {  	v10 =	vld.idx.msk [tilespmem:v5+s11+$0x0], $0xffff  }
0x22f: {  	v11 =	vor.u32 $0x5, v2;
	v5 =	vld.idx.msk [tilespmem:v5+s12+$0x0], $0xffff  }
0x230: {  	v12 =	vld.idx.msk [tilespmem:v7+s11+$0x0], $0xffff  }
0x231: {  	v3 =	vmul.f32 v3, v6;
	v6 =	vld.idx.msk [tilespmem:v7+s12+$0x0], $0xffff;
	v7 =	vor.u32 $0x6, v2  }
0x232: {  	v13 =	vld.idx.msk [tilespmem:v9+s11+$0x0], $0xffff  }
0x233: {  	v3 =	vadd.f32 $0.0e+00, v3;
	v4 =	vmul.f32 v4, v8;
	v8 =	vld.idx.msk [tilespmem:v9+s12+$0x0], $0xffff;
	v9 =	vor.u32 $0x7, v2  }
0x234: {  	v14 =	vld.idx.msk [tilespmem:v11+s11+$0x0], $0xffff  }
0x235: {  	v3 =	vadd.f32 v4, v3;
	v4 =	vmul.f32 v5, v10;
	v10 =	vor.u32 $0x8, v2;
	v5 =	vld.idx.msk [tilespmem:v11+s12+$0x0], $0xffff  }
0x236: {  	v11 =	vld.idx.msk [tilespmem:v7+s11+$0x0], $0xffff  }
0x237: {  	v3 =	vadd.f32 v4, v3;
	v4 =	vmul.f32 v6, v12;
	v6 =	vld.idx.msk [tilespmem:v7+s12+$0x0], $0xffff;
	v7 =	vor.u32 $0x9, v2  }
0x238: {  	v12 =	vld.idx.msk [tilespmem:v9+s11+$0x0], $0xffff  }
0x239: {  	v3 =	vadd.f32 v4, v3;
	v4 =	vmul.f32 v8, v13;
	v8 =	vld.idx.msk [tilespmem:v9+s12+$0x0], $0xffff;
	v9 =	vor.u32 $0xA, v2  }
0x23a: {  	v13 =	vld.idx.msk [tilespmem:v10+s11+$0x0], $0xffff  }
0x23b: {  	v3 =	vadd.f32 v4, v3;
	v4 =	vmul.f32 v5, v14;
	v5 =	vld.idx.msk [tilespmem:v10+s12+$0x0], $0xffff;
	v10 =	vor.u32 $0xB, v2  }
0x23c: {  	v14 =	vld.idx.msk [tilespmem:v7+s11+$0x0], $0xffff  }
0x23d: {  	v3 =	vadd.f32 v4, v3;
	v4 =	vmul.f32 v6, v11;
	v6 =	vld.idx.msk [tilespmem:v7+s12+$0x0], $0xffff;
	v7 =	vor.u32 $0xC, v2  }
0x23e: {  	v11 =	vld.idx.msk [tilespmem:v9+s11+$0x0], $0xffff  }
0x23f: {  	v3 =	vadd.f32 v4, v3;
	v4 =	vmul.f32 v8, v12;
	v8 =	vld.idx.msk [tilespmem:v9+s12+$0x0], $0xffff;
	v9 =	vor.u32 $0xD, v2  }
0x240: {  	v12 =	vld.idx.msk [tilespmem:v10+s11+$0x0], $0xffff  }
0x241: {  	v3 =	vadd.f32 v4, v3;
	v4 =	vmul.f32 v5, v13;
	v5 =	vld.idx.msk [tilespmem:v10+s12+$0x0], $0xffff;
	v10 =	vor.u32 $0xE, v2  }
0x242: {  	v13 =	vld.idx.msk [tilespmem:v7+s11+$0x0], $0xffff  }
0x243: {  	v3 =	vadd.f32 v4, v3;
	v4 =	vmul.f32 v6, v14;
	v6 =	vld.idx.msk [tilespmem:v7+s12+$0x0], $0xffff;
	v7 =	vor.u32 $0xF, v2  }
0x244: {  	v14 =	vld.idx.msk [tilespmem:v9+s11+$0x0], $0xffff  }
0x245: {  	v3 =	vadd.f32 v4, v3;
	v4 =	vmul.f32 v8, v11;
	v8 =	vld.idx.msk [tilespmem:v9+s12+$0x0], $0xffff;
	v9 =	vor.u32 $0x10, v2  }
0x246: {  	v11 =	vld.idx.msk [tilespmem:v10+s11+$0x0], $0xffff  }
0x247: {  	v3 =	vadd.f32 v4, v3;
	v4 =	vmul.f32 v5, v12;
	v5 =	vld.idx.msk [tilespmem:v10+s12+$0x0], $0xffff;
	v10 =	vor.u32 $0x11, v2  }
0x248: {  	v12 =	vld.idx.msk [tilespmem:v7+s11+$0x0], $0xffff  }
0x249: {  	v3 =	vadd.f32 v4, v3;
	v4 =	vmul.f32 v6, v13;
	v6 =	vld.idx.msk [tilespmem:v7+s12+$0x0], $0xffff;
	v7 =	vor.u32 $0x12, v2  }
0x24a: {  	v13 =	vld.idx.msk [tilespmem:v9+s11+$0x0], $0xffff  }
0x24b: {  	v3 =	vadd.f32 v4, v3;
	v4 =	vmul.f32 v8, v14;
	v8 =	vld.idx.msk [tilespmem:v9+s12+$0x0], $0xffff;
	v9 =	vor.u32 $0x13, v2  }
0x24c: {  	v14 =	vld.idx.msk [tilespmem:v10+s11+$0x0], $0xffff  }
0x24d: {  	v3 =	vadd.f32 v4, v3;
	v4 =	vmul.f32 v5, v11;
	v5 =	vld.idx.msk [tilespmem:v10+s12+$0x0], $0xffff;
	v10 =	vor.u32 $0x14, v2  }
0x24e: {  	v11 =	vld.idx.msk [tilespmem:v7+s11+$0x0], $0xffff  }
0x24f: {  	v3 =	vadd.f32 v4, v3;
	v4 =	vmul.f32 v6, v12;
	v6 =	vld.idx.msk [tilespmem:v7+s12+$0x0], $0xffff;
	v7 =	vor.u32 $0x15, v2  }
0x250: {  	v12 =	vld.idx.msk [tilespmem:v9+s11+$0x0], $0xffff  }
0x251: {  	v3 =	vadd.f32 v4, v3;
	v4 =	vmul.f32 v8, v13;
	v8 =	vld.idx.msk [tilespmem:v9+s12+$0x0], $0xffff;
	v9 =	vor.u32 $0x16, v2  }
0x252: {  	v13 =	vld.idx.msk [tilespmem:v10+s11+$0x0], $0xffff  }
0x253: {  	v3 =	vadd.f32 v4, v3;
	v4 =	vmul.f32 v5, v14;
	v5 =	vld.idx.msk [tilespmem:v10+s12+$0x0], $0xffff;
	v10 =	vor.u32 $0x17, v2  }
0x254: {  	v14 =	vld.idx.msk [tilespmem:v7+s11+$0x0], $0xffff  }
0x255: {  	v3 =	vadd.f32 v4, v3;
	v4 =	vmul.f32 v6, v11;
	v6 =	vld.idx.msk [tilespmem:v7+s12+$0x0], $0xffff;
	v7 =	vor.u32 $0x18, v2  }
0x256: {  	v11 =	vld.idx.msk [tilespmem:v9+s11+$0x0], $0xffff  }
0x257: {  	v3 =	vadd.f32 v4, v3;
	v4 =	vmul.f32 v8, v12;
	v8 =	vld.idx.msk [tilespmem:v9+s12+$0x0], $0xffff;
	v9 =	vor.u32 $0x19, v2  }
0x258: {  	v12 =	vld.idx.msk [tilespmem:v10+s11+$0x0], $0xffff  }
0x259: {  	v3 =	vadd.f32 v4, v3;
	v4 =	vmul.f32 v5, v13;
	v5 =	vld.idx.msk [tilespmem:v10+s12+$0x0], $0xffff;
	v10 =	vor.u32 $0x1A, v2  }
0x25a: {  	v13 =	vld.idx.msk [tilespmem:v7+s11+$0x0], $0xffff  }
0x25b: {  	v3 =	vadd.f32 v4, v3;
	v4 =	vmul.f32 v6, v14;
	v6 =	vld.idx.msk [tilespmem:v7+s12+$0x0], $0xffff;
	v7 =	vor.u32 $0x1B, v2  }
0x25c: {  	v14 =	vld.idx.msk [tilespmem:v9+s11+$0x0], $0xffff  }
0x25d: {  	v3 =	vadd.f32 v4, v3;
	v4 =	vmul.f32 v8, v11;
	v8 =	vld.idx.msk [tilespmem:v9+s12+$0x0], $0xffff;
	v9 =	vor.u32 $0x1C, v2  }
0x25e: {  	v11 =	vld.idx.msk [tilespmem:v10+s11+$0x0], $0xffff  }
0x25f: {  	v3 =	vadd.f32 v4, v3;
	v4 =	vmul.f32 v5, v12;
	v5 =	vld.idx.msk [tilespmem:v10+s12+$0x0], $0xffff;
	v10 =	vor.u32 $0x1D, v2  }
0x260: {  	v12 =	vld.idx.msk [tilespmem:v7+s11+$0x0], $0xffff  }
0x261: {  	v3 =	vadd.f32 v4, v3;
	v4 =	vmul.f32 v6, v13;
	v6 =	vld.idx.msk [tilespmem:v7+s12+$0x0], $0xffff;
	v7 =	vor.u32 $0x1E, v2  }
0x262: {  	v13 =	vld.idx.msk [tilespmem:v9+s11+$0x0], $0xffff  }
0x263: {  	v3 =	vadd.f32 v4, v3;
	v4 =	vmul.f32 v8, v14;
	v8 =	vld.idx.msk [tilespmem:v9+s12+$0x0], $0xffff;
	v9 =	vor.u32 $0x1F, v2  }
0x264: {  	v14 =	vld.idx.msk [tilespmem:v10+s11+$0x0], $0xffff  }
0x265: {  	v3 =	vadd.f32 v4, v3;
	v4 =	vmul.f32 v5, v11;
	v5 =	vld.idx.msk [tilespmem:v10+s12+$0x0], $0xffff;
	v10 =	vor.u32 $0x20, v2  }
0x266: {  	v11 =	vld.idx.msk [tilespmem:v7+s11+$0x0], $0xffff  }
0x267: {  	v3 =	vadd.f32 v4, v3;
	v4 =	vmul.f32 v6, v12;
	v6 =	vld.idx.msk [tilespmem:v7+s12+$0x0], $0xffff;
	v7 =	vor.u32 $0x21, v2  }
0x268: {  	v12 =	vld.idx.msk [tilespmem:v9+s11+$0x0], $0xffff  }
0x269: {  	v3 =	vadd.f32 v4, v3;
	v4 =	vmul.f32 v8, v13;
	v8 =	vld.idx.msk [tilespmem:v9+s12+$0x0], $0xffff;
	v9 =	vor.u32 $0x22, v2  }
0x26a: {  	v13 =	vld.idx.msk [tilespmem:v10+s11+$0x0], $0xffff  }
0x26b: {  	v3 =	vadd.f32 v4, v3;
	v4 =	vmul.f32 v5, v14;
	v5 =	vld.idx.msk [tilespmem:v10+s12+$0x0], $0xffff;
	v10 =	vor.u32 $0x23, v2  }
0x26c: {  	v14 =	vld.idx.msk [tilespmem:v7+s11+$0x0], $0xffff  }
0x26d: {  	v3 =	vadd.f32 v4, v3;
	v4 =	vmul.f32 v6, v11;
	v6 =	vld.idx.msk [tilespmem:v7+s12+$0x0], $0xffff;
	v7 =	vor.u32 $0x24, v2  }
0x26e: {  	v11 =	vld.idx.msk [tilespmem:v9+s11+$0x0], $0xffff  }
0x26f: {  	v3 =	vadd.f32 v4, v3;
	v4 =	vmul.f32 v8, v12;
	v8 =	vld.idx.msk [tilespmem:v9+s12+$0x0], $0xffff;
	v9 =	vor.u32 $0x25, v2  }
0x270: {  	v12 =	vld.idx.msk [tilespmem:v10+s11+$0x0], $0xffff  }
0x271: {  	v3 =	vadd.f32 v4, v3;
	v4 =	vmul.f32 v5, v13;
	v5 =	vld.idx.msk [tilespmem:v10+s12+$0x0], $0xffff;
	v10 =	vor.u32 $0x26, v2  }
0x272: {  	v13 =	vld.idx.msk [tilespmem:v7+s11+$0x0], $0xffff  }
0x273: {  	v3 =	vadd.f32 v4, v3;
	v4 =	vmul.f32 v6, v14;
	v6 =	vld.idx.msk [tilespmem:v7+s12+$0x0], $0xffff;
	v7 =	vor.u32 $0x27, v2  }
0x274: {  	v14 =	vld.idx.msk [tilespmem:v9+s11+$0x0], $0xffff  }
0x275: {  	v3 =	vadd.f32 v4, v3;
	v4 =	vmul.f32 v8, v11;
	v8 =	vld.idx.msk [tilespmem:v9+s12+$0x0], $0xffff;
	v9 =	vor.u32 $0x28, v2  }
0x276: {  	v11 =	vld.idx.msk [tilespmem:v10+s11+$0x0], $0xffff  }
0x277: {  	v3 =	vadd.f32 v4, v3;
	v4 =	vmul.f32 v5, v12;
	v5 =	vld.idx.msk [tilespmem:v10+s12+$0x0], $0xffff;
	v10 =	vor.u32 $0x29, v2  }
0x278: {  	v12 =	vld.idx.msk [tilespmem:v7+s11+$0x0], $0xffff  }
0x279: {  	v3 =	vadd.f32 v4, v3;
	v4 =	vmul.f32 v6, v13;
	v6 =	vld.idx.msk [tilespmem:v7+s12+$0x0], $0xffff;
	v7 =	vor.u32 $0x2A, v2  }
0x27a: {  	v13 =	vld.idx.msk [tilespmem:v9+s11+$0x0], $0xffff  }
0x27b: {  	v3 =	vadd.f32 v4, v3;
	v4 =	vmul.f32 v8, v14;
	v8 =	vld.idx.msk [tilespmem:v9+s12+$0x0], $0xffff;
	v9 =	vor.u32 $0x2B, v2  }
0x27c: {  	v14 =	vld.idx.msk [tilespmem:v10+s11+$0x0], $0xffff  }
0x27d: {  	v3 =	vadd.f32 v4, v3;
	v4 =	vmul.f32 v5, v11;
	v5 =	vld.idx.msk [tilespmem:v10+s12+$0x0], $0xffff;
	v10 =	vor.u32 $0x2C, v2  }
0x27e: {  	v11 =	vld.idx.msk [tilespmem:v7+s11+$0x0], $0xffff  }
0x27f: {  	v3 =	vadd.f32 v4, v3;
	v4 =	vmul.f32 v6, v12;
	v6 =	vld.idx.msk [tilespmem:v7+s12+$0x0], $0xffff;
	v7 =	vor.u32 $0x2D, v2  }
0x280: {  	v12 =	vld.idx.msk [tilespmem:v9+s11+$0x0], $0xffff  }
0x281: {  	v3 =	vadd.f32 v4, v3;
	v4 =	vmul.f32 v8, v13;
	v8 =	vld.idx.msk [tilespmem:v9+s12+$0x0], $0xffff;
	v9 =	vor.u32 $0x2E, v2  }
0x282: {  	v13 =	vld.idx.msk [tilespmem:v10+s11+$0x0], $0xffff  }
0x283: {  	v3 =	vadd.f32 v4, v3;
	v4 =	vmul.f32 v5, v14;
	v5 =	vld.idx.msk [tilespmem:v10+s12+$0x0], $0xffff;
	v10 =	vor.u32 $0x2F, v2  }
0x284: {  	v14 =	vld.idx.msk [tilespmem:v7+s11+$0x0], $0xffff  }
0x285: {  	v3 =	vadd.f32 v4, v3;
	v4 =	vmul.f32 v6, v11;
	v6 =	vld.idx.msk [tilespmem:v7+s12+$0x0], $0xffff;
	v7 =	vor.u32 $0x30, v2  }
0x286: {  	v11 =	vld.idx.msk [tilespmem:v9+s11+$0x0], $0xffff  }
0x287: {  	v3 =	vadd.f32 v4, v3;
	v4 =	vmul.f32 v8, v12;
	v8 =	vld.idx.msk [tilespmem:v9+s12+$0x0], $0xffff;
	v9 =	vor.u32 $0x31, v2  }
0x288: {  	v12 =	vld.idx.msk [tilespmem:v10+s11+$0x0], $0xffff  }
0x289: {  	v3 =	vadd.f32 v4, v3;
	v4 =	vmul.f32 v5, v13;
	v5 =	vld.idx.msk [tilespmem:v10+s12+$0x0], $0xffff;
	v10 =	vor.u32 $0x32, v2  }
0x28a: {  	v13 =	vld.idx.msk [tilespmem:v7+s11+$0x0], $0xffff  }
0x28b: {  	v3 =	vadd.f32 v4, v3;
	v4 =	vmul.f32 v6, v14;
	v6 =	vld.idx.msk [tilespmem:v7+s12+$0x0], $0xffff;
	v7 =	vor.u32 $0x33, v2  }
0x28c: {  	v14 =	vld.idx.msk [tilespmem:v9+s11+$0x0], $0xffff  }
0x28d: {  	v3 =	vadd.f32 v4, v3;
	v4 =	vmul.f32 v8, v11;
	v8 =	vld.idx.msk [tilespmem:v9+s12+$0x0], $0xffff;
	v9 =	vor.u32 $0x34, v2  }
0x28e: {  	v11 =	vld.idx.msk [tilespmem:v10+s11+$0x0], $0xffff  }
0x28f: {  	v3 =	vadd.f32 v4, v3;
	v4 =	vmul.f32 v5, v12;
	v5 =	vld.idx.msk [tilespmem:v10+s12+$0x0], $0xffff;
	v10 =	vor.u32 $0x35, v2  }
0x290: {  	v12 =	vld.idx.msk [tilespmem:v7+s11+$0x0], $0xffff  }
0x291: {  	v3 =	vadd.f32 v4, v3;
	v4 =	vmul.f32 v6, v13;
	v6 =	vld.idx.msk [tilespmem:v7+s12+$0x0], $0xffff;
	v7 =	vor.u32 $0x36, v2  }
0x292: {  	v13 =	vld.idx.msk [tilespmem:v9+s11+$0x0], $0xffff  }
0x293: {  	v3 =	vadd.f32 v4, v3;
	v4 =	vmul.f32 v8, v14;
	v8 =	vld.idx.msk [tilespmem:v9+s12+$0x0], $0xffff;
	v9 =	vor.u32 $0x37, v2  }
0x294: {  	v14 =	vld.idx.msk [tilespmem:v10+s11+$0x0], $0xffff  }
0x295: {  	v3 =	vadd.f32 v4, v3;
	v4 =	vmul.f32 v5, v11;
	v5 =	vld.idx.msk [tilespmem:v10+s12+$0x0], $0xffff;
	v10 =	vor.u32 $0x38, v2  }
0x296: {  	v11 =	vld.idx.msk [tilespmem:v7+s11+$0x0], $0xffff  }
0x297: {  	v3 =	vadd.f32 v4, v3;
	v4 =	vmul.f32 v6, v12;
	v6 =	vld.idx.msk [tilespmem:v7+s12+$0x0], $0xffff;
	v7 =	vor.u32 $0x39, v2  }
0x298: {  	v12 =	vld.idx.msk [tilespmem:v9+s11+$0x0], $0xffff  }
0x299: {  	v3 =	vadd.f32 v4, v3;
	v4 =	vmul.f32 v8, v13;
	v8 =	vld.idx.msk [tilespmem:v9+s12+$0x0], $0xffff;
	v9 =	vor.u32 $0x3A, v2  }
0x29a: {  	v13 =	vld.idx.msk [tilespmem:v10+s11+$0x0], $0xffff  }
0x29b: {  	v3 =	vadd.f32 v4, v3;
	v4 =	vmul.f32 v5, v14;
	v5 =	vld.idx.msk [tilespmem:v10+s12+$0x0], $0xffff;
	v10 =	vor.u32 $0x3B, v2  }
0x29c: {  	v14 =	vld.idx.msk [tilespmem:v7+s11+$0x0], $0xffff  }
0x29d: {  	v3 =	vadd.f32 v4, v3;
	v4 =	vmul.f32 v6, v11;
	v6 =	vld.idx.msk [tilespmem:v7+s12+$0x0], $0xffff;
	v7 =	vor.u32 $0x3C, v2  }
0x29e: {  	v11 =	vld.idx.msk [tilespmem:v9+s11+$0x0], $0xffff  }
0x29f: {  	v3 =	vadd.f32 v4, v3;
	v4 =	vmul.f32 v8, v12;
	v8 =	vld.idx.msk [tilespmem:v9+s12+$0x0], $0xffff;
	v9 =	vor.u32 $0x3D, v2  }
0x2a0: {  	v12 =	vld.idx.msk [tilespmem:v10+s11+$0x0], $0xffff  }
0x2a1: {  	v3 =	vadd.f32 v4, v3;
	v4 =	vmul.f32 v5, v13;
	v5 =	vld.idx.msk [tilespmem:v10+s12+$0x0], $0xffff;
	v10 =	vor.u32 $0x3E, v2  }
0x2a2: {  	v13 =	vld.idx.msk [tilespmem:v7+s11+$0x0], $0xffff  }
0x2a3: {  	v2 =	vor.u32 $0x3F, v2;
	v3 =	vadd.f32 v4, v3;
	v4 =	vmul.f32 v6, v14;
	v6 =	vld.idx.msk [tilespmem:v7+s12+$0x0], $0xffff  }
0x2a4: {  	v7 =	vld.idx.msk [tilespmem:v9+s11+$0x0], $0xffff  }
0x2a5: {  	v3 =	vadd.f32 v4, v3;
	v4 =	vmul.f32 v8, v11;
	v8 =	vld.idx.msk [tilespmem:v9+s12+$0x0], $0xffff  }
0x2a6: {  	v9 =	vld.idx.msk [tilespmem:v10+s11+$0x0], $0xffff  }
0x2a7: {  	v4 =	vadd.f32 v4, v3;
	v5 =	vmul.f32 v5, v12;
	v10 =	vld.idx.msk [tilespmem:v10+s12+$0x0], $0xffff  }
0x2a8: {  	v3 =	vld.idx.msk [tilespmem:v2+s11+$0x0], $0xffff  }
0x2a9: {  	v5 =	vadd.f32 v5, v4;
	v6 =	vmul.f32 v6, v13;
	v4 =	vld.idx.msk [tilespmem:v2+s12+$0x0], $0xffff  }
.Ltmp5:
0x2aa: {  	(pc) =	sbr.rel @!p2 .LBB2_10-.Ltmp5, $4  }
0x2ab: {  	v2 =	vadd.f32 v6, v5;
	v5 =	vmul.f32 v8, v7  }
0x2ac: {  	s22 =	sadd.s32 $0x10, s22  }
0x2ad: {  	v7 =	vmov s22;
	v5 =	vadd.f32 v5, v2;
	v6 =	vmul.f32 v10, v9  }
0x2ae: {  	s23 =	sadd.s32 $0x40, s23;
	v2 =	vshll.u32 v7, $0x7  }
0x2af: {  	v2 =	vor.u32 v0, v2;
	v5 =	vadd.f32 v6, v5;
	v3 =	vmul.f32 v4, v3;
	_ =	sdelay $0x1  }
0x2b0: {  	v17 =	vor.u32 $0x1, v2;
	v3 =	vadd.f32 v3, v5  }
0x2b1: {  	s0 =	sshra.s32 s21, $0x2  }
0x2b2: {  	v18 =	vor.u32 $0x2, v2;
	[tilespmem:v1+s0+$0x0 ss:$0x1] =	vst.idx.msk $0xffff, v3  }
0x2b3: {  	v3 =	vld.idx.msk [tilespmem:v2+s12+$0x0], $0xffff  }
0x2b4: {  	v7 =	vor.u32 $0x3, v2;
	v19 =	vld.idx.msk [tilespmem:v2+s11+$0x0], $0xffff  }
0x2b5: {  	v8 =	vld.idx.msk [tilespmem:v17+s11+$0x0], $0xffff  }
0x2b6: {  	v9 =	vor.u32 $0x4, v2;
	v4 =	vld.idx.msk [tilespmem:v17+s12+$0x0], $0xffff  }
0x2b7: {  	v10 =	vld.idx.msk [tilespmem:v18+s11+$0x0], $0xffff  }
0x2b8: {  	v11 =	vor.u32 $0x5, v2;
	v5 =	vld.idx.msk [tilespmem:v18+s12+$0x0], $0xffff  }
0x2b9: {  	v12 =	vld.idx.msk [tilespmem:v7+s11+$0x0], $0xffff;
	v3 =	vmul.f32 v3, v19  }
0x2ba: {  	v21 =	vor.u32 $0x6, v2;
	v20 =	vld.idx.msk [tilespmem:v7+s12+$0x0], $0xffff  }
0x2bb: {  	v13 =	vld.idx.msk [tilespmem:v9+s11+$0x0], $0xffff;
	v4 =	vmul.f32 v4, v8;
	v3 =	vadd.f32 $0.0e+00, v3  }
0x2bc: {  	v23 =	vor.u32 $0x7, v2;
	v22 =	vld.idx.msk [tilespmem:v9+s12+$0x0], $0xffff  }
0x2bd: {  	v14 =	vld.idx.msk [tilespmem:v11+s11+$0x0], $0xffff;
	v24 =	vmul.f32 v5, v10;
	v3 =	vadd.f32 v4, v3  }
0x2be: {  	v26 =	vor.u32 $0x8, v2;
	v25 =	vld.idx.msk [tilespmem:v11+s12+$0x0], $0xffff  }
0x2bf: {  	v27 =	vld.idx.msk [tilespmem:v21+s11+$0x0], $0xffff;
	v28 =	vmul.f32 v20, v12;
	v3 =	vadd.f32 v24, v3  }
0x2c0: {  	v30 =	vor.u32 $0x9, v2;
	v29 =	vld.idx.msk [tilespmem:v21+s12+$0x0], $0xffff  }
0x2c1: {  	v31 =	vld.idx.msk [tilespmem:v23+s11+$0x0], $0xffff;
	v32 =	vmul.f32 v22, v13;
	v3 =	vadd.f32 v28, v3  }
0x2c2: {  	v34 =	vor.u32 $0xA, v2;
	v33 =	vld.idx.msk [tilespmem:v23+s12+$0x0], $0xffff  }
0x2c3: {  	v35 =	vld.idx.msk [tilespmem:v26+s11+$0x0], $0xffff;
	v36 =	vmul.f32 v25, v14;
	v3 =	vadd.f32 v32, v3  }
0x2c4: {  	v38 =	vor.u32 $0xB, v2;
	v37 =	vld.idx.msk [tilespmem:v26+s12+$0x0], $0xffff  }
0x2c5: {  	v39 =	vld.idx.msk [tilespmem:v30+s11+$0x0], $0xffff;
	v40 =	vmul.f32 v29, v27;
	v3 =	vadd.f32 v36, v3  }
0x2c6: {  	v42 =	vor.u32 $0xC, v2;
	v41 =	vld.idx.msk [tilespmem:v30+s12+$0x0], $0xffff  }
0x2c7: {  	v43 =	vld.idx.msk [tilespmem:v34+s11+$0x0], $0xffff;
	v44 =	vmul.f32 v33, v31;
	v3 =	vadd.f32 v40, v3  }
0x2c8: {  	v46 =	vor.u32 $0xD, v2;
	v45 =	vld.idx.msk [tilespmem:v34+s12+$0x0], $0xffff  }
0x2c9: {  	v47 =	vld.idx.msk [tilespmem:v38+s11+$0x0], $0xffff;
	v48 =	vmul.f32 v37, v35;
	v3 =	vadd.f32 v44, v3  }
0x2ca: {  	v50 =	vor.u32 $0xE, v2;
	v49 =	vld.idx.msk [tilespmem:v38+s12+$0x0], $0xffff  }
0x2cb: {  	v51 =	vld.idx.msk [tilespmem:v42+s11+$0x0], $0xffff;
	v52 =	vmul.f32 v41, v39;
	v3 =	vadd.f32 v48, v3  }
0x2cc: {  	v54 =	vor.u32 $0xF, v2;
	v53 =	vld.idx.msk [tilespmem:v42+s12+$0x0], $0xffff  }
0x2cd: {  	v55 =	vld.idx.msk [tilespmem:v46+s11+$0x0], $0xffff;
	v56 =	vmul.f32 v45, v43;
	v3 =	vadd.f32 v52, v3  }
0x2ce: {  	v58 =	vor.u32 $0x10, v2;
	v57 =	vld.idx.msk [tilespmem:v46+s12+$0x0], $0xffff  }
0x2cf: {  	v59 =	vld.idx.msk [tilespmem:v50+s11+$0x0], $0xffff;
	v60 =	vmul.f32 v49, v47;
	v3 =	vadd.f32 v56, v3  }
0x2d0: {  	v62 =	vor.u32 $0x11, v2;
	v61 =	vld.idx.msk [tilespmem:v50+s12+$0x0], $0xffff  }
0x2d1: {  	v63 =	vld.idx.msk [tilespmem:v54+s11+$0x0], $0xffff;
	v16 =	vmul.f32 v53, v51;
	v3 =	vadd.f32 v60, v3  }
0x2d2: {  	v17 =	vld.idx.msk [tilespmem:v54+s12+$0x0], $0xffff;
	v18 =	vor.u32 $0x12, v2  }
0x2d3: {  	v21 =	vld.idx.msk [tilespmem:v58+s12+$0x0], $0xffff;
	v20 =	vmul.f32 v57, v55;
	v3 =	vadd.f32 v16, v3  }
0x2d4: {  	v19 =	vld.idx.msk [tilespmem:v58+s11+$0x0], $0xffff;
	v22 =	vor.u32 $0x13, v2  }
0x2d5: {  	v23 =	vld.idx.msk [tilespmem:v62+s11+$0x0], $0xffff;
	v24 =	vmul.f32 v61, v59;
	v3 =	vadd.f32 v20, v3  }
0x2d6: {  	v26 =	vor.u32 $0x14, v2;
	v25 =	vld.idx.msk [tilespmem:v62+s12+$0x0], $0xffff  }
0x2d7: {  	v27 =	vld.idx.msk [tilespmem:v18+s11+$0x0], $0xffff;
	v28 =	vmul.f32 v17, v63;
	v3 =	vadd.f32 v24, v3  }
0x2d8: {  	v30 =	vor.u32 $0x15, v2;
	v29 =	vld.idx.msk [tilespmem:v18+s12+$0x0], $0xffff  }
0x2d9: {  	v31 =	vld.idx.msk [tilespmem:v22+s11+$0x0], $0xffff;
	v32 =	vmul.f32 v21, v19;
	v3 =	vadd.f32 v28, v3  }
0x2da: {  	v34 =	vor.u32 $0x16, v2;
	v33 =	vld.idx.msk [tilespmem:v22+s12+$0x0], $0xffff  }
0x2db: {  	v35 =	vld.idx.msk [tilespmem:v26+s11+$0x0], $0xffff;
	v36 =	vmul.f32 v25, v23;
	v3 =	vadd.f32 v32, v3  }
0x2dc: {  	v38 =	vor.u32 $0x17, v2;
	v37 =	vld.idx.msk [tilespmem:v26+s12+$0x0], $0xffff  }
0x2dd: {  	v39 =	vld.idx.msk [tilespmem:v30+s11+$0x0], $0xffff;
	v40 =	vmul.f32 v29, v27;
	v3 =	vadd.f32 v36, v3  }
0x2de: {  	v42 =	vor.u32 $0x18, v2;
	v41 =	vld.idx.msk [tilespmem:v30+s12+$0x0], $0xffff  }
0x2df: {  	v43 =	vld.idx.msk [tilespmem:v34+s11+$0x0], $0xffff;
	v44 =	vmul.f32 v33, v31;
	v3 =	vadd.f32 v40, v3  }
0x2e0: {  	v46 =	vor.u32 $0x19, v2;
	v45 =	vld.idx.msk [tilespmem:v34+s12+$0x0], $0xffff  }
0x2e1: {  	v47 =	vld.idx.msk [tilespmem:v38+s11+$0x0], $0xffff;
	v48 =	vmul.f32 v37, v35;
	v3 =	vadd.f32 v44, v3  }
0x2e2: {  	v50 =	vor.u32 $0x1A, v2;
	v49 =	vld.idx.msk [tilespmem:v38+s12+$0x0], $0xffff  }
0x2e3: {  	v51 =	vld.idx.msk [tilespmem:v42+s11+$0x0], $0xffff;
	v52 =	vmul.f32 v41, v39;
	v3 =	vadd.f32 v48, v3  }
0x2e4: {  	v54 =	vor.u32 $0x1B, v2;
	v53 =	vld.idx.msk [tilespmem:v42+s12+$0x0], $0xffff  }
0x2e5: {  	v55 =	vld.idx.msk [tilespmem:v46+s11+$0x0], $0xffff;
	v56 =	vmul.f32 v45, v43;
	v3 =	vadd.f32 v52, v3  }
0x2e6: {  	v58 =	vor.u32 $0x1C, v2;
	v57 =	vld.idx.msk [tilespmem:v46+s12+$0x0], $0xffff  }
0x2e7: {  	v59 =	vld.idx.msk [tilespmem:v50+s11+$0x0], $0xffff;
	v60 =	vmul.f32 v49, v47;
	v3 =	vadd.f32 v56, v3  }
0x2e8: {  	v62 =	vor.u32 $0x1D, v2;
	v61 =	vld.idx.msk [tilespmem:v50+s12+$0x0], $0xffff  }
0x2e9: {  	v63 =	vld.idx.msk [tilespmem:v54+s11+$0x0], $0xffff;
	v16 =	vmul.f32 v53, v51;
	v3 =	vadd.f32 v60, v3  }
0x2ea: {  	v18 =	vor.u32 $0x1E, v2;
	v17 =	vld.idx.msk [tilespmem:v54+s12+$0x0], $0xffff  }
0x2eb: {  	v19 =	vld.idx.msk [tilespmem:v58+s11+$0x0], $0xffff;
	v20 =	vmul.f32 v57, v55;
	v3 =	vadd.f32 v16, v3  }
0x2ec: {  	v22 =	vor.u32 $0x1F, v2;
	v21 =	vld.idx.msk [tilespmem:v58+s12+$0x0], $0xffff  }
0x2ed: {  	v23 =	vld.idx.msk [tilespmem:v62+s11+$0x0], $0xffff;
	v24 =	vmul.f32 v61, v59;
	v3 =	vadd.f32 v20, v3  }
0x2ee: {  	v26 =	vor.u32 $0x20, v2;
	v25 =	vld.idx.msk [tilespmem:v62+s12+$0x0], $0xffff  }
0x2ef: {  	v27 =	vld.idx.msk [tilespmem:v18+s11+$0x0], $0xffff;
	v28 =	vmul.f32 v17, v63;
	v3 =	vadd.f32 v24, v3  }
0x2f0: {  	v30 =	vor.u32 $0x21, v2;
	v29 =	vld.idx.msk [tilespmem:v18+s12+$0x0], $0xffff  }
0x2f1: {  	v31 =	vld.idx.msk [tilespmem:v22+s11+$0x0], $0xffff;
	v32 =	vmul.f32 v21, v19;
	v3 =	vadd.f32 v28, v3  }
0x2f2: {  	v34 =	vor.u32 $0x22, v2;
	v33 =	vld.idx.msk [tilespmem:v22+s12+$0x0], $0xffff  }
0x2f3: {  	v35 =	vld.idx.msk [tilespmem:v26+s11+$0x0], $0xffff;
	v36 =	vmul.f32 v25, v23;
	v3 =	vadd.f32 v32, v3  }
0x2f4: {  	v38 =	vor.u32 $0x23, v2;
	v37 =	vld.idx.msk [tilespmem:v26+s12+$0x0], $0xffff  }
0x2f5: {  	v39 =	vld.idx.msk [tilespmem:v30+s11+$0x0], $0xffff;
	v40 =	vmul.f32 v29, v27;
	v3 =	vadd.f32 v36, v3  }
0x2f6: {  	v42 =	vor.u32 $0x24, v2;
	v41 =	vld.idx.msk [tilespmem:v30+s12+$0x0], $0xffff  }
0x2f7: {  	v43 =	vld.idx.msk [tilespmem:v34+s11+$0x0], $0xffff;
	v44 =	vmul.f32 v33, v31;
	v3 =	vadd.f32 v40, v3  }
0x2f8: {  	v46 =	vor.u32 $0x25, v2;
	v45 =	vld.idx.msk [tilespmem:v34+s12+$0x0], $0xffff  }
0x2f9: {  	v47 =	vld.idx.msk [tilespmem:v38+s11+$0x0], $0xffff;
	v48 =	vmul.f32 v37, v35;
	v3 =	vadd.f32 v44, v3  }
0x2fa: {  	v50 =	vor.u32 $0x26, v2;
	v49 =	vld.idx.msk [tilespmem:v38+s12+$0x0], $0xffff  }
0x2fb: {  	v51 =	vld.idx.msk [tilespmem:v42+s11+$0x0], $0xffff;
	v52 =	vmul.f32 v41, v39;
	v3 =	vadd.f32 v48, v3  }
0x2fc: {  	v54 =	vor.u32 $0x27, v2;
	v53 =	vld.idx.msk [tilespmem:v42+s12+$0x0], $0xffff  }
0x2fd: {  	v55 =	vld.idx.msk [tilespmem:v46+s11+$0x0], $0xffff;
	v56 =	vmul.f32 v45, v43;
	v3 =	vadd.f32 v52, v3  }
0x2fe: {  	v58 =	vor.u32 $0x28, v2;
	v57 =	vld.idx.msk [tilespmem:v46+s12+$0x0], $0xffff  }
0x2ff: {  	v59 =	vld.idx.msk [tilespmem:v50+s11+$0x0], $0xffff;
	v60 =	vmul.f32 v49, v47;
	v3 =	vadd.f32 v56, v3  }
0x300: {  	v62 =	vor.u32 $0x29, v2;
	v61 =	vld.idx.msk [tilespmem:v50+s12+$0x0], $0xffff  }
0x301: {  	v63 =	vld.idx.msk [tilespmem:v54+s11+$0x0], $0xffff;
	v16 =	vmul.f32 v53, v51;
	v3 =	vadd.f32 v60, v3  }
0x302: {  	v18 =	vor.u32 $0x2A, v2;
	v17 =	vld.idx.msk [tilespmem:v54+s12+$0x0], $0xffff  }
0x303: {  	v19 =	vld.idx.msk [tilespmem:v58+s11+$0x0], $0xffff;
	v20 =	vmul.f32 v57, v55;
	v3 =	vadd.f32 v16, v3  }
0x304: {  	v22 =	vor.u32 $0x2B, v2;
	v21 =	vld.idx.msk [tilespmem:v58+s12+$0x0], $0xffff  }
0x305: {  	v23 =	vld.idx.msk [tilespmem:v62+s11+$0x0], $0xffff;
	v24 =	vmul.f32 v61, v59;
	v3 =	vadd.f32 v20, v3  }
0x306: {  	v26 =	vor.u32 $0x2C, v2;
	v25 =	vld.idx.msk [tilespmem:v62+s12+$0x0], $0xffff  }
0x307: {  	v27 =	vld.idx.msk [tilespmem:v18+s11+$0x0], $0xffff;
	v28 =	vmul.f32 v17, v63;
	v3 =	vadd.f32 v24, v3  }
0x308: {  	v30 =	vor.u32 $0x2D, v2;
	v29 =	vld.idx.msk [tilespmem:v18+s12+$0x0], $0xffff  }
0x309: {  	v31 =	vld.idx.msk [tilespmem:v22+s11+$0x0], $0xffff;
	v32 =	vmul.f32 v21, v19;
	v3 =	vadd.f32 v28, v3  }
0x30a: {  	v34 =	vor.u32 $0x2E, v2;
	v33 =	vld.idx.msk [tilespmem:v22+s12+$0x0], $0xffff  }
0x30b: {  	v35 =	vld.idx.msk [tilespmem:v26+s11+$0x0], $0xffff;
	v36 =	vmul.f32 v25, v23;
	v3 =	vadd.f32 v32, v3  }
0x30c: {  	v38 =	vor.u32 $0x2F, v2;
	v37 =	vld.idx.msk [tilespmem:v26+s12+$0x0], $0xffff  }
0x30d: {  	v39 =	vld.idx.msk [tilespmem:v30+s11+$0x0], $0xffff;
	v40 =	vmul.f32 v29, v27;
	v3 =	vadd.f32 v36, v3  }
0x30e: {  	v42 =	vor.u32 $0x30, v2;
	v41 =	vld.idx.msk [tilespmem:v30+s12+$0x0], $0xffff  }
0x30f: {  	v43 =	vld.idx.msk [tilespmem:v34+s11+$0x0], $0xffff;
	v44 =	vmul.f32 v33, v31;
	v3 =	vadd.f32 v40, v3  }
0x310: {  	v46 =	vor.u32 $0x31, v2;
	v45 =	vld.idx.msk [tilespmem:v34+s12+$0x0], $0xffff  }
0x311: {  	v47 =	vld.idx.msk [tilespmem:v38+s11+$0x0], $0xffff;
	v48 =	vmul.f32 v37, v35;
	v3 =	vadd.f32 v44, v3  }
0x312: {  	v50 =	vor.u32 $0x32, v2;
	v49 =	vld.idx.msk [tilespmem:v38+s12+$0x0], $0xffff  }
0x313: {  	v51 =	vld.idx.msk [tilespmem:v42+s11+$0x0], $0xffff;
	v52 =	vmul.f32 v41, v39;
	v3 =	vadd.f32 v48, v3  }
0x314: {  	v54 =	vor.u32 $0x33, v2;
	v53 =	vld.idx.msk [tilespmem:v42+s12+$0x0], $0xffff  }
0x315: {  	v55 =	vld.idx.msk [tilespmem:v46+s11+$0x0], $0xffff;
	v56 =	vmul.f32 v45, v43;
	v3 =	vadd.f32 v52, v3  }
0x316: {  	v58 =	vor.u32 $0x34, v2;
	v57 =	vld.idx.msk [tilespmem:v46+s12+$0x0], $0xffff  }
0x317: {  	v59 =	vld.idx.msk [tilespmem:v50+s11+$0x0], $0xffff;
	v60 =	vmul.f32 v49, v47;
	v3 =	vadd.f32 v56, v3  }
0x318: {  	v62 =	vor.u32 $0x35, v2;
	v61 =	vld.idx.msk [tilespmem:v50+s12+$0x0], $0xffff  }
0x319: {  	v63 =	vld.idx.msk [tilespmem:v54+s11+$0x0], $0xffff;
	v16 =	vmul.f32 v53, v51;
	v3 =	vadd.f32 v60, v3  }
0x31a: {  	v18 =	vor.u32 $0x36, v2;
	v17 =	vld.idx.msk [tilespmem:v54+s12+$0x0], $0xffff  }
0x31b: {  	v19 =	vld.idx.msk [tilespmem:v58+s11+$0x0], $0xffff;
	v20 =	vmul.f32 v57, v55;
	v3 =	vadd.f32 v16, v3  }
0x31c: {  	v22 =	vor.u32 $0x37, v2;
	v21 =	vld.idx.msk [tilespmem:v58+s12+$0x0], $0xffff  }
0x31d: {  	v23 =	vld.idx.msk [tilespmem:v62+s11+$0x0], $0xffff;
	v24 =	vmul.f32 v61, v59;
	v3 =	vadd.f32 v20, v3  }
0x31e: {  	v26 =	vor.u32 $0x38, v2;
	v25 =	vld.idx.msk [tilespmem:v62+s12+$0x0], $0xffff  }
0x31f: {  	v27 =	vld.idx.msk [tilespmem:v18+s11+$0x0], $0xffff;
	v28 =	vmul.f32 v17, v63;
	v3 =	vadd.f32 v24, v3  }
0x320: {  	v30 =	vor.u32 $0x39, v2;
	v29 =	vld.idx.msk [tilespmem:v18+s12+$0x0], $0xffff  }
0x321: {  	v31 =	vld.idx.msk [tilespmem:v22+s11+$0x0], $0xffff;
	v32 =	vmul.f32 v21, v19;
	v3 =	vadd.f32 v28, v3  }
0x322: {  	v34 =	vor.u32 $0x3A, v2;
	v33 =	vld.idx.msk [tilespmem:v22+s12+$0x0], $0xffff  }
0x323: {  	v35 =	vld.idx.msk [tilespmem:v26+s11+$0x0], $0xffff;
	v36 =	vmul.f32 v25, v23;
	v3 =	vadd.f32 v32, v3  }
0x324: {  	v38 =	vor.u32 $0x3B, v2;
	v37 =	vld.idx.msk [tilespmem:v26+s12+$0x0], $0xffff  }
0x325: {  	v39 =	vld.idx.msk [tilespmem:v30+s11+$0x0], $0xffff;
	v40 =	vmul.f32 v29, v27;
	v3 =	vadd.f32 v36, v3  }
0x326: {  	v42 =	vor.u32 $0x3C, v2;
	v41 =	vld.idx.msk [tilespmem:v30+s12+$0x0], $0xffff  }
0x327: {  	v43 =	vld.idx.msk [tilespmem:v34+s11+$0x0], $0xffff;
	v44 =	vmul.f32 v33, v31;
	v3 =	vadd.f32 v40, v3  }
0x328: {  	v46 =	vor.u32 $0x3D, v2;
	v45 =	vld.idx.msk [tilespmem:v34+s12+$0x0], $0xffff  }
0x329: {  	v47 =	vld.idx.msk [tilespmem:v38+s11+$0x0], $0xffff;
	v48 =	vmul.f32 v37, v35;
	v3 =	vadd.f32 v44, v3  }
0x32a: {  	v50 =	vor.u32 $0x3E, v2;
	v49 =	vld.idx.msk [tilespmem:v38+s12+$0x0], $0xffff  }
0x32b: {  	v51 =	vld.idx.msk [tilespmem:v42+s11+$0x0], $0xffff;
	v52 =	vmul.f32 v41, v39;
	v3 =	vadd.f32 v48, v3  }
0x32c: {  	v2 =	vor.u32 $0x3F, v2;
	v53 =	vld.idx.msk [tilespmem:v42+s12+$0x0], $0xffff  }
0x32d: {  	v54 =	vld.idx.msk [tilespmem:v46+s11+$0x0], $0xffff;
	v55 =	vmul.f32 v45, v43;
	v3 =	vadd.f32 v52, v3  }
0x32e: {  	v56 =	vld.idx.msk [tilespmem:v46+s12+$0x0], $0xffff  }
0x32f: {  	v57 =	vld.idx.msk [tilespmem:v50+s11+$0x0], $0xffff;
	v58 =	vmul.f32 v49, v47;
	v3 =	vadd.f32 v55, v3  }
0x330: {  	v59 =	vld.idx.msk [tilespmem:v50+s12+$0x0], $0xffff  }
0x331: {  	v61 =	vmul.f32 v53, v51;
	v60 =	vld.idx.msk [tilespmem:v2+s11+$0x0], $0xffff;
	v3 =	vadd.f32 v58, v3  }
0x332: {  	v2 =	vld.idx.msk [tilespmem:v2+s12+$0x0], $0xffff  }
0x333: {  	v62 =	vmul.f32 v56, v54;
	v3 =	vadd.f32 v61, v3;
	_ =	sdelay $0x1  }
0x334: {  	v63 =	vmul.f32 v59, v57;
	v3 =	vadd.f32 v62, v3;
	_ =	sdelay $0x1  }
0x335: {  	v2 =	vmul.f32 v2, v60;
	v3 =	vadd.f32 v63, v3;
	_ =	sdelay $0x1  }
0x336: {  	v2 =	vadd.f32 v2, v3  }
0x337: {  	s31 =	sshra.s32 s20, $0x2  }
0x338: {  	[tilespmem:v1+s31+$0x0 ss:$0x1] =	vst.idx.msk $0xffff, v2  }
0x339: {  	p2 =	seq.s32 s2, $0x4  }
.Ltmp6:
0x33a: {  	_ = 	snop;
	(pc) =	sbr.rel @!p2 .LBB2_5-.Ltmp6, $3  }
0x33b: {  	_ =	sdelay $0x1  }
0x33c: {  	p0 =	por !p0, !p0;
	s8 =	sadd.s32 $0x80, s8  }
0x33d: {  	s4 =	sadd.s32 $0x80, s4;
	s1 =	sadd.s32 $0x80, s1;
	p1 =	por !p1, !p1  }
0x33e: {  	s0 =	rddreg [dreg:$0x1b];
	s1 =	simm.s32 $0x10400;
	s2 =	simm.s32 $0x2  }
0x33f: {  	[hbm4b:s0+s13] =	stream.linear.scatter [tilespmem:s1], [sflag:$0x2], $0x200, $0x38;
	[tilespmem:$0x10600] =	vst v63  }
0x340: {  	_ =	swait.ge [sflag:s2], $0x200  }
0x341: {  	s30 =	rddreg [dreg:$0x1d]  }
0x342: {  	s31 =	rddreg [dreg:$0x1c];
	s1 =	sadd.s32 $0x1, s30  }
0x343: {  	p0 =	sne.s32 s1, s31  }
.Ltmp7:
0x344: {  	_ = 	snop;
	(pc) =	sbr.rel @p0 .LBB2_1-.Ltmp7, $3  }
0x345: {  	_ =	sdelay $0x1  }
0x346: {  	[sflag:s2] =	ssyncset.done $0x0  }
0x347: {  	[sflag:s2] =	ssyncadd.s32 $0xFFFFFE00  }
0x348: {  	_ =	sfence.sel $0x180000  }
0x349: {  	[bflag:$0x0] =	sbarrier.arrive $0xFFFF  }
0x34a: {  	_ =	strace $0x90000047  }
0x34b: {  	s0 =	stileid.u32;
	[bflag:$0x2] =	sbarrier.arrive $0xFFFF  }
0x34c: {  	p0 =	sne.s32 s0, $0x0;
	s0 =	rddreg [dreg:$0x4]  }
0x34d: {  	s0 =	sadd.s32 @!p0 $0x100000, s0  }
0x34e: {  	[sflag:s0] =	ssyncadd.tile.s32 @!p0 $0x1;
	_ =	shalt  }
.Lfunc_end2:
_tile_overlayer_lowered:
.L_overlay_start_2:
0x34f: {  	(tag) =	ssettag $0x2  }
0x350: {  	s0 =	rddreg [dreg:$0x0];
	s2 =	stileid.u32  }
0x351: {  	s1 =	rddreg [dreg:$0x1];
	p0 =	sne.s32 s2, $0x0  }
0x352: {  	s3 =	rddreg [dreg:$0x2];
	[bflag:$0x3] =	sbarrier.arrive $0xFFFF;
	s2 =	simm.s32 @!p0 $0x1C02  }
0x353: {  	[timem:s3], [sflag:s2] =	dma.local @!p0 [hbm:s0], s1  }
0x354: {  	s0 =	simm.s32 @!p0 $0x2  }
0x355: {  	_ =	swait.ge @!p0 [sflag:s0], s1  }
0x356: {  	s1 =	ssub.s32 @!p0 $0x0, s1;
	[sflag:s0] =	ssyncset.done @!p0 $0x0  }
0x357: {  	[sflag:s0] =	ssyncadd.s32 @!p0 s1  }
0x358: {  	[bflag:$0x3] =	sbarrier.arrive $0xFFFF  }
0x359: {  	_ =	shalt  }

</sc_bundles>
